<compile_context>
chip_gen: v7x
topology: tpu7x:2x2x1
jax: 0.10.2.dev20260603
libtpu: 0.0.44.dev20260713+nightly
codegen_flags: <defaults>
</compile_context>

<pallas_src>
import functools

import jax
import jax.numpy as jnp
from jax import lax
from jax.experimental import pallas as pl
from jax.experimental.pallas import tpu as pltpu
from jax.experimental.pallas import tpu_sc as plsc

N = 10000
E = 320000
D = 128
NC = 2
NS = 16
NW = NC * NS
CH = 80
CPT = 125
EPT = CPT * CH
PCH = 80
NPAD = 10240
RPT = NPAD // NS


def _make_sc_kernel(with_deg):
  mesh = plsc.VectorSubcoreMesh(core_axis_name="c", subcore_axis_name="s")
  agg_ty = jax.ShapeDtypeStruct((NC, NS, RPT, D), jnp.float32)
  out_type = (agg_ty, agg_ty) if with_deg else agg_ty
  NB = 3
  scratch = (
      [pltpu.VMEM((CH,), jnp.int32) for _ in range(NB)] +
      [pltpu.VMEM((CH,), jnp.int32) for _ in range(NB)] +
      [pltpu.VMEM((CH, D), jnp.float32) for _ in range(NB)] +
      [pltpu.VMEM_SHARED((NPAD, D), jnp.float32)] +
      [pltpu.SemaphoreType.DMA for _ in range(3 * NB)]
  )

  @functools.partial(pl.kernel, mesh=mesh, out_type=out_type,
                     scratch_types=scratch)
  def body(x_hbm, src_hbm, dst_hbm, zagg_hbm, ones_hbm, *rest):
    if with_deg:
      out_agg, out_deg, *rest = rest
    else:
      out_deg = None
      out_agg, *rest = rest
    srcs = rest[0:NB]
    dsts = rest[NB:2 * NB]
    rows = rest[2 * NB:3 * NB]
    agg_sh = rest[3 * NB]
    sems = rest[3 * NB + 1:3 * NB + 1 + NB]
    ssems = rest[3 * NB + 1 + NB:3 * NB + 1 + 2 * NB]
    dsems = rest[3 * NB + 1 + 2 * NB:3 * NB + 1 + 3 * NB]
    rows_v0, rows_v1 = rows[0], rows[1]
    c = lax.axis_index("c")
    s = lax.axis_index("s")
    tid = c * NS + s
    stripe = s * RPT
    base = tid * EPT

    def chunk_off(i):
      return pl.multiple_of(base + i * CH, 8)

    def zero_phase():
      pltpu.sync_copy(zagg_hbm, rows_v0)

      @pl.loop(0, RPT // PCH)
      def zstep(j):
        pltpu.async_copy(rows_v0.at[pl.ds(0, PCH)],
                         agg_sh.at[pl.ds(stripe + j * PCH, PCH)], sems[2])

      @pl.loop(0, RPT // PCH)
      def zwait(j):
        pltpu.make_async_copy(
            rows_v0.at[pl.ds(0, PCH)],
            agg_sh.at[pl.ds(stripe, PCH)], sems[2]).wait()

    def publish_phase(out):
      @pl.loop(0, RPT // (2 * PCH))
      def pstep(j):
        pltpu.sync_copy(agg_sh.at[pl.ds(stripe + (2 * j) * PCH, PCH)],
                        rows_v0.at[pl.ds(0, PCH)])
        pltpu.async_copy(rows_v0.at[pl.ds(0, PCH)],
                         out.at[c, s, pl.ds((2 * j) * PCH, PCH)], sems[0])
        pltpu.sync_copy(agg_sh.at[pl.ds(stripe + (2 * j + 1) * PCH, PCH)],
                        rows_v1.at[pl.ds(0, PCH)])
        pltpu.async_copy(rows_v1.at[pl.ds(0, PCH)],
                         out.at[c, s, pl.ds((2 * j + 1) * PCH, PCH)],
                         sems[1])
        pltpu.make_async_copy(
            rows_v0.at[pl.ds(0, PCH)],
            out.at[c, s, pl.ds((2 * j) * PCH, PCH)], sems[0]).wait()
        pltpu.make_async_copy(
            rows_v1.at[pl.ds(0, PCH)],
            out.at[c, s, pl.ds((2 * j + 1) * PCH, PCH)], sems[1]).wait()

    def prefetch(i, b):
      i = jnp.where(i < CPT, i, 0)
      off = chunk_off(i)
      pltpu.async_copy(dst_hbm.at[pl.ds(off, CH)], dsts[b], dsems[b])
      pltpu.async_copy(src_hbm.at[pl.ds(off, CH)], srcs[b], ssems[b])

    def fire(b):
      pltpu.make_async_copy(src_hbm.at[pl.ds(0, CH)], srcs[b],
                            ssems[b]).wait()
      pltpu.async_copy(x_hbm.at[srcs[b]], rows[b], sems[b])

    def drain(b):
      pltpu.make_async_copy(x_hbm.at[srcs[b]], rows[b], sems[b]).wait()
      pltpu.make_async_copy(dst_hbm.at[pl.ds(0, CH)], dsts[b],
                            dsems[b]).wait()
      pltpu.sync_copy(rows[b], agg_sh.at[dsts[b]], add=True)

    zero_phase()
    plsc.subcore_barrier()
    prefetch(0, 0)
    prefetch(1, 1)
    fire(0)
    fire(1)
    prefetch(2, 2)

    @pl.loop(0, CPT - 2, step=3)
    def step(i):
      fire(2)
      drain(0)
      prefetch(i + 3, 0)
      drain(1)
      prefetch(i + 4, 1)
      fire(0)
      drain(2)
      prefetch(i + 5, 2)
      fire(1)

    drain(0)
    drain(1)
    pltpu.make_async_copy(src_hbm.at[pl.ds(0, CH)], srcs[2], ssems[2]).wait()
    pltpu.make_async_copy(dst_hbm.at[pl.ds(0, CH)], dsts[2], dsems[2]).wait()
    plsc.subcore_barrier()
    publish_phase(out_agg)

    if with_deg:
      plsc.subcore_barrier()
      zero_phase()
      pltpu.sync_copy(ones_hbm, rows_v0)

      def dfetch(i, b):
        pltpu.async_copy(dst_hbm.at[pl.ds(chunk_off(i), CH)], dsts[b],
                         sems[b])

      def ddrain(b):
        pltpu.make_async_copy(dst_hbm.at[pl.ds(0, CH)], dsts[b],
                              sems[b]).wait()
        pltpu.sync_copy(rows_v0, agg_sh.at[dsts[b]], add=True)

      plsc.subcore_barrier()
      dfetch(0, 0)
      dfetch(1, 1)

      @pl.loop(0, CPT - 2, step=3)
      def dstep(i):
        dfetch(i + 2, 2)
        ddrain(0)
        dfetch(i + 3, 0)
        ddrain(1)
        dfetch(i + 4, 1)
        ddrain(2)

      ddrain(0)
      ddrain(1)
      plsc.subcore_barrier()
      publish_phase(out_deg)

  return body


_sc_agg_deg = _make_sc_kernel(True)
_sc_agg = _make_sc_kernel(False)


def _tc_combine(p_agg, p_deg, x, W, b2d, Wr):
  BN = 1024

  def body(pa_ref, pd_ref, x_ref, w_ref, b_ref, wr_ref, o_ref):
    agg = pa_ref[0] + pa_ref[1]
    deg = pd_ref[0, :, :1] + pd_ref[1, :, :1]
    agg = agg * (1.0 / jnp.maximum(deg, 1.0))
    h = jnp.dot(agg, w_ref[...], preferred_element_type=jnp.float32)
    h = h + b_ref[...]
    r = jnp.dot(x_ref[...], wr_ref[...], preferred_element_type=jnp.float32)
    o_ref[...] = jnp.maximum(h, 0.0) + r

  return pl.pallas_call(
      body,
      grid=(NPAD // BN,),
      in_specs=[
          pl.BlockSpec((NC, BN, D), lambda i: (0, i, 0)),
          pl.BlockSpec((NC, BN, D), lambda i: (0, i, 0)),
          pl.BlockSpec((BN, D), lambda i: (i, 0)),
          pl.BlockSpec((D, D), lambda i: (0, 0)),
          pl.BlockSpec((1, D), lambda i: (0, 0)),
          pl.BlockSpec((D, D), lambda i: (0, 0)),
      ],
      out_specs=pl.BlockSpec((BN, D), lambda i: (i, 0)),
      out_shape=jax.ShapeDtypeStruct((NPAD, D), jnp.float32),
  )(p_agg, p_deg, x, W, b2d, Wr)


def kernel(x, edge_index, W1, b1, Wr1, W2, b2, Wr2):
  ept_real = E // NW
  e0 = edge_index[0].astype(jnp.int32).reshape(NW, ept_real)
  e1 = edge_index[1].astype(jnp.int32).reshape(NW, ept_real)
  pad_dst = N + (jnp.arange(EPT - ept_real, dtype=jnp.int32) % (NPAD - N))
  src = jnp.concatenate(
      [e0, jnp.zeros((NW, EPT - ept_real), jnp.int32)], axis=1).reshape(-1)
  dst = jnp.concatenate(
      [e1, jnp.broadcast_to(pad_dst, (NW, EPT - ept_real))], axis=1
  ).reshape(-1)
  zagg = jnp.zeros((CH, D), jnp.float32)
  ones_blk = jnp.ones((CH, D), jnp.float32)
  xp = jnp.zeros((NPAD, D), jnp.float32).at[:N].set(x)

  pa1, pdeg = _sc_agg_deg(xp, src, dst, zagg, ones_blk)
  pa1 = pa1.reshape(NC, NPAD, D)
  pdeg = pdeg.reshape(NC, NPAD, D)
  h = _tc_combine(pa1, pdeg, xp, W1, b1.reshape(1, D), Wr1)
  pa2 = _sc_agg(h, src, dst, zagg, ones_blk).reshape(NC, NPAD, D)
  out = _tc_combine(pa2, pdeg, h, W2, b2.reshape(1, D), Wr2)
  return out[:N]

# --- scband reference (transcript-rebuilt; emitter-appended) ---
"""Pipeline reference for scband-foreground-net-61349312856406 (READ-ONLY COPY).

The authoritative reference and input builder live on the scoring server;
editing this copy changes nothing except your own understanding.
"""

import jax, jax.numpy as jnp
import numpy as np

N = 10000
E = 320000
D = 128


def setup_inputs(seed: int = 0) -> dict:
    key = jax.random.key(seed)
    ks = jax.random.split(key, 8)
    x = jax.random.normal(ks[0], (N, D), dtype=jnp.float32)
    edge_index = jax.random.randint(ks[1], (2, E), 0, N)
    W1 = jax.random.normal(ks[2], (D, D), dtype=jnp.float32) * 0.05
    b1 = jnp.zeros((D,), dtype=jnp.float32)
    Wr1 = jax.random.normal(ks[3], (D, D), dtype=jnp.float32) * 0.05
    W2 = jax.random.normal(ks[4], (D, D), dtype=jnp.float32) * 0.05
    b2 = jnp.zeros((D,), dtype=jnp.float32)
    Wr2 = jax.random.normal(ks[5], (D, D), dtype=jnp.float32) * 0.05
    return {"x": x, "edge_index": edge_index, "W1": W1, "b1": b1, "Wr1": Wr1, "W2": W2, "b2": b2, "Wr2": Wr2}


def _graph_res(x, edge_index, W, b, Wr):
    # GraphRes (mode='v2'): mean-aggregation message passing + residual projection
    src = edge_index[0]
    dst = edge_index[1]
    msg = jnp.take(x, src, axis=0)                                   # gather [E, D]
    agg = jax.ops.segment_sum(msg, dst, num_segments=N)              # scatter-add [N, D]
    deg = jax.ops.segment_sum(jnp.ones((msg.shape[0],), x.dtype), dst, num_segments=N)
    agg = agg / jnp.maximum(deg, 1.0)[:, None]
    h = agg @ W + b
    return jax.nn.relu(h) + x @ Wr


def reference(x, edge_index, W1, b1, Wr1, W2, b2, Wr2):
    h = _graph_res(x, edge_index, W1, b1, Wr1)
    h = _graph_res(h, edge_index, W2, b2, Wr2)
    # self.drop is identity in eval mode; norm1/norm2/relu are unused in the
    # original forward() as written
    return h

if __name__ == "__main__":
    import jax
    _d = setup_inputs()
    print(jax.jit(kernel)(*tuple(_d.values())))

</pallas_src>

<mosaic_0001>
#map = affine_map<(d0, d1) -> (0, 0)>
#map1 = affine_map<(d0, d1) -> (0)>
#map2 = affine_map<(d0, d1) -> (0, 0, 0, 0)>
module attributes {stable_mosaic.version = 14 : i64} {
  func.func @body(%arg0: i32, %arg1: i32, %arg2: memref<10240x128xf32, #tpu.memory_space<hbm>>, %arg3: memref<320000xi32, #tpu.memory_space<hbm>>, %arg4: memref<320000xi32, #tpu.memory_space<hbm>>, %arg5: memref<80x128xf32, #tpu.memory_space<hbm>>, %arg6: memref<80x128xf32, #tpu.memory_space<hbm>>, %arg7: memref<2x16x640x128xf32, #tpu.memory_space<hbm>>, %arg8: memref<80xi32, #tpu.memory_space<vmem>>, %arg9: memref<80xi32, #tpu.memory_space<vmem>>, %arg10: memref<80xi32, #tpu.memory_space<vmem>>, %arg11: memref<80xi32, #tpu.memory_space<vmem>>, %arg12: memref<80xi32, #tpu.memory_space<vmem>>, %arg13: memref<80xi32, #tpu.memory_space<vmem>>, %arg14: memref<80x128xf32, #tpu.memory_space<vmem>>, %arg15: memref<80x128xf32, #tpu.memory_space<vmem>>, %arg16: memref<80x128xf32, #tpu.memory_space<vmem>>, %arg17: memref<10240x128xf32, #tpu.memory_space<vmem_shared>>, %arg18: memref<!tpu.dma_semaphore, #tpu.memory_space<semaphore_mem>>, %arg19: memref<!tpu.dma_semaphore, #tpu.memory_space<semaphore_mem>>, %arg20: memref<!tpu.dma_semaphore, #tpu.memory_space<semaphore_mem>>, %arg21: memref<!tpu.dma_semaphore, #tpu.memory_space<semaphore_mem>>, %arg22: memref<!tpu.dma_semaphore, #tpu.memory_space<semaphore_mem>>, %arg23: memref<!tpu.dma_semaphore, #tpu.memory_space<semaphore_mem>>, %arg24: memref<!tpu.dma_semaphore, #tpu.memory_space<semaphore_mem>>, %arg25: memref<!tpu.dma_semaphore, #tpu.memory_space<semaphore_mem>>, %arg26: memref<!tpu.dma_semaphore, #tpu.memory_space<semaphore_mem>>) attributes {dimension_semantics = [#tpu.dimension_semantics<core_parallel>, #tpu.dimension_semantics<subcore_parallel>], iteration_bounds = array<i64: 2, 16>, scalar_prefetch = 0 : i64, scratch_operands = 19 : i64, tpu.core_type = #tpu.core_type<sc_vector_subcore>, window_params = [{transform_indices = #map}, {transform_indices = #map1}, {transform_indices = #map1}, {transform_indices = #map}, {transform_indices = #map}, {transform_indices = #map2}]} {
    %mul3A = arith.constant 16 : i32
    %mul3A_0 = arith.muli %arg0, %mul3A : i32
    %add3A = arith.addi %mul3A_0, %arg1 : i32
    %mul3A_1 = arith.constant 640 : i32
    %mul3A_2 = arith.muli %arg1, %mul3A_1 : i32
    %mul3A_3 = arith.constant 10000 : i32
    %mul3A_4 = arith.muli %add3A, %mul3A_3 : i32
    "tpu.region"() ({
      %run_scoped3A = tpu.sem_alloc : memref<!tpu.dma_semaphore, #tpu.memory_space<semaphore_mem>>
      tpu.enqueue_dma source(%arg5 : memref<80x128xf32, #tpu.memory_space<hbm>>) target(%arg14 : memref<80x128xf32, #tpu.memory_space<vmem>>) target_semaphore(%run_scoped3A : memref<!tpu.dma_semaphore, #tpu.memory_space<semaphore_mem>>)
      tpu.wait_dma2 semaphore(%run_scoped3A : memref<!tpu.dma_semaphore, #tpu.memory_space<semaphore_mem>>) src(%arg5 : memref<80x128xf32, #tpu.memory_space<hbm>>) dst(%arg14 : memref<80x128xf32, #tpu.memory_space<vmem>>)
      tpu.yield
    }) : () -> ()
    %scan3A = arith.constant 0 : i32
    %scan3A_5 = arith.constant 8 : i32
    %scan3A_6 = arith.addi %scan3A, %scan3A_5 : i32
    %scan3A_7 = arith.constant 1 : i32
    scf.for %scan3A_92 = %scan3A to %scan3A_6 step %scan3A_7  : i32 {
      %mul3A_93 = arith.constant 1 : i32
      %mul3A_94 = arith.muli %scan3A_92, %mul3A_93 : i32
      %add3A_95 = arith.constant 0 : i32
      %add3A_96 = arith.addi %add3A_95, %mul3A_94 : i32
      %mul3A_97 = arith.constant 80 : i32
      %mul3A_98 = arith.muli %add3A_96, %mul3A_97 : i32
      %add3A_99 = arith.addi %mul3A_2, %mul3A_98 : i32
      %dma_start3A_100 = arith.constant 0 : i32
      %dma_start3A_101 = arith.constant 0 : i32
      %dma_start3A_102 = tpu.memref_slice %arg14[%dma_start3A_100, %dma_start3A_101] : memref<80x128xf32, #tpu.memory_space<vmem>> -> memref<80x128xf32, #tpu.memory_space<vmem>>
      %dma_start3A_103 = arith.constant 0 : i32
      %dma_start3A_104 = tpu.memref_slice %arg17[%add3A_99, %dma_start3A_103] : memref<10240x128xf32, #tpu.memory_space<vmem_shared>> -> memref<80x128xf32, #tpu.memory_space<vmem_shared>>
      %dma_start3A_105 = arith.constant 0 : i32
      %dma_start3A_106 = tpu.memref_slice %arg17[%add3A_99, %dma_start3A_105] : memref<10240x128xf32, #tpu.memory_space<vmem_shared>> -> memref<80x128xf32, #tpu.memory_space<vmem_shared>>
      %dma_start3A_107 = arith.constant 0 : i32
      %dma_start3A_108 = arith.constant 0 : i32
      %dma_start3A_109 = tpu.memref_slice %arg14[%dma_start3A_107, %dma_start3A_108] : memref<80x128xf32, #tpu.memory_space<vmem>> -> memref<80x128xf32, #tpu.memory_space<vmem>>
      tpu.enqueue_dma source(%dma_start3A_109 : memref<80x128xf32, #tpu.memory_space<vmem>>) target(%dma_start3A_106 : memref<80x128xf32, #tpu.memory_space<vmem_shared>>) target_semaphore(%arg20 : memref<!tpu.dma_semaphore, #tpu.memory_space<semaphore_mem>>)
    }
    %scan3A_8 = arith.constant 8 : i32
    %scan3A_9 = arith.constant 0 : i32
    %scan3A_10 = arith.constant 8 : i32
    %scan3A_11 = arith.addi %scan3A_9, %scan3A_10 : i32
    %scan3A_12 = arith.constant 1 : i32
    scf.for %scan3A_92 = %scan3A_9 to %scan3A_11 step %scan3A_12  : i32 {
      %mul3A_93 = arith.constant 1 : i32
      %mul3A_94 = arith.muli %scan3A_92, %mul3A_93 : i32
      %add3A_95 = arith.constant 0 : i32
      %add3A_96 = arith.addi %add3A_95, %mul3A_94 : i32
      %dma_wait3A_97 = arith.constant 0 : i32
      %dma_wait3A_98 = arith.constant 0 : i32
      %dma_wait3A_99 = tpu.memref_slice %arg14[%dma_wait3A_97, %dma_wait3A_98] : memref<80x128xf32, #tpu.memory_space<vmem>> -> memref<80x128xf32, #tpu.memory_space<vmem>>
      %dma_wait3A_100 = arith.constant 0 : i32
      %dma_wait3A_101 = tpu.memref_slice %arg17[%mul3A_2, %dma_wait3A_100] : memref<10240x128xf32, #tpu.memory_space<vmem_shared>> -> memref<80x128xf32, #tpu.memory_space<vmem_shared>>
      %dma_wait3A_102 = arith.constant 0 : i32
      %dma_wait3A_103 = tpu.memref_slice %arg17[%mul3A_2, %dma_wait3A_102] : memref<10240x128xf32, #tpu.memory_space<vmem_shared>> -> memref<80x128xf32, #tpu.memory_space<vmem_shared>>
      %dma_wait3A_104 = arith.constant 0 : i32
      %dma_wait3A_105 = arith.constant 0 : i32
      %dma_wait3A_106 = tpu.memref_slice %arg14[%dma_wait3A_104, %dma_wait3A_105] : memref<80x128xf32, #tpu.memory_space<vmem>> -> memref<80x128xf32, #tpu.memory_space<vmem>>
      tpu.wait_dma2 semaphore(%arg20 : memref<!tpu.dma_semaphore, #tpu.memory_space<semaphore_mem>>) src(%dma_wait3A_106 : memref<80x128xf32, #tpu.memory_space<vmem>>) dst(%dma_wait3A_103 : memref<80x128xf32, #tpu.memory_space<vmem_shared>>)
    }
    %scan3A_13 = arith.constant 8 : i32
    %barrier3A = arith.constant 0 : index
    tpu.barrier barrier_id(%barrier3A)
    %jit3A = arith.constant true
    %jit3A_14 = arith.constant 0 : i32
    %jit3A_15 = arith.constant 0 : i32
    %select_n3A = arith.select %jit3A, %jit3A_14, %jit3A_15 : i32
    %mul3A_16 = arith.constant 80 : i32
    %mul3A_17 = arith.muli %select_n3A, %mul3A_16 : i32
    %add3A_18 = arith.addi %mul3A_4, %mul3A_17 : i32
    %multiple_of3A = tpu.assume_multiple %add3A_18, 8 : i32
    %dma_start3A = tpu.memref_slice %arg4[%multiple_of3A] : memref<320000xi32, #tpu.memory_space<hbm>> -> memref<80xi32, #tpu.memory_space<hbm>>
    %dma_start3A_19 = tpu.memref_slice %arg4[%multiple_of3A] : memref<320000xi32, #tpu.memory_space<hbm>> -> memref<80xi32, #tpu.memory_space<hbm>>
    tpu.enqueue_dma source(%dma_start3A_19 : memref<80xi32, #tpu.memory_space<hbm>>) target(%arg11 : memref<80xi32, #tpu.memory_space<vmem>>) target_semaphore(%arg24 : memref<!tpu.dma_semaphore, #tpu.memory_space<semaphore_mem>>)
    %dma_start3A_20 = tpu.memref_slice %arg3[%multiple_of3A] : memref<320000xi32, #tpu.memory_space<hbm>> -> memref<80xi32, #tpu.memory_space<hbm>>
    %dma_start3A_21 = tpu.memref_slice %arg3[%multiple_of3A] : memref<320000xi32, #tpu.memory_space<hbm>> -> memref<80xi32, #tpu.memory_space<hbm>>
    tpu.enqueue_dma source(%dma_start3A_21 : memref<80xi32, #tpu.memory_space<hbm>>) target(%arg8 : memref<80xi32, #tpu.memory_space<vmem>>) target_semaphore(%arg21 : memref<!tpu.dma_semaphore, #tpu.memory_space<semaphore_mem>>)
    %jit3A_22 = arith.constant true
    %jit3A_23 = arith.constant 1 : i32
    %jit3A_24 = arith.constant 0 : i32
    %select_n3A_25 = arith.select %jit3A_22, %jit3A_23, %jit3A_24 : i32
    %mul3A_26 = arith.constant 80 : i32
    %mul3A_27 = arith.muli %select_n3A_25, %mul3A_26 : i32
    %add3A_28 = arith.addi %mul3A_4, %mul3A_27 : i32
    %multiple_of3A_29 = tpu.assume_multiple %add3A_28, 8 : i32
    %dma_start3A_30 = tpu.memref_slice %arg4[%multiple_of3A_29] : memref<320000xi32, #tpu.memory_space<hbm>> -> memref<80xi32, #tpu.memory_space<hbm>>
    %dma_start3A_31 = tpu.memref_slice %arg4[%multiple_of3A_29] : memref<320000xi32, #tpu.memory_space<hbm>> -> memref<80xi32, #tpu.memory_space<hbm>>
    tpu.enqueue_dma source(%dma_start3A_31 : memref<80xi32, #tpu.memory_space<hbm>>) target(%arg12 : memref<80xi32, #tpu.memory_space<vmem>>) target_semaphore(%arg25 : memref<!tpu.dma_semaphore, #tpu.memory_space<semaphore_mem>>)
    %dma_start3A_32 = tpu.memref_slice %arg3[%multiple_of3A_29] : memref<320000xi32, #tpu.memory_space<hbm>> -> memref<80xi32, #tpu.memory_space<hbm>>
    %dma_start3A_33 = tpu.memref_slice %arg3[%multiple_of3A_29] : memref<320000xi32, #tpu.memory_space<hbm>> -> memref<80xi32, #tpu.memory_space<hbm>>
    tpu.enqueue_dma source(%dma_start3A_33 : memref<80xi32, #tpu.memory_space<hbm>>) target(%arg9 : memref<80xi32, #tpu.memory_space<vmem>>) target_semaphore(%arg22 : memref<!tpu.dma_semaphore, #tpu.memory_space<semaphore_mem>>)
    %dma_wait3A = arith.constant 0 : i32
    %dma_wait3A_34 = tpu.memref_slice %arg3[%dma_wait3A] : memref<320000xi32, #tpu.memory_space<hbm>> -> memref<80xi32, #tpu.memory_space<hbm>>
    %dma_wait3A_35 = arith.constant 0 : i32
    %dma_wait3A_36 = tpu.memref_slice %arg3[%dma_wait3A_35] : memref<320000xi32, #tpu.memory_space<hbm>> -> memref<80xi32, #tpu.memory_space<hbm>>
    tpu.wait_dma2 semaphore(%arg21 : memref<!tpu.dma_semaphore, #tpu.memory_space<semaphore_mem>>) src(%dma_wait3A_36 : memref<80xi32, #tpu.memory_space<hbm>>) dst(%arg8 : memref<80xi32, #tpu.memory_space<vmem>>)
    %dma_start3A_37 = arith.constant 0 : i32
    %dma_start3A_38 = arith.constant 0 : i32
    %dma_start3A_39 = tpu.memref_slice %arg2[%dma_start3A_37, %dma_start3A_38] : memref<10240x128xf32, #tpu.memory_space<hbm>> -> memref<10240x128xf32, #tpu.memory_space<hbm>>
    tpu.enqueue_indirect_dma source(%dma_start3A_39 : memref<10240x128xf32, #tpu.memory_space<hbm>>) target(%arg14 : memref<80x128xf32, #tpu.memory_space<vmem>>) offsets(%arg8 : memref<80xi32, #tpu.memory_space<vmem>>) semaphore(%arg18 : memref<!tpu.dma_semaphore, #tpu.memory_space<semaphore_mem>>)
    %dma_wait3A_40 = arith.constant 0 : i32
    %dma_wait3A_41 = tpu.memref_slice %arg3[%dma_wait3A_40] : memref<320000xi32, #tpu.memory_space<hbm>> -> memref<80xi32, #tpu.memory_space<hbm>>
    %dma_wait3A_42 = arith.constant 0 : i32
    %dma_wait3A_43 = tpu.memref_slice %arg3[%dma_wait3A_42] : memref<320000xi32, #tpu.memory_space<hbm>> -> memref<80xi32, #tpu.memory_space<hbm>>
    tpu.wait_dma2 semaphore(%arg22 : memref<!tpu.dma_semaphore, #tpu.memory_space<semaphore_mem>>) src(%dma_wait3A_43 : memref<80xi32, #tpu.memory_space<hbm>>) dst(%arg9 : memref<80xi32, #tpu.memory_space<vmem>>)
    %dma_start3A_44 = arith.constant 0 : i32
    %dma_start3A_45 = arith.constant 0 : i32
    %dma_start3A_46 = tpu.memref_slice %arg2[%dma_start3A_44, %dma_start3A_45] : memref<10240x128xf32, #tpu.memory_space<hbm>> -> memref<10240x128xf32, #tpu.memory_space<hbm>>
    tpu.enqueue_indirect_dma source(%dma_start3A_46 : memref<10240x128xf32, #tpu.memory_space<hbm>>) target(%arg15 : memref<80x128xf32, #tpu.memory_space<vmem>>) offsets(%arg9 : memref<80xi32, #tpu.memory_space<vmem>>) semaphore(%arg19 : memref<!tpu.dma_semaphore, #tpu.memory_space<semaphore_mem>>)
    %jit3A_47 = arith.constant true
    %jit3A_48 = arith.constant 2 : i32
    %jit3A_49 = arith.constant 0 : i32
    %select_n3A_50 = arith.select %jit3A_47, %jit3A_48, %jit3A_49 : i32
    %mul3A_51 = arith.constant 80 : i32
    %mul3A_52 = arith.muli %select_n3A_50, %mul3A_51 : i32
    %add3A_53 = arith.addi %mul3A_4, %mul3A_52 : i32
    %multiple_of3A_54 = tpu.assume_multiple %add3A_53, 8 : i32
    %dma_start3A_55 = tpu.memref_slice %arg4[%multiple_of3A_54] : memref<320000xi32, #tpu.memory_space<hbm>> -> memref<80xi32, #tpu.memory_space<hbm>>
    %dma_start3A_56 = tpu.memref_slice %arg4[%multiple_of3A_54] : memref<320000xi32, #tpu.memory_space<hbm>> -> memref<80xi32, #tpu.memory_space<hbm>>
    tpu.enqueue_dma source(%dma_start3A_56 : memref<80xi32, #tpu.memory_space<hbm>>) target(%arg13 : memref<80xi32, #tpu.memory_space<vmem>>) target_semaphore(%arg26 : memref<!tpu.dma_semaphore, #tpu.memory_space<semaphore_mem>>)
    %dma_start3A_57 = tpu.memref_slice %arg3[%multiple_of3A_54] : memref<320000xi32, #tpu.memory_space<hbm>> -> memref<80xi32, #tpu.memory_space<hbm>>
    %dma_start3A_58 = tpu.memref_slice %arg3[%multiple_of3A_54] : memref<320000xi32, #tpu.memory_space<hbm>> -> memref<80xi32, #tpu.memory_space<hbm>>
    tpu.enqueue_dma source(%dma_start3A_58 : memref<80xi32, #tpu.memory_space<hbm>>) target(%arg10 : memref<80xi32, #tpu.memory_space<vmem>>) target_semaphore(%arg23 : memref<!tpu.dma_semaphore, #tpu.memory_space<semaphore_mem>>)
    %scan3A_59 = arith.constant 0 : i32
    %scan3A_60 = arith.constant 41 : i32
    %scan3A_61 = arith.addi %scan3A_59, %scan3A_60 : i32
    %scan3A_62 = arith.constant 1 : i32
    scf.for %scan3A_92 = %scan3A_59 to %scan3A_61 step %scan3A_62  : i32 {
      %mul3A_93 = arith.constant 3 : i32
      %mul3A_94 = arith.muli %scan3A_92, %mul3A_93 : i32
      %add3A_95 = arith.constant 0 : i32
      %add3A_96 = arith.addi %add3A_95, %mul3A_94 : i32
      %dma_wait3A_97 = arith.constant 0 : i32
      %dma_wait3A_98 = tpu.memref_slice %arg3[%dma_wait3A_97] : memref<320000xi32, #tpu.memory_space<hbm>> -> memref<80xi32, #tpu.memory_space<hbm>>
      %dma_wait3A_99 = arith.constant 0 : i32
      %dma_wait3A_100 = tpu.memref_slice %arg3[%dma_wait3A_99] : memref<320000xi32, #tpu.memory_space<hbm>> -> memref<80xi32, #tpu.memory_space<hbm>>
      tpu.wait_dma2 semaphore(%arg23 : memref<!tpu.dma_semaphore, #tpu.memory_space<semaphore_mem>>) src(%dma_wait3A_100 : memref<80xi32, #tpu.memory_space<hbm>>) dst(%arg10 : memref<80xi32, #tpu.memory_space<vmem>>)
      %dma_start3A_101 = arith.constant 0 : i32
      %dma_start3A_102 = arith.constant 0 : i32
      %dma_start3A_103 = tpu.memref_slice %arg2[%dma_start3A_101, %dma_start3A_102] : memref<10240x128xf32, #tpu.memory_space<hbm>> -> memref<10240x128xf32, #tpu.memory_space<hbm>>
      tpu.enqueue_indirect_dma source(%dma_start3A_103 : memref<10240x128xf32, #tpu.memory_space<hbm>>) target(%arg16 : memref<80x128xf32, #tpu.memory_space<vmem>>) offsets(%arg10 : memref<80xi32, #tpu.memory_space<vmem>>) semaphore(%arg20 : memref<!tpu.dma_semaphore, #tpu.memory_space<semaphore_mem>>)
      %dma_wait3A_104 = arith.constant 0 : i32
      %dma_wait3A_105 = arith.constant 0 : i32
      %dma_wait3A_106 = tpu.memref_slice %arg2[%dma_wait3A_104, %dma_wait3A_105] : memref<10240x128xf32, #tpu.memory_space<hbm>> -> memref<10240x128xf32, #tpu.memory_space<hbm>>
      tpu.wait_indirect_dma semaphore(%arg18 : memref<!tpu.dma_semaphore, #tpu.memory_space<semaphore_mem>>) src(%dma_wait3A_106 : memref<10240x128xf32, #tpu.memory_space<hbm>>) dst(%arg14 : memref<80x128xf32, #tpu.memory_space<vmem>>)
      %dma_wait3A_107 = arith.constant 0 : i32
      %dma_wait3A_108 = tpu.memref_slice %arg4[%dma_wait3A_107] : memref<320000xi32, #tpu.memory_space<hbm>> -> memref<80xi32, #tpu.memory_space<hbm>>
      %dma_wait3A_109 = arith.constant 0 : i32
      %dma_wait3A_110 = tpu.memref_slice %arg4[%dma_wait3A_109] : memref<320000xi32, #tpu.memory_space<hbm>> -> memref<80xi32, #tpu.memory_space<hbm>>
      tpu.wait_dma2 semaphore(%arg24 : memref<!tpu.dma_semaphore, #tpu.memory_space<semaphore_mem>>) src(%dma_wait3A_110 : memref<80xi32, #tpu.memory_space<hbm>>) dst(%arg11 : memref<80xi32, #tpu.memory_space<vmem>>)
      "tpu.region"() ({
        %run_scoped3A = tpu.sem_alloc : memref<!tpu.dma_semaphore, #tpu.memory_space<semaphore_mem>>
        %dma_start3A_180 = arith.constant 0 : i32
        %dma_start3A_181 = arith.constant 0 : i32
        %dma_start3A_182 = tpu.memref_slice %arg17[%dma_start3A_180, %dma_start3A_181] : memref<10240x128xf32, #tpu.memory_space<vmem_shared>> -> memref<10240x128xf32, #tpu.memory_space<vmem_shared>>
        tpu.enqueue_indirect_dma source(%arg14 : memref<80x128xf32, #tpu.memory_space<vmem>>) target(%dma_start3A_182 : memref<10240x128xf32, #tpu.memory_space<vmem_shared>>) offsets(%arg11 : memref<80xi32, #tpu.memory_space<vmem>>) semaphore(%run_scoped3A : memref<!tpu.dma_semaphore, #tpu.memory_space<semaphore_mem>>) {add = true}
        %dma_wait3A_183 = arith.constant 0 : i32
        %dma_wait3A_184 = arith.constant 0 : i32
        %dma_wait3A_185 = tpu.memref_slice %arg17[%dma_wait3A_183, %dma_wait3A_184] : memref<10240x128xf32, #tpu.memory_space<vmem_shared>> -> memref<10240x128xf32, #tpu.memory_space<vmem_shared>>
        tpu.wait_indirect_dma semaphore(%run_scoped3A : memref<!tpu.dma_semaphore, #tpu.memory_space<semaphore_mem>>) src(%arg14 : memref<80x128xf32, #tpu.memory_space<vmem>>) dst(%dma_wait3A_185 : memref<10240x128xf32, #tpu.memory_space<vmem_shared>>)
        tpu.yield
      }) : () -> ()
      %add3A_111 = arith.constant 3 : i32
      %add3A_112 = arith.addi %add3A_96, %add3A_111 : i32
      %lt3A = arith.constant 125 : i32
      %lt3A_113 = arith.cmpi slt, %add3A_112, %lt3A : i32
      %jit3A_114 = arith.constant 0 : i32
      %select_n3A_115 = arith.select %lt3A_113, %add3A_112, %jit3A_114 : i32
      %mul3A_116 = arith.constant 80 : i32
      %mul3A_117 = arith.muli %select_n3A_115, %mul3A_116 : i32
      %add3A_118 = arith.addi %mul3A_4, %mul3A_117 : i32
      %multiple_of3A_119 = tpu.assume_multiple %add3A_118, 8 : i32
      %dma_start3A_120 = tpu.memref_slice %arg4[%multiple_of3A_119] : memref<320000xi32, #tpu.memory_space<hbm>> -> memref<80xi32, #tpu.memory_space<hbm>>
      %dma_start3A_121 = tpu.memref_slice %arg4[%multiple_of3A_119] : memref<320000xi32, #tpu.memory_space<hbm>> -> memref<80xi32, #tpu.memory_space<hbm>>
      tpu.enqueue_dma source(%dma_start3A_121 : memref<80xi32, #tpu.memory_space<hbm>>) target(%arg11 : memref<80xi32, #tpu.memory_space<vmem>>) target_semaphore(%arg24 : memref<!tpu.dma_semaphore, #tpu.memory_space<semaphore_mem>>)
      %dma_start3A_122 = tpu.memref_slice %arg3[%multiple_of3A_119] : memref<320000xi32, #tpu.memory_space<hbm>> -> memref<80xi32, #tpu.memory_space<hbm>>
      %dma_start3A_123 = tpu.memref_slice %arg3[%multiple_of3A_119] : memref<320000xi32, #tpu.memory_space<hbm>> -> memref<80xi32, #tpu.memory_space<hbm>>
      tpu.enqueue_dma source(%dma_start3A_123 : memref<80xi32, #tpu.memory_space<hbm>>) target(%arg8 : memref<80xi32, #tpu.memory_space<vmem>>) target_semaphore(%arg21 : memref<!tpu.dma_semaphore, #tpu.memory_space<semaphore_mem>>)
      %dma_wait3A_124 = arith.constant 0 : i32
      %dma_wait3A_125 = arith.constant 0 : i32
      %dma_wait3A_126 = tpu.memref_slice %arg2[%dma_wait3A_124, %dma_wait3A_125] : memref<10240x128xf32, #tpu.memory_space<hbm>> -> memref<10240x128xf32, #tpu.memory_space<hbm>>
      tpu.wait_indirect_dma semaphore(%arg19 : memref<!tpu.dma_semaphore, #tpu.memory_space<semaphore_mem>>) src(%dma_wait3A_126 : memref<10240x128xf32, #tpu.memory_space<hbm>>) dst(%arg15 : memref<80x128xf32, #tpu.memory_space<vmem>>)
      %dma_wait3A_127 = arith.constant 0 : i32
      %dma_wait3A_128 = tpu.memref_slice %arg4[%dma_wait3A_127] : memref<320000xi32, #tpu.memory_space<hbm>> -> memref<80xi32, #tpu.memory_space<hbm>>
      %dma_wait3A_129 = arith.constant 0 : i32
      %dma_wait3A_130 = tpu.memref_slice %arg4[%dma_wait3A_129] : memref<320000xi32, #tpu.memory_space<hbm>> -> memref<80xi32, #tpu.memory_space<hbm>>
      tpu.wait_dma2 semaphore(%arg25 : memref<!tpu.dma_semaphore, #tpu.memory_space<semaphore_mem>>) src(%dma_wait3A_130 : memref<80xi32, #tpu.memory_space<hbm>>) dst(%arg12 : memref<80xi32, #tpu.memory_space<vmem>>)
      "tpu.region"() ({
        %run_scoped3A = tpu.sem_alloc : memref<!tpu.dma_semaphore, #tpu.memory_space<semaphore_mem>>
        %dma_start3A_180 = arith.constant 0 : i32
        %dma_start3A_181 = arith.constant 0 : i32
        %dma_start3A_182 = tpu.memref_slice %arg17[%dma_start3A_180, %dma_start3A_181] : memref<10240x128xf32, #tpu.memory_space<vmem_shared>> -> memref<10240x128xf32, #tpu.memory_space<vmem_shared>>
        tpu.enqueue_indirect_dma source(%arg15 : memref<80x128xf32, #tpu.memory_space<vmem>>) target(%dma_start3A_182 : memref<10240x128xf32, #tpu.memory_space<vmem_shared>>) offsets(%arg12 : memref<80xi32, #tpu.memory_space<vmem>>) semaphore(%run_scoped3A : memref<!tpu.dma_semaphore, #tpu.memory_space<semaphore_mem>>) {add = true}
        %dma_wait3A_183 = arith.constant 0 : i32
        %dma_wait3A_184 = arith.constant 0 : i32
        %dma_wait3A_185 = tpu.memref_slice %arg17[%dma_wait3A_183, %dma_wait3A_184] : memref<10240x128xf32, #tpu.memory_space<vmem_shared>> -> memref<10240x128xf32, #tpu.memory_space<vmem_shared>>
        tpu.wait_indirect_dma semaphore(%run_scoped3A : memref<!tpu.dma_semaphore, #tpu.memory_space<semaphore_mem>>) src(%arg15 : memref<80x128xf32, #tpu.memory_space<vmem>>) dst(%dma_wait3A_185 : memref<10240x128xf32, #tpu.memory_space<vmem_shared>>)
        tpu.yield
      }) : () -> ()
      %add3A_131 = arith.constant 4 : i32
      %add3A_132 = arith.addi %add3A_96, %add3A_131 : i32
      %lt3A_133 = arith.constant 125 : i32
      %lt3A_134 = arith.cmpi slt, %add3A_132, %lt3A_133 : i32
      %jit3A_135 = arith.constant 0 : i32
      %select_n3A_136 = arith.select %lt3A_134, %add3A_132, %jit3A_135 : i32
      %mul3A_137 = arith.constant 80 : i32
      %mul3A_138 = arith.muli %select_n3A_136, %mul3A_137 : i32
      %add3A_139 = arith.addi %mul3A_4, %mul3A_138 : i32
      %multiple_of3A_140 = tpu.assume_multiple %add3A_139, 8 : i32
      %dma_start3A_141 = tpu.memref_slice %arg4[%multiple_of3A_140] : memref<320000xi32, #tpu.memory_space<hbm>> -> memref<80xi32, #tpu.memory_space<hbm>>
      %dma_start3A_142 = tpu.memref_slice %arg4[%multiple_of3A_140] : memref<320000xi32, #tpu.memory_space<hbm>> -> memref<80xi32, #tpu.memory_space<hbm>>
      tpu.enqueue_dma source(%dma_start3A_142 : memref<80xi32, #tpu.memory_space<hbm>>) target(%arg12 : memref<80xi32, #tpu.memory_space<vmem>>) target_semaphore(%arg25 : memref<!tpu.dma_semaphore, #tpu.memory_space<semaphore_mem>>)
      %dma_start3A_143 = tpu.memref_slice %arg3[%multiple_of3A_140] : memref<320000xi32, #tpu.memory_space<hbm>> -> memref<80xi32, #tpu.memory_space<hbm>>
      %dma_start3A_144 = tpu.memref_slice %arg3[%multiple_of3A_140] : memref<320000xi32, #tpu.memory_space<hbm>> -> memref<80xi32, #tpu.memory_space<hbm>>
      tpu.enqueue_dma source(%dma_start3A_144 : memref<80xi32, #tpu.memory_space<hbm>>) target(%arg9 : memref<80xi32, #tpu.memory_space<vmem>>) target_semaphore(%arg22 : memref<!tpu.dma_semaphore, #tpu.memory_space<semaphore_mem>>)
      %dma_wait3A_145 = arith.constant 0 : i32
      %dma_wait3A_146 = tpu.memref_slice %arg3[%dma_wait3A_145] : memref<320000xi32, #tpu.memory_space<hbm>> -> memref<80xi32, #tpu.memory_space<hbm>>
      %dma_wait3A_147 = arith.constant 0 : i32
      %dma_wait3A_148 = tpu.memref_slice %arg3[%dma_wait3A_147] : memref<320000xi32, #tpu.memory_space<hbm>> -> memref<80xi32, #tpu.memory_space<hbm>>
      tpu.wait_dma2 semaphore(%arg21 : memref<!tpu.dma_semaphore, #tpu.memory_space<semaphore_mem>>) src(%dma_wait3A_148 : memref<80xi32, #tpu.memory_space<hbm>>) dst(%arg8 : memref<80xi32, #tpu.memory_space<vmem>>)
      %dma_start3A_149 = arith.constant 0 : i32
      %dma_start3A_150 = arith.constant 0 : i32
      %dma_start3A_151 = tpu.memref_slice %arg2[%dma_start3A_149, %dma_start3A_150] : memref<10240x128xf32, #tpu.memory_space<hbm>> -> memref<10240x128xf32, #tpu.memory_space<hbm>>
      tpu.enqueue_indirect_dma source(%dma_start3A_151 : memref<10240x128xf32, #tpu.memory_space<hbm>>) target(%arg14 : memref<80x128xf32, #tpu.memory_space<vmem>>) offsets(%arg8 : memref<80xi32, #tpu.memory_space<vmem>>) semaphore(%arg18 : memref<!tpu.dma_semaphore, #tpu.memory_space<semaphore_mem>>)
      %dma_wait3A_152 = arith.constant 0 : i32
      %dma_wait3A_153 = arith.constant 0 : i32
      %dma_wait3A_154 = tpu.memref_slice %arg2[%dma_wait3A_152, %dma_wait3A_153] : memref<10240x128xf32, #tpu.memory_space<hbm>> -> memref<10240x128xf32, #tpu.memory_space<hbm>>
      tpu.wait_indirect_dma semaphore(%arg20 : memref<!tpu.dma_semaphore, #tpu.memory_space<semaphore_mem>>) src(%dma_wait3A_154 : memref<10240x128xf32, #tpu.memory_space<hbm>>) dst(%arg16 : memref<80x128xf32, #tpu.memory_space<vmem>>)
      %dma_wait3A_155 = arith.constant 0 : i32
      %dma_wait3A_156 = tpu.memref_slice %arg4[%dma_wait3A_155] : memref<320000xi32, #tpu.memory_space<hbm>> -> memref<80xi32, #tpu.memory_space<hbm>>
      %dma_wait3A_157 = arith.constant 0 : i32
      %dma_wait3A_158 = tpu.memref_slice %arg4[%dma_wait3A_157] : memref<320000xi32, #tpu.memory_space<hbm>> -> memref<80xi32, #tpu.memory_space<hbm>>
      tpu.wait_dma2 semaphore(%arg26 : memref<!tpu.dma_semaphore, #tpu.memory_space<semaphore_mem>>) src(%dma_wait3A_158 : memref<80xi32, #tpu.memory_space<hbm>>) dst(%arg13 : memref<80xi32, #tpu.memory_space<vmem>>)
      "tpu.region"() ({
        %run_scoped3A = tpu.sem_alloc : memref<!tpu.dma_semaphore, #tpu.memory_space<semaphore_mem>>
        %dma_start3A_180 = arith.constant 0 : i32
        %dma_start3A_181 = arith.constant 0 : i32
        %dma_start3A_182 = tpu.memref_slice %arg17[%dma_start3A_180, %dma_start3A_181] : memref<10240x128xf32, #tpu.memory_space<vmem_shared>> -> memref<10240x128xf32, #tpu.memory_space<vmem_shared>>
        tpu.enqueue_indirect_dma source(%arg16 : memref<80x128xf32, #tpu.memory_space<vmem>>) target(%dma_start3A_182 : memref<10240x128xf32, #tpu.memory_space<vmem_shared>>) offsets(%arg13 : memref<80xi32, #tpu.memory_space<vmem>>) semaphore(%run_scoped3A : memref<!tpu.dma_semaphore, #tpu.memory_space<semaphore_mem>>) {add = true}
        %dma_wait3A_183 = arith.constant 0 : i32
        %dma_wait3A_184 = arith.constant 0 : i32
        %dma_wait3A_185 = tpu.memref_slice %arg17[%dma_wait3A_183, %dma_wait3A_184] : memref<10240x128xf32, #tpu.memory_space<vmem_shared>> -> memref<10240x128xf32, #tpu.memory_space<vmem_shared>>
        tpu.wait_indirect_dma semaphore(%run_scoped3A : memref<!tpu.dma_semaphore, #tpu.memory_space<semaphore_mem>>) src(%arg16 : memref<80x128xf32, #tpu.memory_space<vmem>>) dst(%dma_wait3A_185 : memref<10240x128xf32, #tpu.memory_space<vmem_shared>>)
        tpu.yield
      }) : () -> ()
      %add3A_159 = arith.constant 5 : i32
      %add3A_160 = arith.addi %add3A_96, %add3A_159 : i32
      %lt3A_161 = arith.constant 125 : i32
      %lt3A_162 = arith.cmpi slt, %add3A_160, %lt3A_161 : i32
      %jit3A_163 = arith.constant 0 : i32
      %select_n3A_164 = arith.select %lt3A_162, %add3A_160, %jit3A_163 : i32
      %mul3A_165 = arith.constant 80 : i32
      %mul3A_166 = arith.muli %select_n3A_164, %mul3A_165 : i32
      %add3A_167 = arith.addi %mul3A_4, %mul3A_166 : i32
      %multiple_of3A_168 = tpu.assume_multiple %add3A_167, 8 : i32
      %dma_start3A_169 = tpu.memref_slice %arg4[%multiple_of3A_168] : memref<320000xi32, #tpu.memory_space<hbm>> -> memref<80xi32, #tpu.memory_space<hbm>>
      %dma_start3A_170 = tpu.memref_slice %arg4[%multiple_of3A_168] : memref<320000xi32, #tpu.memory_space<hbm>> -> memref<80xi32, #tpu.memory_space<hbm>>
      tpu.enqueue_dma source(%dma_start3A_170 : memref<80xi32, #tpu.memory_space<hbm>>) target(%arg13 : memref<80xi32, #tpu.memory_space<vmem>>) target_semaphore(%arg26 : memref<!tpu.dma_semaphore, #tpu.memory_space<semaphore_mem>>)
      %dma_start3A_171 = tpu.memref_slice %arg3[%multiple_of3A_168] : memref<320000xi32, #tpu.memory_space<hbm>> -> memref<80xi32, #tpu.memory_space<hbm>>
      %dma_start3A_172 = tpu.memref_slice %arg3[%multiple_of3A_168] : memref<320000xi32, #tpu.memory_space<hbm>> -> memref<80xi32, #tpu.memory_space<hbm>>
      tpu.enqueue_dma source(%dma_start3A_172 : memref<80xi32, #tpu.memory_space<hbm>>) target(%arg10 : memref<80xi32, #tpu.memory_space<vmem>>) target_semaphore(%arg23 : memref<!tpu.dma_semaphore, #tpu.memory_space<semaphore_mem>>)
      %dma_wait3A_173 = arith.constant 0 : i32
      %dma_wait3A_174 = tpu.memref_slice %arg3[%dma_wait3A_173] : memref<320000xi32, #tpu.memory_space<hbm>> -> memref<80xi32, #tpu.memory_space<hbm>>
      %dma_wait3A_175 = arith.constant 0 : i32
      %dma_wait3A_176 = tpu.memref_slice %arg3[%dma_wait3A_175] : memref<320000xi32, #tpu.memory_space<hbm>> -> memref<80xi32, #tpu.memory_space<hbm>>
      tpu.wait_dma2 semaphore(%arg22 : memref<!tpu.dma_semaphore, #tpu.memory_space<semaphore_mem>>) src(%dma_wait3A_176 : memref<80xi32, #tpu.memory_space<hbm>>) dst(%arg9 : memref<80xi32, #tpu.memory_space<vmem>>)
      %dma_start3A_177 = arith.constant 0 : i32
      %dma_start3A_178 = arith.constant 0 : i32
      %dma_start3A_179 = tpu.memref_slice %arg2[%dma_start3A_177, %dma_start3A_178] : memref<10240x128xf32, #tpu.memory_space<hbm>> -> memref<10240x128xf32, #tpu.memory_space<hbm>>
      tpu.enqueue_indirect_dma source(%dma_start3A_179 : memref<10240x128xf32, #tpu.memory_space<hbm>>) target(%arg15 : memref<80x128xf32, #tpu.memory_space<vmem>>) offsets(%arg9 : memref<80xi32, #tpu.memory_space<vmem>>) semaphore(%arg19 : memref<!tpu.dma_semaphore, #tpu.memory_space<semaphore_mem>>)
    }
    %scan3A_63 = arith.constant 41 : i32
    %dma_wait3A_64 = arith.constant 0 : i32
    %dma_wait3A_65 = arith.constant 0 : i32
    %dma_wait3A_66 = tpu.memref_slice %arg2[%dma_wait3A_64, %dma_wait3A_65] : memref<10240x128xf32, #tpu.memory_space<hbm>> -> memref<10240x128xf32, #tpu.memory_space<hbm>>
    tpu.wait_indirect_dma semaphore(%arg18 : memref<!tpu.dma_semaphore, #tpu.memory_space<semaphore_mem>>) src(%dma_wait3A_66 : memref<10240x128xf32, #tpu.memory_space<hbm>>) dst(%arg14 : memref<80x128xf32, #tpu.memory_space<vmem>>)
    %dma_wait3A_67 = arith.constant 0 : i32
    %dma_wait3A_68 = tpu.memref_slice %arg4[%dma_wait3A_67] : memref<320000xi32, #tpu.memory_space<hbm>> -> memref<80xi32, #tpu.memory_space<hbm>>
    %dma_wait3A_69 = arith.constant 0 : i32
    %dma_wait3A_70 = tpu.memref_slice %arg4[%dma_wait3A_69] : memref<320000xi32, #tpu.memory_space<hbm>> -> memref<80xi32, #tpu.memory_space<hbm>>
    tpu.wait_dma2 semaphore(%arg24 : memref<!tpu.dma_semaphore, #tpu.memory_space<semaphore_mem>>) src(%dma_wait3A_70 : memref<80xi32, #tpu.memory_space<hbm>>) dst(%arg11 : memref<80xi32, #tpu.memory_space<vmem>>)
    "tpu.region"() ({
      %run_scoped3A = tpu.sem_alloc : memref<!tpu.dma_semaphore, #tpu.memory_space<semaphore_mem>>
      %dma_start3A_92 = arith.constant 0 : i32
      %dma_start3A_93 = arith.constant 0 : i32
      %dma_start3A_94 = tpu.memref_slice %arg17[%dma_start3A_92, %dma_start3A_93] : memref<10240x128xf32, #tpu.memory_space<vmem_shared>> -> memref<10240x128xf32, #tpu.memory_space<vmem_shared>>
      tpu.enqueue_indirect_dma source(%arg14 : memref<80x128xf32, #tpu.memory_space<vmem>>) target(%dma_start3A_94 : memref<10240x128xf32, #tpu.memory_space<vmem_shared>>) offsets(%arg11 : memref<80xi32, #tpu.memory_space<vmem>>) semaphore(%run_scoped3A : memref<!tpu.dma_semaphore, #tpu.memory_space<semaphore_mem>>) {add = true}
      %dma_wait3A_95 = arith.constant 0 : i32
      %dma_wait3A_96 = arith.constant 0 : i32
      %dma_wait3A_97 = tpu.memref_slice %arg17[%dma_wait3A_95, %dma_wait3A_96] : memref<10240x128xf32, #tpu.memory_space<vmem_shared>> -> memref<10240x128xf32, #tpu.memory_space<vmem_shared>>
      tpu.wait_indirect_dma semaphore(%run_scoped3A : memref<!tpu.dma_semaphore, #tpu.memory_space<semaphore_mem>>) src(%arg14 : memref<80x128xf32, #tpu.memory_space<vmem>>) dst(%dma_wait3A_97 : memref<10240x128xf32, #tpu.memory_space<vmem_shared>>)
      tpu.yield
    }) : () -> ()
    %dma_wait3A_71 = arith.constant 0 : i32
    %dma_wait3A_72 = arith.constant 0 : i32
    %dma_wait3A_73 = tpu.memref_slice %arg2[%dma_wait3A_71, %dma_wait3A_72] : memref<10240x128xf32, #tpu.memory_space<hbm>> -> memref<10240x128xf32, #tpu.memory_space<hbm>>
    tpu.wait_indirect_dma semaphore(%arg19 : memref<!tpu.dma_semaphore, #tpu.memory_space<semaphore_mem>>) src(%dma_wait3A_73 : memref<10240x128xf32, #tpu.memory_space<hbm>>) dst(%arg15 : memref<80x128xf32, #tpu.memory_space<vmem>>)
    %dma_wait3A_74 = arith.constant 0 : i32
    %dma_wait3A_75 = tpu.memref_slice %arg4[%dma_wait3A_74] : memref<320000xi32, #tpu.memory_space<hbm>> -> memref<80xi32, #tpu.memory_space<hbm>>
    %dma_wait3A_76 = arith.constant 0 : i32
    %dma_wait3A_77 = tpu.memref_slice %arg4[%dma_wait3A_76] : memref<320000xi32, #tpu.memory_space<hbm>> -> memref<80xi32, #tpu.memory_space<hbm>>
    tpu.wait_dma2 semaphore(%arg25 : memref<!tpu.dma_semaphore, #tpu.memory_space<semaphore_mem>>) src(%dma_wait3A_77 : memref<80xi32, #tpu.memory_space<hbm>>) dst(%arg12 : memref<80xi32, #tpu.memory_space<vmem>>)
    "tpu.region"() ({
      %run_scoped3A = tpu.sem_alloc : memref<!tpu.dma_semaphore, #tpu.memory_space<semaphore_mem>>
      %dma_start3A_92 = arith.constant 0 : i32
      %dma_start3A_93 = arith.constant 0 : i32
      %dma_start3A_94 = tpu.memref_slice %arg17[%dma_start3A_92, %dma_start3A_93] : memref<10240x128xf32, #tpu.memory_space<vmem_shared>> -> memref<10240x128xf32, #tpu.memory_space<vmem_shared>>
      tpu.enqueue_indirect_dma source(%arg15 : memref<80x128xf32, #tpu.memory_space<vmem>>) target(%dma_start3A_94 : memref<10240x128xf32, #tpu.memory_space<vmem_shared>>) offsets(%arg12 : memref<80xi32, #tpu.memory_space<vmem>>) semaphore(%run_scoped3A : memref<!tpu.dma_semaphore, #tpu.memory_space<semaphore_mem>>) {add = true}
      %dma_wait3A_95 = arith.constant 0 : i32
      %dma_wait3A_96 = arith.constant 0 : i32
      %dma_wait3A_97 = tpu.memref_slice %arg17[%dma_wait3A_95, %dma_wait3A_96] : memref<10240x128xf32, #tpu.memory_space<vmem_shared>> -> memref<10240x128xf32, #tpu.memory_space<vmem_shared>>
      tpu.wait_indirect_dma semaphore(%run_scoped3A : memref<!tpu.dma_semaphore, #tpu.memory_space<semaphore_mem>>) src(%arg15 : memref<80x128xf32, #tpu.memory_space<vmem>>) dst(%dma_wait3A_97 : memref<10240x128xf32, #tpu.memory_space<vmem_shared>>)
      tpu.yield
    }) : () -> ()
    %dma_wait3A_78 = arith.constant 0 : i32
    %dma_wait3A_79 = tpu.memref_slice %arg3[%dma_wait3A_78] : memref<320000xi32, #tpu.memory_space<hbm>> -> memref<80xi32, #tpu.memory_space<hbm>>
    %dma_wait3A_80 = arith.constant 0 : i32
    %dma_wait3A_81 = tpu.memref_slice %arg3[%dma_wait3A_80] : memref<320000xi32, #tpu.memory_space<hbm>> -> memref<80xi32, #tpu.memory_space<hbm>>
    tpu.wait_dma2 semaphore(%arg23 : memref<!tpu.dma_semaphore, #tpu.memory_space<semaphore_mem>>) src(%dma_wait3A_81 : memref<80xi32, #tpu.memory_space<hbm>>) dst(%arg10 : memref<80xi32, #tpu.memory_space<vmem>>)
    %dma_wait3A_82 = arith.constant 0 : i32
    %dma_wait3A_83 = tpu.memref_slice %arg4[%dma_wait3A_82] : memref<320000xi32, #tpu.memory_space<hbm>> -> memref<80xi32, #tpu.memory_space<hbm>>
    %dma_wait3A_84 = arith.constant 0 : i32
    %dma_wait3A_85 = tpu.memref_slice %arg4[%dma_wait3A_84] : memref<320000xi32, #tpu.memory_space<hbm>> -> memref<80xi32, #tpu.memory_space<hbm>>
    tpu.wait_dma2 semaphore(%arg26 : memref<!tpu.dma_semaphore, #tpu.memory_space<semaphore_mem>>) src(%dma_wait3A_85 : memref<80xi32, #tpu.memory_space<hbm>>) dst(%arg13 : memref<80xi32, #tpu.memory_space<vmem>>)
    %barrier3A_86 = arith.constant 0 : index
    tpu.barrier barrier_id(%barrier3A_86)
    %scan3A_87 = arith.constant 0 : i32
    %scan3A_88 = arith.constant 4 : i32
    %scan3A_89 = arith.addi %scan3A_87, %scan3A_88 : i32
    %scan3A_90 = arith.constant 1 : i32
    scf.for %scan3A_92 = %scan3A_87 to %scan3A_89 step %scan3A_90  : i32 {
      %mul3A_93 = arith.constant 1 : i32
      %mul3A_94 = arith.muli %scan3A_92, %mul3A_93 : i32
      %add3A_95 = arith.constant 0 : i32
      %add3A_96 = arith.addi %add3A_95, %mul3A_94 : i32
      %mul3A_97 = arith.constant 2 : i32
      %mul3A_98 = arith.muli %mul3A_97, %add3A_96 : i32
      %mul3A_99 = arith.constant 80 : i32
      %mul3A_100 = arith.muli %mul3A_98, %mul3A_99 : i32
      %add3A_101 = arith.addi %mul3A_2, %mul3A_100 : i32
      "tpu.region"() ({
        %run_scoped3A = tpu.sem_alloc : memref<!tpu.dma_semaphore, #tpu.memory_space<semaphore_mem>>
        %dma_start3A_177 = arith.constant 0 : i32
        %dma_start3A_178 = arith.constant 0 : i32
        %dma_start3A_179 = tpu.memref_slice %arg14[%dma_start3A_177, %dma_start3A_178] : memref<80x128xf32, #tpu.memory_space<vmem>> -> memref<80x128xf32, #tpu.memory_space<vmem>>
        %dma_start3A_180 = arith.constant 0 : i32
        %dma_start3A_181 = tpu.memref_slice %arg17[%add3A_101, %dma_start3A_180] : memref<10240x128xf32, #tpu.memory_space<vmem_shared>> -> memref<80x128xf32, #tpu.memory_space<vmem_shared>>
        %dma_start3A_182 = arith.constant 0 : i32
        %dma_start3A_183 = arith.constant 0 : i32
        %dma_start3A_184 = tpu.memref_slice %arg14[%dma_start3A_182, %dma_start3A_183] : memref<80x128xf32, #tpu.memory_space<vmem>> -> memref<80x128xf32, #tpu.memory_space<vmem>>
        %dma_start3A_185 = arith.constant 0 : i32
        %dma_start3A_186 = tpu.memref_slice %arg17[%add3A_101, %dma_start3A_185] : memref<10240x128xf32, #tpu.memory_space<vmem_shared>> -> memref<80x128xf32, #tpu.memory_space<vmem_shared>>
        tpu.enqueue_dma source(%dma_start3A_186 : memref<80x128xf32, #tpu.memory_space<vmem_shared>>) target(%dma_start3A_184 : memref<80x128xf32, #tpu.memory_space<vmem>>) target_semaphore(%run_scoped3A : memref<!tpu.dma_semaphore, #tpu.memory_space<semaphore_mem>>)
        %dma_wait3A_187 = arith.constant 0 : i32
        %dma_wait3A_188 = arith.constant 0 : i32
        %dma_wait3A_189 = tpu.memref_slice %arg14[%dma_wait3A_187, %dma_wait3A_188] : memref<80x128xf32, #tpu.memory_space<vmem>> -> memref<80x128xf32, #tpu.memory_space<vmem>>
        %dma_wait3A_190 = arith.constant 0 : i32
        %dma_wait3A_191 = tpu.memref_slice %arg17[%add3A_101, %dma_wait3A_190] : memref<10240x128xf32, #tpu.memory_space<vmem_shared>> -> memref<80x128xf32, #tpu.memory_space<vmem_shared>>
        %dma_wait3A_192 = arith.constant 0 : i32
        %dma_wait3A_193 = arith.constant 0 : i32
        %dma_wait3A_194 = tpu.memref_slice %arg14[%dma_wait3A_192, %dma_wait3A_193] : memref<80x128xf32, #tpu.memory_space<vmem>> -> memref<80x128xf32, #tpu.memory_space<vmem>>
        %dma_wait3A_195 = arith.constant 0 : i32
        %dma_wait3A_196 = tpu.memref_slice %arg17[%add3A_101, %dma_wait3A_195] : memref<10240x128xf32, #tpu.memory_space<vmem_shared>> -> memref<80x128xf32, #tpu.memory_space<vmem_shared>>
        tpu.wait_dma2 semaphore(%run_scoped3A : memref<!tpu.dma_semaphore, #tpu.memory_space<semaphore_mem>>) src(%dma_wait3A_196 : memref<80x128xf32, #tpu.memory_space<vmem_shared>>) dst(%dma_wait3A_194 : memref<80x128xf32, #tpu.memory_space<vmem>>)
        tpu.yield
      }) : () -> ()
      %mul3A_102 = arith.constant 2 : i32
      %mul3A_103 = arith.muli %mul3A_102, %add3A_96 : i32
      %mul3A_104 = arith.constant 80 : i32
      %mul3A_105 = arith.muli %mul3A_103, %mul3A_104 : i32
      %dma_start3A_106 = arith.constant 0 : i32
      %dma_start3A_107 = arith.constant 0 : i32
      %dma_start3A_108 = tpu.memref_slice %arg14[%dma_start3A_106, %dma_start3A_107] : memref<80x128xf32, #tpu.memory_space<vmem>> -> memref<80x128xf32, #tpu.memory_space<vmem>>
      %dma_start3A_109 = arith.constant 0 : i32
      %dma_start3A_110 = tpu.memref_slice %arg7[%arg0, %arg1, %mul3A_105, %dma_start3A_109] : memref<2x16x640x128xf32, #tpu.memory_space<hbm>> -> memref<1x1x80x128xf32, #tpu.memory_space<hbm>>
      %dma_start3A_111 = tpu.memref_squeeze %dma_start3A_110 : memref<1x1x80x128xf32, #tpu.memory_space<hbm>> -> memref<80x128xf32, #tpu.memory_space<hbm>>
      %dma_start3A_112 = arith.constant 0 : i32
      %dma_start3A_113 = tpu.memref_slice %arg7[%arg0, %arg1, %mul3A_105, %dma_start3A_112] : memref<2x16x640x128xf32, #tpu.memory_space<hbm>> -> memref<1x1x80x128xf32, #tpu.memory_space<hbm>>
      %dma_start3A_114 = tpu.memref_squeeze %dma_start3A_113 : memref<1x1x80x128xf32, #tpu.memory_space<hbm>> -> memref<80x128xf32, #tpu.memory_space<hbm>>
      %dma_start3A_115 = arith.constant 0 : i32
      %dma_start3A_116 = arith.constant 0 : i32
      %dma_start3A_117 = tpu.memref_slice %arg14[%dma_start3A_115, %dma_start3A_116] : memref<80x128xf32, #tpu.memory_space<vmem>> -> memref<80x128xf32, #tpu.memory_space<vmem>>
      tpu.enqueue_dma source(%dma_start3A_117 : memref<80x128xf32, #tpu.memory_space<vmem>>) target(%dma_start3A_114 : memref<80x128xf32, #tpu.memory_space<hbm>>) target_semaphore(%arg18 : memref<!tpu.dma_semaphore, #tpu.memory_space<semaphore_mem>>)
      %mul3A_118 = arith.constant 2 : i32
      %mul3A_119 = arith.muli %mul3A_118, %add3A_96 : i32
      %add3A_120 = arith.constant 1 : i32
      %add3A_121 = arith.addi %mul3A_119, %add3A_120 : i32
      %mul3A_122 = arith.constant 80 : i32
      %mul3A_123 = arith.muli %add3A_121, %mul3A_122 : i32
      %add3A_124 = arith.addi %mul3A_2, %mul3A_123 : i32
      "tpu.region"() ({
        %run_scoped3A = tpu.sem_alloc : memref<!tpu.dma_semaphore, #tpu.memory_space<semaphore_mem>>
        %dma_start3A_177 = arith.constant 0 : i32
        %dma_start3A_178 = arith.constant 0 : i32
        %dma_start3A_179 = tpu.memref_slice %arg15[%dma_start3A_177, %dma_start3A_178] : memref<80x128xf32, #tpu.memory_space<vmem>> -> memref<80x128xf32, #tpu.memory_space<vmem>>
        %dma_start3A_180 = arith.constant 0 : i32
        %dma_start3A_181 = tpu.memref_slice %arg17[%add3A_124, %dma_start3A_180] : memref<10240x128xf32, #tpu.memory_space<vmem_shared>> -> memref<80x128xf32, #tpu.memory_space<vmem_shared>>
        %dma_start3A_182 = arith.constant 0 : i32
        %dma_start3A_183 = arith.constant 0 : i32
        %dma_start3A_184 = tpu.memref_slice %arg15[%dma_start3A_182, %dma_start3A_183] : memref<80x128xf32, #tpu.memory_space<vmem>> -> memref<80x128xf32, #tpu.memory_space<vmem>>
        %dma_start3A_185 = arith.constant 0 : i32
        %dma_start3A_186 = tpu.memref_slice %arg17[%add3A_124, %dma_start3A_185] : memref<10240x128xf32, #tpu.memory_space<vmem_shared>> -> memref<80x128xf32, #tpu.memory_space<vmem_shared>>
        tpu.enqueue_dma source(%dma_start3A_186 : memref<80x128xf32, #tpu.memory_space<vmem_shared>>) target(%dma_start3A_184 : memref<80x128xf32, #tpu.memory_space<vmem>>) target_semaphore(%run_scoped3A : memref<!tpu.dma_semaphore, #tpu.memory_space<semaphore_mem>>)
        %dma_wait3A_187 = arith.constant 0 : i32
        %dma_wait3A_188 = arith.constant 0 : i32
        %dma_wait3A_189 = tpu.memref_slice %arg15[%dma_wait3A_187, %dma_wait3A_188] : memref<80x128xf32, #tpu.memory_space<vmem>> -> memref<80x128xf32, #tpu.memory_space<vmem>>
        %dma_wait3A_190 = arith.constant 0 : i32
        %dma_wait3A_191 = tpu.memref_slice %arg17[%add3A_124, %dma_wait3A_190] : memref<10240x128xf32, #tpu.memory_space<vmem_shared>> -> memref<80x128xf32, #tpu.memory_space<vmem_shared>>
        %dma_wait3A_192 = arith.constant 0 : i32
        %dma_wait3A_193 = arith.constant 0 : i32
        %dma_wait3A_194 = tpu.memref_slice %arg15[%dma_wait3A_192, %dma_wait3A_193] : memref<80x128xf32, #tpu.memory_space<vmem>> -> memref<80x128xf32, #tpu.memory_space<vmem>>
        %dma_wait3A_195 = arith.constant 0 : i32
        %dma_wait3A_196 = tpu.memref_slice %arg17[%add3A_124, %dma_wait3A_195] : memref<10240x128xf32, #tpu.memory_space<vmem_shared>> -> memref<80x128xf32, #tpu.memory_space<vmem_shared>>
        tpu.wait_dma2 semaphore(%run_scoped3A : memref<!tpu.dma_semaphore, #tpu.memory_space<semaphore_mem>>) src(%dma_wait3A_196 : memref<80x128xf32, #tpu.memory_space<vmem_shared>>) dst(%dma_wait3A_194 : memref<80x128xf32, #tpu.memory_space<vmem>>)
        tpu.yield
      }) : () -> ()
      %mul3A_125 = arith.constant 2 : i32
      %mul3A_126 = arith.muli %mul3A_125, %add3A_96 : i32
      %add3A_127 = arith.constant 1 : i32
      %add3A_128 = arith.addi %mul3A_126, %add3A_127 : i32
      %mul3A_129 = arith.constant 80 : i32
      %mul3A_130 = arith.muli %add3A_128, %mul3A_129 : i32
      %dma_start3A_131 = arith.constant 0 : i32
      %dma_start3A_132 = arith.constant 0 : i32
      %dma_start3A_133 = tpu.memref_slice %arg15[%dma_start3A_131, %dma_start3A_132] : memref<80x128xf32, #tpu.memory_space<vmem>> -> memref<80x128xf32, #tpu.memory_space<vmem>>
      %dma_start3A_134 = arith.constant 0 : i32
      %dma_start3A_135 = tpu.memref_slice %arg7[%arg0, %arg1, %mul3A_130, %dma_start3A_134] : memref<2x16x640x128xf32, #tpu.memory_space<hbm>> -> memref<1x1x80x128xf32, #tpu.memory_space<hbm>>
      %dma_start3A_136 = tpu.memref_squeeze %dma_start3A_135 : memref<1x1x80x128xf32, #tpu.memory_space<hbm>> -> memref<80x128xf32, #tpu.memory_space<hbm>>
      %dma_start3A_137 = arith.constant 0 : i32
      %dma_start3A_138 = tpu.memref_slice %arg7[%arg0, %arg1, %mul3A_130, %dma_start3A_137] : memref<2x16x640x128xf32, #tpu.memory_space<hbm>> -> memref<1x1x80x128xf32, #tpu.memory_space<hbm>>
      %dma_start3A_139 = tpu.memref_squeeze %dma_start3A_138 : memref<1x1x80x128xf32, #tpu.memory_space<hbm>> -> memref<80x128xf32, #tpu.memory_space<hbm>>
      %dma_start3A_140 = arith.constant 0 : i32
      %dma_start3A_141 = arith.constant 0 : i32
      %dma_start3A_142 = tpu.memref_slice %arg15[%dma_start3A_140, %dma_start3A_141] : memref<80x128xf32, #tpu.memory_space<vmem>> -> memref<80x128xf32, #tpu.memory_space<vmem>>
      tpu.enqueue_dma source(%dma_start3A_142 : memref<80x128xf32, #tpu.memory_space<vmem>>) target(%dma_start3A_139 : memref<80x128xf32, #tpu.memory_space<hbm>>) target_semaphore(%arg19 : memref<!tpu.dma_semaphore, #tpu.memory_space<semaphore_mem>>)
      %mul3A_143 = arith.constant 2 : i32
      %mul3A_144 = arith.muli %mul3A_143, %add3A_96 : i32
      %mul3A_145 = arith.constant 80 : i32
      %mul3A_146 = arith.muli %mul3A_144, %mul3A_145 : i32
      %dma_wait3A_147 = arith.constant 0 : i32
      %dma_wait3A_148 = arith.constant 0 : i32
      %dma_wait3A_149 = tpu.memref_slice %arg14[%dma_wait3A_147, %dma_wait3A_148] : memref<80x128xf32, #tpu.memory_space<vmem>> -> memref<80x128xf32, #tpu.memory_space<vmem>>
      %dma_wait3A_150 = arith.constant 0 : i32
      %dma_wait3A_151 = tpu.memref_slice %arg7[%arg0, %arg1, %mul3A_146, %dma_wait3A_150] : memref<2x16x640x128xf32, #tpu.memory_space<hbm>> -> memref<1x1x80x128xf32, #tpu.memory_space<hbm>>
      %dma_wait3A_152 = tpu.memref_squeeze %dma_wait3A_151 : memref<1x1x80x128xf32, #tpu.memory_space<hbm>> -> memref<80x128xf32, #tpu.memory_space<hbm>>
      %dma_wait3A_153 = arith.constant 0 : i32
      %dma_wait3A_154 = tpu.memref_slice %arg7[%arg0, %arg1, %mul3A_146, %dma_wait3A_153] : memref<2x16x640x128xf32, #tpu.memory_space<hbm>> -> memref<1x1x80x128xf32, #tpu.memory_space<hbm>>
      %dma_wait3A_155 = tpu.memref_squeeze %dma_wait3A_154 : memref<1x1x80x128xf32, #tpu.memory_space<hbm>> -> memref<80x128xf32, #tpu.memory_space<hbm>>
      %dma_wait3A_156 = arith.constant 0 : i32
      %dma_wait3A_157 = arith.constant 0 : i32
      %dma_wait3A_158 = tpu.memref_slice %arg14[%dma_wait3A_156, %dma_wait3A_157] : memref<80x128xf32, #tpu.memory_space<vmem>> -> memref<80x128xf32, #tpu.memory_space<vmem>>
      tpu.wait_dma2 semaphore(%arg18 : memref<!tpu.dma_semaphore, #tpu.memory_space<semaphore_mem>>) src(%dma_wait3A_158 : memref<80x128xf32, #tpu.memory_space<vmem>>) dst(%dma_wait3A_155 : memref<80x128xf32, #tpu.memory_space<hbm>>)
      %mul3A_159 = arith.constant 2 : i32
      %mul3A_160 = arith.muli %mul3A_159, %add3A_96 : i32
      %add3A_161 = arith.constant 1 : i32
      %add3A_162 = arith.addi %mul3A_160, %add3A_161 : i32
      %mul3A_163 = arith.constant 80 : i32
      %mul3A_164 = arith.muli %add3A_162, %mul3A_163 : i32
      %dma_wait3A_165 = arith.constant 0 : i32
      %dma_wait3A_166 = arith.constant 0 : i32
      %dma_wait3A_167 = tpu.memref_slice %arg15[%dma_wait3A_165, %dma_wait3A_166] : memref<80x128xf32, #tpu.memory_space<vmem>> -> memref<80x128xf32, #tpu.memory_space<vmem>>
      %dma_wait3A_168 = arith.constant 0 : i32
      %dma_wait3A_169 = tpu.memref_slice %arg7[%arg0, %arg1, %mul3A_164, %dma_wait3A_168] : memref<2x16x640x128xf32, #tpu.memory_space<hbm>> -> memref<1x1x80x128xf32, #tpu.memory_space<hbm>>
      %dma_wait3A_170 = tpu.memref_squeeze %dma_wait3A_169 : memref<1x1x80x128xf32, #tpu.memory_space<hbm>> -> memref<80x128xf32, #tpu.memory_space<hbm>>
      %dma_wait3A_171 = arith.constant 0 : i32
      %dma_wait3A_172 = tpu.memref_slice %arg7[%arg0, %arg1, %mul3A_164, %dma_wait3A_171] : memref<2x16x640x128xf32, #tpu.memory_space<hbm>> -> memref<1x1x80x128xf32, #tpu.memory_space<hbm>>
      %dma_wait3A_173 = tpu.memref_squeeze %dma_wait3A_172 : memref<1x1x80x128xf32, #tpu.memory_space<hbm>> -> memref<80x128xf32, #tpu.memory_space<hbm>>
      %dma_wait3A_174 = arith.constant 0 : i32
      %dma_wait3A_175 = arith.constant 0 : i32
      %dma_wait3A_176 = tpu.memref_slice %arg15[%dma_wait3A_174, %dma_wait3A_175] : memref<80x128xf32, #tpu.memory_space<vmem>> -> memref<80x128xf32, #tpu.memory_space<vmem>>
      tpu.wait_dma2 semaphore(%arg19 : memref<!tpu.dma_semaphore, #tpu.memory_space<semaphore_mem>>) src(%dma_wait3A_176 : memref<80x128xf32, #tpu.memory_space<vmem>>) dst(%dma_wait3A_173 : memref<80x128xf32, #tpu.memory_space<hbm>>)
    }
    %scan3A_91 = arith.constant 4 : i32
    return
  }
}

#map = affine_map<(d0, d1) -> (0, 0)>
#map1 = affine_map<(d0, d1) -> (0)>
#map2 = affine_map<(d0, d1) -> (0, 0, 0, 0)>
module attributes {stable_mosaic.version = 14 : i64} {
  func.func @body(%arg0: i32, %arg1: i32, %arg2: memref<10240x128xf32, #tpu.memory_space<hbm>>, %arg3: memref<320000xi32, #tpu.memory_space<hbm>>, %arg4: memref<320000xi32, #tpu.memory_space<hbm>>, %arg5: memref<80x128xf32, #tpu.memory_space<hbm>>, %arg6: memref<80x128xf32, #tpu.memory_space<hbm>>, %arg7: memref<2x16x640x128xf32, #tpu.memory_space<hbm>>, %arg8: memref<2x16x640x128xf32, #tpu.memory_space<hbm>>, %arg9: memref<80xi32, #tpu.memory_space<vmem>>, %arg10: memref<80xi32, #tpu.memory_space<vmem>>, %arg11: memref<80xi32, #tpu.memory_space<vmem>>, %arg12: memref<80xi32, #tpu.memory_space<vmem>>, %arg13: memref<80xi32, #tpu.memory_space<vmem>>, %arg14: memref<80xi32, #tpu.memory_space<vmem>>, %arg15: memref<80x128xf32, #tpu.memory_space<vmem>>, %arg16: memref<80x128xf32, #tpu.memory_space<vmem>>, %arg17: memref<80x128xf32, #tpu.memory_space<vmem>>, %arg18: memref<10240x128xf32, #tpu.memory_space<vmem_shared>>, %arg19: memref<!tpu.dma_semaphore, #tpu.memory_space<semaphore_mem>>, %arg20: memref<!tpu.dma_semaphore, #tpu.memory_space<semaphore_mem>>, %arg21: memref<!tpu.dma_semaphore, #tpu.memory_space<semaphore_mem>>, %arg22: memref<!tpu.dma_semaphore, #tpu.memory_space<semaphore_mem>>, %arg23: memref<!tpu.dma_semaphore, #tpu.memory_space<semaphore_mem>>, %arg24: memref<!tpu.dma_semaphore, #tpu.memory_space<semaphore_mem>>, %arg25: memref<!tpu.dma_semaphore, #tpu.memory_space<semaphore_mem>>, %arg26: memref<!tpu.dma_semaphore, #tpu.memory_space<semaphore_mem>>, %arg27: memref<!tpu.dma_semaphore, #tpu.memory_space<semaphore_mem>>) attributes {dimension_semantics = [#tpu.dimension_semantics<core_parallel>, #tpu.dimension_semantics<subcore_parallel>], iteration_bounds = array<i64: 2, 16>, scalar_prefetch = 0 : i64, scratch_operands = 19 : i64, tpu.core_type = #tpu.core_type<sc_vector_subcore>, window_params = [{transform_indices = #map}, {transform_indices = #map1}, {transform_indices = #map1}, {transform_indices = #map}, {transform_indices = #map}, {transform_indices = #map2}, {transform_indices = #map2}]} {
    %mul3A = arith.constant 16 : i32
    %mul3A_0 = arith.muli %arg0, %mul3A : i32
    %add3A = arith.addi %mul3A_0, %arg1 : i32
    %mul3A_1 = arith.constant 640 : i32
    %mul3A_2 = arith.muli %arg1, %mul3A_1 : i32
    %mul3A_3 = arith.constant 10000 : i32
    %mul3A_4 = arith.muli %add3A, %mul3A_3 : i32
    "tpu.region"() ({
      %run_scoped3A = tpu.sem_alloc : memref<!tpu.dma_semaphore, #tpu.memory_space<semaphore_mem>>
      tpu.enqueue_dma source(%arg5 : memref<80x128xf32, #tpu.memory_space<hbm>>) target(%arg15 : memref<80x128xf32, #tpu.memory_space<vmem>>) target_semaphore(%run_scoped3A : memref<!tpu.dma_semaphore, #tpu.memory_space<semaphore_mem>>)
      tpu.wait_dma2 semaphore(%run_scoped3A : memref<!tpu.dma_semaphore, #tpu.memory_space<semaphore_mem>>) src(%arg5 : memref<80x128xf32, #tpu.memory_space<hbm>>) dst(%arg15 : memref<80x128xf32, #tpu.memory_space<vmem>>)
      tpu.yield
    }) : () -> ()
    %scan3A = arith.constant 0 : i32
    %scan3A_5 = arith.constant 8 : i32
    %scan3A_6 = arith.addi %scan3A, %scan3A_5 : i32
    %scan3A_7 = arith.constant 1 : i32
    scf.for %scan3A_133 = %scan3A to %scan3A_6 step %scan3A_7  : i32 {
      %mul3A_134 = arith.constant 1 : i32
      %mul3A_135 = arith.muli %scan3A_133, %mul3A_134 : i32
      %add3A_136 = arith.constant 0 : i32
      %add3A_137 = arith.addi %add3A_136, %mul3A_135 : i32
      %mul3A_138 = arith.constant 80 : i32
      %mul3A_139 = arith.muli %add3A_137, %mul3A_138 : i32
      %add3A_140 = arith.addi %mul3A_2, %mul3A_139 : i32
      %dma_start3A_141 = arith.constant 0 : i32
      %dma_start3A_142 = arith.constant 0 : i32
      %dma_start3A_143 = tpu.memref_slice %arg15[%dma_start3A_141, %dma_start3A_142] : memref<80x128xf32, #tpu.memory_space<vmem>> -> memref<80x128xf32, #tpu.memory_space<vmem>>
      %dma_start3A_144 = arith.constant 0 : i32
      %dma_start3A_145 = tpu.memref_slice %arg18[%add3A_140, %dma_start3A_144] : memref<10240x128xf32, #tpu.memory_space<vmem_shared>> -> memref<80x128xf32, #tpu.memory_space<vmem_shared>>
      %dma_start3A_146 = arith.constant 0 : i32
      %dma_start3A_147 = tpu.memref_slice %arg18[%add3A_140, %dma_start3A_146] : memref<10240x128xf32, #tpu.memory_space<vmem_shared>> -> memref<80x128xf32, #tpu.memory_space<vmem_shared>>
      %dma_start3A_148 = arith.constant 0 : i32
      %dma_start3A_149 = arith.constant 0 : i32
      %dma_start3A_150 = tpu.memref_slice %arg15[%dma_start3A_148, %dma_start3A_149] : memref<80x128xf32, #tpu.memory_space<vmem>> -> memref<80x128xf32, #tpu.memory_space<vmem>>
      tpu.enqueue_dma source(%dma_start3A_150 : memref<80x128xf32, #tpu.memory_space<vmem>>) target(%dma_start3A_147 : memref<80x128xf32, #tpu.memory_space<vmem_shared>>) target_semaphore(%arg21 : memref<!tpu.dma_semaphore, #tpu.memory_space<semaphore_mem>>)
    }
    %scan3A_8 = arith.constant 8 : i32
    %scan3A_9 = arith.constant 0 : i32
    %scan3A_10 = arith.constant 8 : i32
    %scan3A_11 = arith.addi %scan3A_9, %scan3A_10 : i32
    %scan3A_12 = arith.constant 1 : i32
    scf.for %scan3A_133 = %scan3A_9 to %scan3A_11 step %scan3A_12  : i32 {
      %mul3A_134 = arith.constant 1 : i32
      %mul3A_135 = arith.muli %scan3A_133, %mul3A_134 : i32
      %add3A_136 = arith.constant 0 : i32
      %add3A_137 = arith.addi %add3A_136, %mul3A_135 : i32
      %dma_wait3A_138 = arith.constant 0 : i32
      %dma_wait3A_139 = arith.constant 0 : i32
      %dma_wait3A_140 = tpu.memref_slice %arg15[%dma_wait3A_138, %dma_wait3A_139] : memref<80x128xf32, #tpu.memory_space<vmem>> -> memref<80x128xf32, #tpu.memory_space<vmem>>
      %dma_wait3A_141 = arith.constant 0 : i32
      %dma_wait3A_142 = tpu.memref_slice %arg18[%mul3A_2, %dma_wait3A_141] : memref<10240x128xf32, #tpu.memory_space<vmem_shared>> -> memref<80x128xf32, #tpu.memory_space<vmem_shared>>
      %dma_wait3A_143 = arith.constant 0 : i32
      %dma_wait3A_144 = tpu.memref_slice %arg18[%mul3A_2, %dma_wait3A_143] : memref<10240x128xf32, #tpu.memory_space<vmem_shared>> -> memref<80x128xf32, #tpu.memory_space<vmem_shared>>
      %dma_wait3A_145 = arith.constant 0 : i32
      %dma_wait3A_146 = arith.constant 0 : i32
      %dma_wait3A_147 = tpu.memref_slice %arg15[%dma_wait3A_145, %dma_wait3A_146] : memref<80x128xf32, #tpu.memory_space<vmem>> -> memref<80x128xf32, #tpu.memory_space<vmem>>
      tpu.wait_dma2 semaphore(%arg21 : memref<!tpu.dma_semaphore, #tpu.memory_space<semaphore_mem>>) src(%dma_wait3A_147 : memref<80x128xf32, #tpu.memory_space<vmem>>) dst(%dma_wait3A_144 : memref<80x128xf32, #tpu.memory_space<vmem_shared>>)
    }
    %scan3A_13 = arith.constant 8 : i32
    %barrier3A = arith.constant 0 : index
    tpu.barrier barrier_id(%barrier3A)
    %jit3A = arith.constant true
    %jit3A_14 = arith.constant 0 : i32
    %jit3A_15 = arith.constant 0 : i32
    %select_n3A = arith.select %jit3A, %jit3A_14, %jit3A_15 : i32
    %mul3A_16 = arith.constant 80 : i32
    %mul3A_17 = arith.muli %select_n3A, %mul3A_16 : i32
    %add3A_18 = arith.addi %mul3A_4, %mul3A_17 : i32
    %multiple_of3A = tpu.assume_multiple %add3A_18, 8 : i32
    %dma_start3A = tpu.memref_slice %arg4[%multiple_of3A] : memref<320000xi32, #tpu.memory_space<hbm>> -> memref<80xi32, #tpu.memory_space<hbm>>
    %dma_start3A_19 = tpu.memref_slice %arg4[%multiple_of3A] : memref<320000xi32, #tpu.memory_space<hbm>> -> memref<80xi32, #tpu.memory_space<hbm>>
    tpu.enqueue_dma source(%dma_start3A_19 : memref<80xi32, #tpu.memory_space<hbm>>) target(%arg12 : memref<80xi32, #tpu.memory_space<vmem>>) target_semaphore(%arg25 : memref<!tpu.dma_semaphore, #tpu.memory_space<semaphore_mem>>)
    %dma_start3A_20 = tpu.memref_slice %arg3[%multiple_of3A] : memref<320000xi32, #tpu.memory_space<hbm>> -> memref<80xi32, #tpu.memory_space<hbm>>
    %dma_start3A_21 = tpu.memref_slice %arg3[%multiple_of3A] : memref<320000xi32, #tpu.memory_space<hbm>> -> memref<80xi32, #tpu.memory_space<hbm>>
    tpu.enqueue_dma source(%dma_start3A_21 : memref<80xi32, #tpu.memory_space<hbm>>) target(%arg9 : memref<80xi32, #tpu.memory_space<vmem>>) target_semaphore(%arg22 : memref<!tpu.dma_semaphore, #tpu.memory_space<semaphore_mem>>)
    %jit3A_22 = arith.constant true
    %jit3A_23 = arith.constant 1 : i32
    %jit3A_24 = arith.constant 0 : i32
    %select_n3A_25 = arith.select %jit3A_22, %jit3A_23, %jit3A_24 : i32
    %mul3A_26 = arith.constant 80 : i32
    %mul3A_27 = arith.muli %select_n3A_25, %mul3A_26 : i32
    %add3A_28 = arith.addi %mul3A_4, %mul3A_27 : i32
    %multiple_of3A_29 = tpu.assume_multiple %add3A_28, 8 : i32
    %dma_start3A_30 = tpu.memref_slice %arg4[%multiple_of3A_29] : memref<320000xi32, #tpu.memory_space<hbm>> -> memref<80xi32, #tpu.memory_space<hbm>>
    %dma_start3A_31 = tpu.memref_slice %arg4[%multiple_of3A_29] : memref<320000xi32, #tpu.memory_space<hbm>> -> memref<80xi32, #tpu.memory_space<hbm>>
    tpu.enqueue_dma source(%dma_start3A_31 : memref<80xi32, #tpu.memory_space<hbm>>) target(%arg13 : memref<80xi32, #tpu.memory_space<vmem>>) target_semaphore(%arg26 : memref<!tpu.dma_semaphore, #tpu.memory_space<semaphore_mem>>)
    %dma_start3A_32 = tpu.memref_slice %arg3[%multiple_of3A_29] : memref<320000xi32, #tpu.memory_space<hbm>> -> memref<80xi32, #tpu.memory_space<hbm>>
    %dma_start3A_33 = tpu.memref_slice %arg3[%multiple_of3A_29] : memref<320000xi32, #tpu.memory_space<hbm>> -> memref<80xi32, #tpu.memory_space<hbm>>
    tpu.enqueue_dma source(%dma_start3A_33 : memref<80xi32, #tpu.memory_space<hbm>>) target(%arg10 : memref<80xi32, #tpu.memory_space<vmem>>) target_semaphore(%arg23 : memref<!tpu.dma_semaphore, #tpu.memory_space<semaphore_mem>>)
    %dma_wait3A = arith.constant 0 : i32
    %dma_wait3A_34 = tpu.memref_slice %arg3[%dma_wait3A] : memref<320000xi32, #tpu.memory_space<hbm>> -> memref<80xi32, #tpu.memory_space<hbm>>
    %dma_wait3A_35 = arith.constant 0 : i32
    %dma_wait3A_36 = tpu.memref_slice %arg3[%dma_wait3A_35] : memref<320000xi32, #tpu.memory_space<hbm>> -> memref<80xi32, #tpu.memory_space<hbm>>
    tpu.wait_dma2 semaphore(%arg22 : memref<!tpu.dma_semaphore, #tpu.memory_space<semaphore_mem>>) src(%dma_wait3A_36 : memref<80xi32, #tpu.memory_space<hbm>>) dst(%arg9 : memref<80xi32, #tpu.memory_space<vmem>>)
    %dma_start3A_37 = arith.constant 0 : i32
    %dma_start3A_38 = arith.constant 0 : i32
    %dma_start3A_39 = tpu.memref_slice %arg2[%dma_start3A_37, %dma_start3A_38] : memref<10240x128xf32, #tpu.memory_space<hbm>> -> memref<10240x128xf32, #tpu.memory_space<hbm>>
    tpu.enqueue_indirect_dma source(%dma_start3A_39 : memref<10240x128xf32, #tpu.memory_space<hbm>>) target(%arg15 : memref<80x128xf32, #tpu.memory_space<vmem>>) offsets(%arg9 : memref<80xi32, #tpu.memory_space<vmem>>) semaphore(%arg19 : memref<!tpu.dma_semaphore, #tpu.memory_space<semaphore_mem>>)
    %dma_wait3A_40 = arith.constant 0 : i32
    %dma_wait3A_41 = tpu.memref_slice %arg3[%dma_wait3A_40] : memref<320000xi32, #tpu.memory_space<hbm>> -> memref<80xi32, #tpu.memory_space<hbm>>
    %dma_wait3A_42 = arith.constant 0 : i32
    %dma_wait3A_43 = tpu.memref_slice %arg3[%dma_wait3A_42] : memref<320000xi32, #tpu.memory_space<hbm>> -> memref<80xi32, #tpu.memory_space<hbm>>
    tpu.wait_dma2 semaphore(%arg23 : memref<!tpu.dma_semaphore, #tpu.memory_space<semaphore_mem>>) src(%dma_wait3A_43 : memref<80xi32, #tpu.memory_space<hbm>>) dst(%arg10 : memref<80xi32, #tpu.memory_space<vmem>>)
    %dma_start3A_44 = arith.constant 0 : i32
    %dma_start3A_45 = arith.constant 0 : i32
    %dma_start3A_46 = tpu.memref_slice %arg2[%dma_start3A_44, %dma_start3A_45] : memref<10240x128xf32, #tpu.memory_space<hbm>> -> memref<10240x128xf32, #tpu.memory_space<hbm>>
    tpu.enqueue_indirect_dma source(%dma_start3A_46 : memref<10240x128xf32, #tpu.memory_space<hbm>>) target(%arg16 : memref<80x128xf32, #tpu.memory_space<vmem>>) offsets(%arg10 : memref<80xi32, #tpu.memory_space<vmem>>) semaphore(%arg20 : memref<!tpu.dma_semaphore, #tpu.memory_space<semaphore_mem>>)
    %jit3A_47 = arith.constant true
    %jit3A_48 = arith.constant 2 : i32
    %jit3A_49 = arith.constant 0 : i32
    %select_n3A_50 = arith.select %jit3A_47, %jit3A_48, %jit3A_49 : i32
    %mul3A_51 = arith.constant 80 : i32
    %mul3A_52 = arith.muli %select_n3A_50, %mul3A_51 : i32
    %add3A_53 = arith.addi %mul3A_4, %mul3A_52 : i32
    %multiple_of3A_54 = tpu.assume_multiple %add3A_53, 8 : i32
    %dma_start3A_55 = tpu.memref_slice %arg4[%multiple_of3A_54] : memref<320000xi32, #tpu.memory_space<hbm>> -> memref<80xi32, #tpu.memory_space<hbm>>
    %dma_start3A_56 = tpu.memref_slice %arg4[%multiple_of3A_54] : memref<320000xi32, #tpu.memory_space<hbm>> -> memref<80xi32, #tpu.memory_space<hbm>>
    tpu.enqueue_dma source(%dma_start3A_56 : memref<80xi32, #tpu.memory_space<hbm>>) target(%arg14 : memref<80xi32, #tpu.memory_space<vmem>>) target_semaphore(%arg27 : memref<!tpu.dma_semaphore, #tpu.memory_space<semaphore_mem>>)
    %dma_start3A_57 = tpu.memref_slice %arg3[%multiple_of3A_54] : memref<320000xi32, #tpu.memory_space<hbm>> -> memref<80xi32, #tpu.memory_space<hbm>>
    %dma_start3A_58 = tpu.memref_slice %arg3[%multiple_of3A_54] : memref<320000xi32, #tpu.memory_space<hbm>> -> memref<80xi32, #tpu.memory_space<hbm>>
    tpu.enqueue_dma source(%dma_start3A_58 : memref<80xi32, #tpu.memory_space<hbm>>) target(%arg11 : memref<80xi32, #tpu.memory_space<vmem>>) target_semaphore(%arg24 : memref<!tpu.dma_semaphore, #tpu.memory_space<semaphore_mem>>)
    %scan3A_59 = arith.constant 0 : i32
    %scan3A_60 = arith.constant 41 : i32
    %scan3A_61 = arith.addi %scan3A_59, %scan3A_60 : i32
    %scan3A_62 = arith.constant 1 : i32
    scf.for %scan3A_133 = %scan3A_59 to %scan3A_61 step %scan3A_62  : i32 {
      %mul3A_134 = arith.constant 3 : i32
      %mul3A_135 = arith.muli %scan3A_133, %mul3A_134 : i32
      %add3A_136 = arith.constant 0 : i32
      %add3A_137 = arith.addi %add3A_136, %mul3A_135 : i32
      %dma_wait3A_138 = arith.constant 0 : i32
      %dma_wait3A_139 = tpu.memref_slice %arg3[%dma_wait3A_138] : memref<320000xi32, #tpu.memory_space<hbm>> -> memref<80xi32, #tpu.memory_space<hbm>>
      %dma_wait3A_140 = arith.constant 0 : i32
      %dma_wait3A_141 = tpu.memref_slice %arg3[%dma_wait3A_140] : memref<320000xi32, #tpu.memory_space<hbm>> -> memref<80xi32, #tpu.memory_space<hbm>>
      tpu.wait_dma2 semaphore(%arg24 : memref<!tpu.dma_semaphore, #tpu.memory_space<semaphore_mem>>) src(%dma_wait3A_141 : memref<80xi32, #tpu.memory_space<hbm>>) dst(%arg11 : memref<80xi32, #tpu.memory_space<vmem>>)
      %dma_start3A_142 = arith.constant 0 : i32
      %dma_start3A_143 = arith.constant 0 : i32
      %dma_start3A_144 = tpu.memref_slice %arg2[%dma_start3A_142, %dma_start3A_143] : memref<10240x128xf32, #tpu.memory_space<hbm>> -> memref<10240x128xf32, #tpu.memory_space<hbm>>
      tpu.enqueue_indirect_dma source(%dma_start3A_144 : memref<10240x128xf32, #tpu.memory_space<hbm>>) target(%arg17 : memref<80x128xf32, #tpu.memory_space<vmem>>) offsets(%arg11 : memref<80xi32, #tpu.memory_space<vmem>>) semaphore(%arg21 : memref<!tpu.dma_semaphore, #tpu.memory_space<semaphore_mem>>)
      %dma_wait3A_145 = arith.constant 0 : i32
      %dma_wait3A_146 = arith.constant 0 : i32
      %dma_wait3A_147 = tpu.memref_slice %arg2[%dma_wait3A_145, %dma_wait3A_146] : memref<10240x128xf32, #tpu.memory_space<hbm>> -> memref<10240x128xf32, #tpu.memory_space<hbm>>
      tpu.wait_indirect_dma semaphore(%arg19 : memref<!tpu.dma_semaphore, #tpu.memory_space<semaphore_mem>>) src(%dma_wait3A_147 : memref<10240x128xf32, #tpu.memory_space<hbm>>) dst(%arg15 : memref<80x128xf32, #tpu.memory_space<vmem>>)
      %dma_wait3A_148 = arith.constant 0 : i32
      %dma_wait3A_149 = tpu.memref_slice %arg4[%dma_wait3A_148] : memref<320000xi32, #tpu.memory_space<hbm>> -> memref<80xi32, #tpu.memory_space<hbm>>
      %dma_wait3A_150 = arith.constant 0 : i32
      %dma_wait3A_151 = tpu.memref_slice %arg4[%dma_wait3A_150] : memref<320000xi32, #tpu.memory_space<hbm>> -> memref<80xi32, #tpu.memory_space<hbm>>
      tpu.wait_dma2 semaphore(%arg25 : memref<!tpu.dma_semaphore, #tpu.memory_space<semaphore_mem>>) src(%dma_wait3A_151 : memref<80xi32, #tpu.memory_space<hbm>>) dst(%arg12 : memref<80xi32, #tpu.memory_space<vmem>>)
      "tpu.region"() ({
        %run_scoped3A = tpu.sem_alloc : memref<!tpu.dma_semaphore, #tpu.memory_space<semaphore_mem>>
        %dma_start3A_221 = arith.constant 0 : i32
        %dma_start3A_222 = arith.constant 0 : i32
        %dma_start3A_223 = tpu.memref_slice %arg18[%dma_start3A_221, %dma_start3A_222] : memref<10240x128xf32, #tpu.memory_space<vmem_shared>> -> memref<10240x128xf32, #tpu.memory_space<vmem_shared>>
        tpu.enqueue_indirect_dma source(%arg15 : memref<80x128xf32, #tpu.memory_space<vmem>>) target(%dma_start3A_223 : memref<10240x128xf32, #tpu.memory_space<vmem_shared>>) offsets(%arg12 : memref<80xi32, #tpu.memory_space<vmem>>) semaphore(%run_scoped3A : memref<!tpu.dma_semaphore, #tpu.memory_space<semaphore_mem>>) {add = true}
        %dma_wait3A_224 = arith.constant 0 : i32
        %dma_wait3A_225 = arith.constant 0 : i32
        %dma_wait3A_226 = tpu.memref_slice %arg18[%dma_wait3A_224, %dma_wait3A_225] : memref<10240x128xf32, #tpu.memory_space<vmem_shared>> -> memref<10240x128xf32, #tpu.memory_space<vmem_shared>>
        tpu.wait_indirect_dma semaphore(%run_scoped3A : memref<!tpu.dma_semaphore, #tpu.memory_space<semaphore_mem>>) src(%arg15 : memref<80x128xf32, #tpu.memory_space<vmem>>) dst(%dma_wait3A_226 : memref<10240x128xf32, #tpu.memory_space<vmem_shared>>)
        tpu.yield
      }) : () -> ()
      %add3A_152 = arith.constant 3 : i32
      %add3A_153 = arith.addi %add3A_137, %add3A_152 : i32
      %lt3A = arith.constant 125 : i32
      %lt3A_154 = arith.cmpi slt, %add3A_153, %lt3A : i32
      %jit3A_155 = arith.constant 0 : i32
      %select_n3A_156 = arith.select %lt3A_154, %add3A_153, %jit3A_155 : i32
      %mul3A_157 = arith.constant 80 : i32
      %mul3A_158 = arith.muli %select_n3A_156, %mul3A_157 : i32
      %add3A_159 = arith.addi %mul3A_4, %mul3A_158 : i32
      %multiple_of3A_160 = tpu.assume_multiple %add3A_159, 8 : i32
      %dma_start3A_161 = tpu.memref_slice %arg4[%multiple_of3A_160] : memref<320000xi32, #tpu.memory_space<hbm>> -> memref<80xi32, #tpu.memory_space<hbm>>
      %dma_start3A_162 = tpu.memref_slice %arg4[%multiple_of3A_160] : memref<320000xi32, #tpu.memory_space<hbm>> -> memref<80xi32, #tpu.memory_space<hbm>>
      tpu.enqueue_dma source(%dma_start3A_162 : memref<80xi32, #tpu.memory_space<hbm>>) target(%arg12 : memref<80xi32, #tpu.memory_space<vmem>>) target_semaphore(%arg25 : memref<!tpu.dma_semaphore, #tpu.memory_space<semaphore_mem>>)
      %dma_start3A_163 = tpu.memref_slice %arg3[%multiple_of3A_160] : memref<320000xi32, #tpu.memory_space<hbm>> -> memref<80xi32, #tpu.memory_space<hbm>>
      %dma_start3A_164 = tpu.memref_slice %arg3[%multiple_of3A_160] : memref<320000xi32, #tpu.memory_space<hbm>> -> memref<80xi32, #tpu.memory_space<hbm>>
      tpu.enqueue_dma source(%dma_start3A_164 : memref<80xi32, #tpu.memory_space<hbm>>) target(%arg9 : memref<80xi32, #tpu.memory_space<vmem>>) target_semaphore(%arg22 : memref<!tpu.dma_semaphore, #tpu.memory_space<semaphore_mem>>)
      %dma_wait3A_165 = arith.constant 0 : i32
      %dma_wait3A_166 = arith.constant 0 : i32
      %dma_wait3A_167 = tpu.memref_slice %arg2[%dma_wait3A_165, %dma_wait3A_166] : memref<10240x128xf32, #tpu.memory_space<hbm>> -> memref<10240x128xf32, #tpu.memory_space<hbm>>
      tpu.wait_indirect_dma semaphore(%arg20 : memref<!tpu.dma_semaphore, #tpu.memory_space<semaphore_mem>>) src(%dma_wait3A_167 : memref<10240x128xf32, #tpu.memory_space<hbm>>) dst(%arg16 : memref<80x128xf32, #tpu.memory_space<vmem>>)
      %dma_wait3A_168 = arith.constant 0 : i32
      %dma_wait3A_169 = tpu.memref_slice %arg4[%dma_wait3A_168] : memref<320000xi32, #tpu.memory_space<hbm>> -> memref<80xi32, #tpu.memory_space<hbm>>
      %dma_wait3A_170 = arith.constant 0 : i32
      %dma_wait3A_171 = tpu.memref_slice %arg4[%dma_wait3A_170] : memref<320000xi32, #tpu.memory_space<hbm>> -> memref<80xi32, #tpu.memory_space<hbm>>
      tpu.wait_dma2 semaphore(%arg26 : memref<!tpu.dma_semaphore, #tpu.memory_space<semaphore_mem>>) src(%dma_wait3A_171 : memref<80xi32, #tpu.memory_space<hbm>>) dst(%arg13 : memref<80xi32, #tpu.memory_space<vmem>>)
      "tpu.region"() ({
        %run_scoped3A = tpu.sem_alloc : memref<!tpu.dma_semaphore, #tpu.memory_space<semaphore_mem>>
        %dma_start3A_221 = arith.constant 0 : i32
        %dma_start3A_222 = arith.constant 0 : i32
        %dma_start3A_223 = tpu.memref_slice %arg18[%dma_start3A_221, %dma_start3A_222] : memref<10240x128xf32, #tpu.memory_space<vmem_shared>> -> memref<10240x128xf32, #tpu.memory_space<vmem_shared>>
        tpu.enqueue_indirect_dma source(%arg16 : memref<80x128xf32, #tpu.memory_space<vmem>>) target(%dma_start3A_223 : memref<10240x128xf32, #tpu.memory_space<vmem_shared>>) offsets(%arg13 : memref<80xi32, #tpu.memory_space<vmem>>) semaphore(%run_scoped3A : memref<!tpu.dma_semaphore, #tpu.memory_space<semaphore_mem>>) {add = true}
        %dma_wait3A_224 = arith.constant 0 : i32
        %dma_wait3A_225 = arith.constant 0 : i32
        %dma_wait3A_226 = tpu.memref_slice %arg18[%dma_wait3A_224, %dma_wait3A_225] : memref<10240x128xf32, #tpu.memory_space<vmem_shared>> -> memref<10240x128xf32, #tpu.memory_space<vmem_shared>>
        tpu.wait_indirect_dma semaphore(%run_scoped3A : memref<!tpu.dma_semaphore, #tpu.memory_space<semaphore_mem>>) src(%arg16 : memref<80x128xf32, #tpu.memory_space<vmem>>) dst(%dma_wait3A_226 : memref<10240x128xf32, #tpu.memory_space<vmem_shared>>)
        tpu.yield
      }) : () -> ()
      %add3A_172 = arith.constant 4 : i32
      %add3A_173 = arith.addi %add3A_137, %add3A_172 : i32
      %lt3A_174 = arith.constant 125 : i32
      %lt3A_175 = arith.cmpi slt, %add3A_173, %lt3A_174 : i32
      %jit3A_176 = arith.constant 0 : i32
      %select_n3A_177 = arith.select %lt3A_175, %add3A_173, %jit3A_176 : i32
      %mul3A_178 = arith.constant 80 : i32
      %mul3A_179 = arith.muli %select_n3A_177, %mul3A_178 : i32
      %add3A_180 = arith.addi %mul3A_4, %mul3A_179 : i32
      %multiple_of3A_181 = tpu.assume_multiple %add3A_180, 8 : i32
      %dma_start3A_182 = tpu.memref_slice %arg4[%multiple_of3A_181] : memref<320000xi32, #tpu.memory_space<hbm>> -> memref<80xi32, #tpu.memory_space<hbm>>
      %dma_start3A_183 = tpu.memref_slice %arg4[%multiple_of3A_181] : memref<320000xi32, #tpu.memory_space<hbm>> -> memref<80xi32, #tpu.memory_space<hbm>>
      tpu.enqueue_dma source(%dma_start3A_183 : memref<80xi32, #tpu.memory_space<hbm>>) target(%arg13 : memref<80xi32, #tpu.memory_space<vmem>>) target_semaphore(%arg26 : memref<!tpu.dma_semaphore, #tpu.memory_space<semaphore_mem>>)
      %dma_start3A_184 = tpu.memref_slice %arg3[%multiple_of3A_181] : memref<320000xi32, #tpu.memory_space<hbm>> -> memref<80xi32, #tpu.memory_space<hbm>>
      %dma_start3A_185 = tpu.memref_slice %arg3[%multiple_of3A_181] : memref<320000xi32, #tpu.memory_space<hbm>> -> memref<80xi32, #tpu.memory_space<hbm>>
      tpu.enqueue_dma source(%dma_start3A_185 : memref<80xi32, #tpu.memory_space<hbm>>) target(%arg10 : memref<80xi32, #tpu.memory_space<vmem>>) target_semaphore(%arg23 : memref<!tpu.dma_semaphore, #tpu.memory_space<semaphore_mem>>)
      %dma_wait3A_186 = arith.constant 0 : i32
      %dma_wait3A_187 = tpu.memref_slice %arg3[%dma_wait3A_186] : memref<320000xi32, #tpu.memory_space<hbm>> -> memref<80xi32, #tpu.memory_space<hbm>>
      %dma_wait3A_188 = arith.constant 0 : i32
      %dma_wait3A_189 = tpu.memref_slice %arg3[%dma_wait3A_188] : memref<320000xi32, #tpu.memory_space<hbm>> -> memref<80xi32, #tpu.memory_space<hbm>>
      tpu.wait_dma2 semaphore(%arg22 : memref<!tpu.dma_semaphore, #tpu.memory_space<semaphore_mem>>) src(%dma_wait3A_189 : memref<80xi32, #tpu.memory_space<hbm>>) dst(%arg9 : memref<80xi32, #tpu.memory_space<vmem>>)
      %dma_start3A_190 = arith.constant 0 : i32
      %dma_start3A_191 = arith.constant 0 : i32
      %dma_start3A_192 = tpu.memref_slice %arg2[%dma_start3A_190, %dma_start3A_191] : memref<10240x128xf32, #tpu.memory_space<hbm>> -> memref<10240x128xf32, #tpu.memory_space<hbm>>
      tpu.enqueue_indirect_dma source(%dma_start3A_192 : memref<10240x128xf32, #tpu.memory_space<hbm>>) target(%arg15 : memref<80x128xf32, #tpu.memory_space<vmem>>) offsets(%arg9 : memref<80xi32, #tpu.memory_space<vmem>>) semaphore(%arg19 : memref<!tpu.dma_semaphore, #tpu.memory_space<semaphore_mem>>)
      %dma_wait3A_193 = arith.constant 0 : i32
      %dma_wait3A_194 = arith.constant 0 : i32
      %dma_wait3A_195 = tpu.memref_slice %arg2[%dma_wait3A_193, %dma_wait3A_194] : memref<10240x128xf32, #tpu.memory_space<hbm>> -> memref<10240x128xf32, #tpu.memory_space<hbm>>
      tpu.wait_indirect_dma semaphore(%arg21 : memref<!tpu.dma_semaphore, #tpu.memory_space<semaphore_mem>>) src(%dma_wait3A_195 : memref<10240x128xf32, #tpu.memory_space<hbm>>) dst(%arg17 : memref<80x128xf32, #tpu.memory_space<vmem>>)
      %dma_wait3A_196 = arith.constant 0 : i32
      %dma_wait3A_197 = tpu.memref_slice %arg4[%dma_wait3A_196] : memref<320000xi32, #tpu.memory_space<hbm>> -> memref<80xi32, #tpu.memory_space<hbm>>
      %dma_wait3A_198 = arith.constant 0 : i32
      %dma_wait3A_199 = tpu.memref_slice %arg4[%dma_wait3A_198] : memref<320000xi32, #tpu.memory_space<hbm>> -> memref<80xi32, #tpu.memory_space<hbm>>
      tpu.wait_dma2 semaphore(%arg27 : memref<!tpu.dma_semaphore, #tpu.memory_space<semaphore_mem>>) src(%dma_wait3A_199 : memref<80xi32, #tpu.memory_space<hbm>>) dst(%arg14 : memref<80xi32, #tpu.memory_space<vmem>>)
      "tpu.region"() ({
        %run_scoped3A = tpu.sem_alloc : memref<!tpu.dma_semaphore, #tpu.memory_space<semaphore_mem>>
        %dma_start3A_221 = arith.constant 0 : i32
        %dma_start3A_222 = arith.constant 0 : i32
        %dma_start3A_223 = tpu.memref_slice %arg18[%dma_start3A_221, %dma_start3A_222] : memref<10240x128xf32, #tpu.memory_space<vmem_shared>> -> memref<10240x128xf32, #tpu.memory_space<vmem_shared>>
        tpu.enqueue_indirect_dma source(%arg17 : memref<80x128xf32, #tpu.memory_space<vmem>>) target(%dma_start3A_223 : memref<10240x128xf32, #tpu.memory_space<vmem_shared>>) offsets(%arg14 : memref<80xi32, #tpu.memory_space<vmem>>) semaphore(%run_scoped3A : memref<!tpu.dma_semaphore, #tpu.memory_space<semaphore_mem>>) {add = true}
        %dma_wait3A_224 = arith.constant 0 : i32
        %dma_wait3A_225 = arith.constant 0 : i32
        %dma_wait3A_226 = tpu.memref_slice %arg18[%dma_wait3A_224, %dma_wait3A_225] : memref<10240x128xf32, #tpu.memory_space<vmem_shared>> -> memref<10240x128xf32, #tpu.memory_space<vmem_shared>>
        tpu.wait_indirect_dma semaphore(%run_scoped3A : memref<!tpu.dma_semaphore, #tpu.memory_space<semaphore_mem>>) src(%arg17 : memref<80x128xf32, #tpu.memory_space<vmem>>) dst(%dma_wait3A_226 : memref<10240x128xf32, #tpu.memory_space<vmem_shared>>)
        tpu.yield
      }) : () -> ()
      %add3A_200 = arith.constant 5 : i32
      %add3A_201 = arith.addi %add3A_137, %add3A_200 : i32
      %lt3A_202 = arith.constant 125 : i32
      %lt3A_203 = arith.cmpi slt, %add3A_201, %lt3A_202 : i32
      %jit3A_204 = arith.constant 0 : i32
      %select_n3A_205 = arith.select %lt3A_203, %add3A_201, %jit3A_204 : i32
      %mul3A_206 = arith.constant 80 : i32
      %mul3A_207 = arith.muli %select_n3A_205, %mul3A_206 : i32
      %add3A_208 = arith.addi %mul3A_4, %mul3A_207 : i32
      %multiple_of3A_209 = tpu.assume_multiple %add3A_208, 8 : i32
      %dma_start3A_210 = tpu.memref_slice %arg4[%multiple_of3A_209] : memref<320000xi32, #tpu.memory_space<hbm>> -> memref<80xi32, #tpu.memory_space<hbm>>
      %dma_start3A_211 = tpu.memref_slice %arg4[%multiple_of3A_209] : memref<320000xi32, #tpu.memory_space<hbm>> -> memref<80xi32, #tpu.memory_space<hbm>>
      tpu.enqueue_dma source(%dma_start3A_211 : memref<80xi32, #tpu.memory_space<hbm>>) target(%arg14 : memref<80xi32, #tpu.memory_space<vmem>>) target_semaphore(%arg27 : memref<!tpu.dma_semaphore, #tpu.memory_space<semaphore_mem>>)
      %dma_start3A_212 = tpu.memref_slice %arg3[%multiple_of3A_209] : memref<320000xi32, #tpu.memory_space<hbm>> -> memref<80xi32, #tpu.memory_space<hbm>>
      %dma_start3A_213 = tpu.memref_slice %arg3[%multiple_of3A_209] : memref<320000xi32, #tpu.memory_space<hbm>> -> memref<80xi32, #tpu.memory_space<hbm>>
      tpu.enqueue_dma source(%dma_start3A_213 : memref<80xi32, #tpu.memory_space<hbm>>) target(%arg11 : memref<80xi32, #tpu.memory_space<vmem>>) target_semaphore(%arg24 : memref<!tpu.dma_semaphore, #tpu.memory_space<semaphore_mem>>)
      %dma_wait3A_214 = arith.constant 0 : i32
      %dma_wait3A_215 = tpu.memref_slice %arg3[%dma_wait3A_214] : memref<320000xi32, #tpu.memory_space<hbm>> -> memref<80xi32, #tpu.memory_space<hbm>>
      %dma_wait3A_216 = arith.constant 0 : i32
      %dma_wait3A_217 = tpu.memref_slice %arg3[%dma_wait3A_216] : memref<320000xi32, #tpu.memory_space<hbm>> -> memref<80xi32, #tpu.memory_space<hbm>>
      tpu.wait_dma2 semaphore(%arg23 : memref<!tpu.dma_semaphore, #tpu.memory_space<semaphore_mem>>) src(%dma_wait3A_217 : memref<80xi32, #tpu.memory_space<hbm>>) dst(%arg10 : memref<80xi32, #tpu.memory_space<vmem>>)
      %dma_start3A_218 = arith.constant 0 : i32
      %dma_start3A_219 = arith.constant 0 : i32
      %dma_start3A_220 = tpu.memref_slice %arg2[%dma_start3A_218, %dma_start3A_219] : memref<10240x128xf32, #tpu.memory_space<hbm>> -> memref<10240x128xf32, #tpu.memory_space<hbm>>
      tpu.enqueue_indirect_dma source(%dma_start3A_220 : memref<10240x128xf32, #tpu.memory_space<hbm>>) target(%arg16 : memref<80x128xf32, #tpu.memory_space<vmem>>) offsets(%arg10 : memref<80xi32, #tpu.memory_space<vmem>>) semaphore(%arg20 : memref<!tpu.dma_semaphore, #tpu.memory_space<semaphore_mem>>)
    }
    %scan3A_63 = arith.constant 41 : i32
    %dma_wait3A_64 = arith.constant 0 : i32
    %dma_wait3A_65 = arith.constant 0 : i32
    %dma_wait3A_66 = tpu.memref_slice %arg2[%dma_wait3A_64, %dma_wait3A_65] : memref<10240x128xf32, #tpu.memory_space<hbm>> -> memref<10240x128xf32, #tpu.memory_space<hbm>>
    tpu.wait_indirect_dma semaphore(%arg19 : memref<!tpu.dma_semaphore, #tpu.memory_space<semaphore_mem>>) src(%dma_wait3A_66 : memref<10240x128xf32, #tpu.memory_space<hbm>>) dst(%arg15 : memref<80x128xf32, #tpu.memory_space<vmem>>)
    %dma_wait3A_67 = arith.constant 0 : i32
    %dma_wait3A_68 = tpu.memref_slice %arg4[%dma_wait3A_67] : memref<320000xi32, #tpu.memory_space<hbm>> -> memref<80xi32, #tpu.memory_space<hbm>>
    %dma_wait3A_69 = arith.constant 0 : i32
    %dma_wait3A_70 = tpu.memref_slice %arg4[%dma_wait3A_69] : memref<320000xi32, #tpu.memory_space<hbm>> -> memref<80xi32, #tpu.memory_space<hbm>>
    tpu.wait_dma2 semaphore(%arg25 : memref<!tpu.dma_semaphore, #tpu.memory_space<semaphore_mem>>) src(%dma_wait3A_70 : memref<80xi32, #tpu.memory_space<hbm>>) dst(%arg12 : memref<80xi32, #tpu.memory_space<vmem>>)
    "tpu.region"() ({
      %run_scoped3A = tpu.sem_alloc : memref<!tpu.dma_semaphore, #tpu.memory_space<semaphore_mem>>
      %dma_start3A_133 = arith.constant 0 : i32
      %dma_start3A_134 = arith.constant 0 : i32
      %dma_start3A_135 = tpu.memref_slice %arg18[%dma_start3A_133, %dma_start3A_134] : memref<10240x128xf32, #tpu.memory_space<vmem_shared>> -> memref<10240x128xf32, #tpu.memory_space<vmem_shared>>
      tpu.enqueue_indirect_dma source(%arg15 : memref<80x128xf32, #tpu.memory_space<vmem>>) target(%dma_start3A_135 : memref<10240x128xf32, #tpu.memory_space<vmem_shared>>) offsets(%arg12 : memref<80xi32, #tpu.memory_space<vmem>>) semaphore(%run_scoped3A : memref<!tpu.dma_semaphore, #tpu.memory_space<semaphore_mem>>) {add = true}
      %dma_wait3A_136 = arith.constant 0 : i32
      %dma_wait3A_137 = arith.constant 0 : i32
      %dma_wait3A_138 = tpu.memref_slice %arg18[%dma_wait3A_136, %dma_wait3A_137] : memref<10240x128xf32, #tpu.memory_space<vmem_shared>> -> memref<10240x128xf32, #tpu.memory_space<vmem_shared>>
      tpu.wait_indirect_dma semaphore(%run_scoped3A : memref<!tpu.dma_semaphore, #tpu.memory_space<semaphore_mem>>) src(%arg15 : memref<80x128xf32, #tpu.memory_space<vmem>>) dst(%dma_wait3A_138 : memref<10240x128xf32, #tpu.memory_space<vmem_shared>>)
      tpu.yield
    }) : () -> ()
    %dma_wait3A_71 = arith.constant 0 : i32
    %dma_wait3A_72 = arith.constant 0 : i32
    %dma_wait3A_73 = tpu.memref_slice %arg2[%dma_wait3A_71, %dma_wait3A_72] : memref<10240x128xf32, #tpu.memory_space<hbm>> -> memref<10240x128xf32, #tpu.memory_space<hbm>>
    tpu.wait_indirect_dma semaphore(%arg20 : memref<!tpu.dma_semaphore, #tpu.memory_space<semaphore_mem>>) src(%dma_wait3A_73 : memref<10240x128xf32, #tpu.memory_space<hbm>>) dst(%arg16 : memref<80x128xf32, #tpu.memory_space<vmem>>)
    %dma_wait3A_74 = arith.constant 0 : i32
    %dma_wait3A_75 = tpu.memref_slice %arg4[%dma_wait3A_74] : memref<320000xi32, #tpu.memory_space<hbm>> -> memref<80xi32, #tpu.memory_space<hbm>>
    %dma_wait3A_76 = arith.constant 0 : i32
    %dma_wait3A_77 = tpu.memref_slice %arg4[%dma_wait3A_76] : memref<320000xi32, #tpu.memory_space<hbm>> -> memref<80xi32, #tpu.memory_space<hbm>>
    tpu.wait_dma2 semaphore(%arg26 : memref<!tpu.dma_semaphore, #tpu.memory_space<semaphore_mem>>) src(%dma_wait3A_77 : memref<80xi32, #tpu.memory_space<hbm>>) dst(%arg13 : memref<80xi32, #tpu.memory_space<vmem>>)
    "tpu.region"() ({
      %run_scoped3A = tpu.sem_alloc : memref<!tpu.dma_semaphore, #tpu.memory_space<semaphore_mem>>
      %dma_start3A_133 = arith.constant 0 : i32
      %dma_start3A_134 = arith.constant 0 : i32
      %dma_start3A_135 = tpu.memref_slice %arg18[%dma_start3A_133, %dma_start3A_134] : memref<10240x128xf32, #tpu.memory_space<vmem_shared>> -> memref<10240x128xf32, #tpu.memory_space<vmem_shared>>
      tpu.enqueue_indirect_dma source(%arg16 : memref<80x128xf32, #tpu.memory_space<vmem>>) target(%dma_start3A_135 : memref<10240x128xf32, #tpu.memory_space<vmem_shared>>) offsets(%arg13 : memref<80xi32, #tpu.memory_space<vmem>>) semaphore(%run_scoped3A : memref<!tpu.dma_semaphore, #tpu.memory_space<semaphore_mem>>) {add = true}
      %dma_wait3A_136 = arith.constant 0 : i32
      %dma_wait3A_137 = arith.constant 0 : i32
      %dma_wait3A_138 = tpu.memref_slice %arg18[%dma_wait3A_136, %dma_wait3A_137] : memref<10240x128xf32, #tpu.memory_space<vmem_shared>> -> memref<10240x128xf32, #tpu.memory_space<vmem_shared>>
      tpu.wait_indirect_dma semaphore(%run_scoped3A : memref<!tpu.dma_semaphore, #tpu.memory_space<semaphore_mem>>) src(%arg16 : memref<80x128xf32, #tpu.memory_space<vmem>>) dst(%dma_wait3A_138 : memref<10240x128xf32, #tpu.memory_space<vmem_shared>>)
      tpu.yield
    }) : () -> ()
    %dma_wait3A_78 = arith.constant 0 : i32
    %dma_wait3A_79 = tpu.memref_slice %arg3[%dma_wait3A_78] : memref<320000xi32, #tpu.memory_space<hbm>> -> memref<80xi32, #tpu.memory_space<hbm>>
    %dma_wait3A_80 = arith.constant 0 : i32
    %dma_wait3A_81 = tpu.memref_slice %arg3[%dma_wait3A_80] : memref<320000xi32, #tpu.memory_space<hbm>> -> memref<80xi32, #tpu.memory_space<hbm>>
    tpu.wait_dma2 semaphore(%arg24 : memref<!tpu.dma_semaphore, #tpu.memory_space<semaphore_mem>>) src(%dma_wait3A_81 : memref<80xi32, #tpu.memory_space<hbm>>) dst(%arg11 : memref<80xi32, #tpu.memory_space<vmem>>)
    %dma_wait3A_82 = arith.constant 0 : i32
    %dma_wait3A_83 = tpu.memref_slice %arg4[%dma_wait3A_82] : memref<320000xi32, #tpu.memory_space<hbm>> -> memref<80xi32, #tpu.memory_space<hbm>>
    %dma_wait3A_84 = arith.constant 0 : i32
    %dma_wait3A_85 = tpu.memref_slice %arg4[%dma_wait3A_84] : memref<320000xi32, #tpu.memory_space<hbm>> -> memref<80xi32, #tpu.memory_space<hbm>>
    tpu.wait_dma2 semaphore(%arg27 : memref<!tpu.dma_semaphore, #tpu.memory_space<semaphore_mem>>) src(%dma_wait3A_85 : memref<80xi32, #tpu.memory_space<hbm>>) dst(%arg14 : memref<80xi32, #tpu.memory_space<vmem>>)
    %barrier3A_86 = arith.constant 0 : index
    tpu.barrier barrier_id(%barrier3A_86)
    %scan3A_87 = arith.constant 0 : i32
    %scan3A_88 = arith.constant 4 : i32
    %scan3A_89 = arith.addi %scan3A_87, %scan3A_88 : i32
    %scan3A_90 = arith.constant 1 : i32
    scf.for %scan3A_133 = %scan3A_87 to %scan3A_89 step %scan3A_90  : i32 {
      %mul3A_134 = arith.constant 1 : i32
      %mul3A_135 = arith.muli %scan3A_133, %mul3A_134 : i32
      %add3A_136 = arith.constant 0 : i32
      %add3A_137 = arith.addi %add3A_136, %mul3A_135 : i32
      %mul3A_138 = arith.constant 2 : i32
      %mul3A_139 = arith.muli %mul3A_138, %add3A_137 : i32
      %mul3A_140 = arith.constant 80 : i32
      %mul3A_141 = arith.muli %mul3A_139, %mul3A_140 : i32
      %add3A_142 = arith.addi %mul3A_2, %mul3A_141 : i32
      "tpu.region"() ({
        %run_scoped3A = tpu.sem_alloc : memref<!tpu.dma_semaphore, #tpu.memory_space<semaphore_mem>>
        %dma_start3A_218 = arith.constant 0 : i32
        %dma_start3A_219 = arith.constant 0 : i32
        %dma_start3A_220 = tpu.memref_slice %arg15[%dma_start3A_218, %dma_start3A_219] : memref<80x128xf32, #tpu.memory_space<vmem>> -> memref<80x128xf32, #tpu.memory_space<vmem>>
        %dma_start3A_221 = arith.constant 0 : i32
        %dma_start3A_222 = tpu.memref_slice %arg18[%add3A_142, %dma_start3A_221] : memref<10240x128xf32, #tpu.memory_space<vmem_shared>> -> memref<80x128xf32, #tpu.memory_space<vmem_shared>>
        %dma_start3A_223 = arith.constant 0 : i32
        %dma_start3A_224 = arith.constant 0 : i32
        %dma_start3A_225 = tpu.memref_slice %arg15[%dma_start3A_223, %dma_start3A_224] : memref<80x128xf32, #tpu.memory_space<vmem>> -> memref<80x128xf32, #tpu.memory_space<vmem>>
        %dma_start3A_226 = arith.constant 0 : i32
        %dma_start3A_227 = tpu.memref_slice %arg18[%add3A_142, %dma_start3A_226] : memref<10240x128xf32, #tpu.memory_space<vmem_shared>> -> memref<80x128xf32, #tpu.memory_space<vmem_shared>>
        tpu.enqueue_dma source(%dma_start3A_227 : memref<80x128xf32, #tpu.memory_space<vmem_shared>>) target(%dma_start3A_225 : memref<80x128xf32, #tpu.memory_space<vmem>>) target_semaphore(%run_scoped3A : memref<!tpu.dma_semaphore, #tpu.memory_space<semaphore_mem>>)
        %dma_wait3A_228 = arith.constant 0 : i32
        %dma_wait3A_229 = arith.constant 0 : i32
        %dma_wait3A_230 = tpu.memref_slice %arg15[%dma_wait3A_228, %dma_wait3A_229] : memref<80x128xf32, #tpu.memory_space<vmem>> -> memref<80x128xf32, #tpu.memory_space<vmem>>
        %dma_wait3A_231 = arith.constant 0 : i32
        %dma_wait3A_232 = tpu.memref_slice %arg18[%add3A_142, %dma_wait3A_231] : memref<10240x128xf32, #tpu.memory_space<vmem_shared>> -> memref<80x128xf32, #tpu.memory_space<vmem_shared>>
        %dma_wait3A_233 = arith.constant 0 : i32
        %dma_wait3A_234 = arith.constant 0 : i32
        %dma_wait3A_235 = tpu.memref_slice %arg15[%dma_wait3A_233, %dma_wait3A_234] : memref<80x128xf32, #tpu.memory_space<vmem>> -> memref<80x128xf32, #tpu.memory_space<vmem>>
        %dma_wait3A_236 = arith.constant 0 : i32
        %dma_wait3A_237 = tpu.memref_slice %arg18[%add3A_142, %dma_wait3A_236] : memref<10240x128xf32, #tpu.memory_space<vmem_shared>> -> memref<80x128xf32, #tpu.memory_space<vmem_shared>>
        tpu.wait_dma2 semaphore(%run_scoped3A : memref<!tpu.dma_semaphore, #tpu.memory_space<semaphore_mem>>) src(%dma_wait3A_237 : memref<80x128xf32, #tpu.memory_space<vmem_shared>>) dst(%dma_wait3A_235 : memref<80x128xf32, #tpu.memory_space<vmem>>)
        tpu.yield
      }) : () -> ()
      %mul3A_143 = arith.constant 2 : i32
      %mul3A_144 = arith.muli %mul3A_143, %add3A_137 : i32
      %mul3A_145 = arith.constant 80 : i32
      %mul3A_146 = arith.muli %mul3A_144, %mul3A_145 : i32
      %dma_start3A_147 = arith.constant 0 : i32
      %dma_start3A_148 = arith.constant 0 : i32
      %dma_start3A_149 = tpu.memref_slice %arg15[%dma_start3A_147, %dma_start3A_148] : memref<80x128xf32, #tpu.memory_space<vmem>> -> memref<80x128xf32, #tpu.memory_space<vmem>>
      %dma_start3A_150 = arith.constant 0 : i32
      %dma_start3A_151 = tpu.memref_slice %arg7[%arg0, %arg1, %mul3A_146, %dma_start3A_150] : memref<2x16x640x128xf32, #tpu.memory_space<hbm>> -> memref<1x1x80x128xf32, #tpu.memory_space<hbm>>
      %dma_start3A_152 = tpu.memref_squeeze %dma_start3A_151 : memref<1x1x80x128xf32, #tpu.memory_space<hbm>> -> memref<80x128xf32, #tpu.memory_space<hbm>>
      %dma_start3A_153 = arith.constant 0 : i32
      %dma_start3A_154 = tpu.memref_slice %arg7[%arg0, %arg1, %mul3A_146, %dma_start3A_153] : memref<2x16x640x128xf32, #tpu.memory_space<hbm>> -> memref<1x1x80x128xf32, #tpu.memory_space<hbm>>
      %dma_start3A_155 = tpu.memref_squeeze %dma_start3A_154 : memref<1x1x80x128xf32, #tpu.memory_space<hbm>> -> memref<80x128xf32, #tpu.memory_space<hbm>>
      %dma_start3A_156 = arith.constant 0 : i32
      %dma_start3A_157 = arith.constant 0 : i32
      %dma_start3A_158 = tpu.memref_slice %arg15[%dma_start3A_156, %dma_start3A_157] : memref<80x128xf32, #tpu.memory_space<vmem>> -> memref<80x128xf32, #tpu.memory_space<vmem>>
      tpu.enqueue_dma source(%dma_start3A_158 : memref<80x128xf32, #tpu.memory_space<vmem>>) target(%dma_start3A_155 : memref<80x128xf32, #tpu.memory_space<hbm>>) target_semaphore(%arg19 : memref<!tpu.dma_semaphore, #tpu.memory_space<semaphore_mem>>)
      %mul3A_159 = arith.constant 2 : i32
      %mul3A_160 = arith.muli %mul3A_159, %add3A_137 : i32
      %add3A_161 = arith.constant 1 : i32
      %add3A_162 = arith.addi %mul3A_160, %add3A_161 : i32
      %mul3A_163 = arith.constant 80 : i32
      %mul3A_164 = arith.muli %add3A_162, %mul3A_163 : i32
      %add3A_165 = arith.addi %mul3A_2, %mul3A_164 : i32
      "tpu.region"() ({
        %run_scoped3A = tpu.sem_alloc : memref<!tpu.dma_semaphore, #tpu.memory_space<semaphore_mem>>
        %dma_start3A_218 = arith.constant 0 : i32
        %dma_start3A_219 = arith.constant 0 : i32
        %dma_start3A_220 = tpu.memref_slice %arg16[%dma_start3A_218, %dma_start3A_219] : memref<80x128xf32, #tpu.memory_space<vmem>> -> memref<80x128xf32, #tpu.memory_space<vmem>>
        %dma_start3A_221 = arith.constant 0 : i32
        %dma_start3A_222 = tpu.memref_slice %arg18[%add3A_165, %dma_start3A_221] : memref<10240x128xf32, #tpu.memory_space<vmem_shared>> -> memref<80x128xf32, #tpu.memory_space<vmem_shared>>
        %dma_start3A_223 = arith.constant 0 : i32
        %dma_start3A_224 = arith.constant 0 : i32
        %dma_start3A_225 = tpu.memref_slice %arg16[%dma_start3A_223, %dma_start3A_224] : memref<80x128xf32, #tpu.memory_space<vmem>> -> memref<80x128xf32, #tpu.memory_space<vmem>>
        %dma_start3A_226 = arith.constant 0 : i32
        %dma_start3A_227 = tpu.memref_slice %arg18[%add3A_165, %dma_start3A_226] : memref<10240x128xf32, #tpu.memory_space<vmem_shared>> -> memref<80x128xf32, #tpu.memory_space<vmem_shared>>
        tpu.enqueue_dma source(%dma_start3A_227 : memref<80x128xf32, #tpu.memory_space<vmem_shared>>) target(%dma_start3A_225 : memref<80x128xf32, #tpu.memory_space<vmem>>) target_semaphore(%run_scoped3A : memref<!tpu.dma_semaphore, #tpu.memory_space<semaphore_mem>>)
        %dma_wait3A_228 = arith.constant 0 : i32
        %dma_wait3A_229 = arith.constant 0 : i32
        %dma_wait3A_230 = tpu.memref_slice %arg16[%dma_wait3A_228, %dma_wait3A_229] : memref<80x128xf32, #tpu.memory_space<vmem>> -> memref<80x128xf32, #tpu.memory_space<vmem>>
        %dma_wait3A_231 = arith.constant 0 : i32
        %dma_wait3A_232 = tpu.memref_slice %arg18[%add3A_165, %dma_wait3A_231] : memref<10240x128xf32, #tpu.memory_space<vmem_shared>> -> memref<80x128xf32, #tpu.memory_space<vmem_shared>>
        %dma_wait3A_233 = arith.constant 0 : i32
        %dma_wait3A_234 = arith.constant 0 : i32
        %dma_wait3A_235 = tpu.memref_slice %arg16[%dma_wait3A_233, %dma_wait3A_234] : memref<80x128xf32, #tpu.memory_space<vmem>> -> memref<80x128xf32, #tpu.memory_space<vmem>>
        %dma_wait3A_236 = arith.constant 0 : i32
        %dma_wait3A_237 = tpu.memref_slice %arg18[%add3A_165, %dma_wait3A_236] : memref<10240x128xf32, #tpu.memory_space<vmem_shared>> -> memref<80x128xf32, #tpu.memory_space<vmem_shared>>
        tpu.wait_dma2 semaphore(%run_scoped3A : memref<!tpu.dma_semaphore, #tpu.memory_space<semaphore_mem>>) src(%dma_wait3A_237 : memref<80x128xf32, #tpu.memory_space<vmem_shared>>) dst(%dma_wait3A_235 : memref<80x128xf32, #tpu.memory_space<vmem>>)
        tpu.yield
      }) : () -> ()
      %mul3A_166 = arith.constant 2 : i32
      %mul3A_167 = arith.muli %mul3A_166, %add3A_137 : i32
      %add3A_168 = arith.constant 1 : i32
      %add3A_169 = arith.addi %mul3A_167, %add3A_168 : i32
      %mul3A_170 = arith.constant 80 : i32
      %mul3A_171 = arith.muli %add3A_169, %mul3A_170 : i32
      %dma_start3A_172 = arith.constant 0 : i32
      %dma_start3A_173 = arith.constant 0 : i32
      %dma_start3A_174 = tpu.memref_slice %arg16[%dma_start3A_172, %dma_start3A_173] : memref<80x128xf32, #tpu.memory_space<vmem>> -> memref<80x128xf32, #tpu.memory_space<vmem>>
      %dma_start3A_175 = arith.constant 0 : i32
      %dma_start3A_176 = tpu.memref_slice %arg7[%arg0, %arg1, %mul3A_171, %dma_start3A_175] : memref<2x16x640x128xf32, #tpu.memory_space<hbm>> -> memref<1x1x80x128xf32, #tpu.memory_space<hbm>>
      %dma_start3A_177 = tpu.memref_squeeze %dma_start3A_176 : memref<1x1x80x128xf32, #tpu.memory_space<hbm>> -> memref<80x128xf32, #tpu.memory_space<hbm>>
      %dma_start3A_178 = arith.constant 0 : i32
      %dma_start3A_179 = tpu.memref_slice %arg7[%arg0, %arg1, %mul3A_171, %dma_start3A_178] : memref<2x16x640x128xf32, #tpu.memory_space<hbm>> -> memref<1x1x80x128xf32, #tpu.memory_space<hbm>>
      %dma_start3A_180 = tpu.memref_squeeze %dma_start3A_179 : memref<1x1x80x128xf32, #tpu.memory_space<hbm>> -> memref<80x128xf32, #tpu.memory_space<hbm>>
      %dma_start3A_181 = arith.constant 0 : i32
      %dma_start3A_182 = arith.constant 0 : i32
      %dma_start3A_183 = tpu.memref_slice %arg16[%dma_start3A_181, %dma_start3A_182] : memref<80x128xf32, #tpu.memory_space<vmem>> -> memref<80x128xf32, #tpu.memory_space<vmem>>
      tpu.enqueue_dma source(%dma_start3A_183 : memref<80x128xf32, #tpu.memory_space<vmem>>) target(%dma_start3A_180 : memref<80x128xf32, #tpu.memory_space<hbm>>) target_semaphore(%arg20 : memref<!tpu.dma_semaphore, #tpu.memory_space<semaphore_mem>>)
      %mul3A_184 = arith.constant 2 : i32
      %mul3A_185 = arith.muli %mul3A_184, %add3A_137 : i32
      %mul3A_186 = arith.constant 80 : i32
      %mul3A_187 = arith.muli %mul3A_185, %mul3A_186 : i32
      %dma_wait3A_188 = arith.constant 0 : i32
      %dma_wait3A_189 = arith.constant 0 : i32
      %dma_wait3A_190 = tpu.memref_slice %arg15[%dma_wait3A_188, %dma_wait3A_189] : memref<80x128xf32, #tpu.memory_space<vmem>> -> memref<80x128xf32, #tpu.memory_space<vmem>>
      %dma_wait3A_191 = arith.constant 0 : i32
      %dma_wait3A_192 = tpu.memref_slice %arg7[%arg0, %arg1, %mul3A_187, %dma_wait3A_191] : memref<2x16x640x128xf32, #tpu.memory_space<hbm>> -> memref<1x1x80x128xf32, #tpu.memory_space<hbm>>
      %dma_wait3A_193 = tpu.memref_squeeze %dma_wait3A_192 : memref<1x1x80x128xf32, #tpu.memory_space<hbm>> -> memref<80x128xf32, #tpu.memory_space<hbm>>
      %dma_wait3A_194 = arith.constant 0 : i32
      %dma_wait3A_195 = tpu.memref_slice %arg7[%arg0, %arg1, %mul3A_187, %dma_wait3A_194] : memref<2x16x640x128xf32, #tpu.memory_space<hbm>> -> memref<1x1x80x128xf32, #tpu.memory_space<hbm>>
      %dma_wait3A_196 = tpu.memref_squeeze %dma_wait3A_195 : memref<1x1x80x128xf32, #tpu.memory_space<hbm>> -> memref<80x128xf32, #tpu.memory_space<hbm>>
      %dma_wait3A_197 = arith.constant 0 : i32
      %dma_wait3A_198 = arith.constant 0 : i32
      %dma_wait3A_199 = tpu.memref_slice %arg15[%dma_wait3A_197, %dma_wait3A_198] : memref<80x128xf32, #tpu.memory_space<vmem>> -> memref<80x128xf32, #tpu.memory_space<vmem>>
      tpu.wait_dma2 semaphore(%arg19 : memref<!tpu.dma_semaphore, #tpu.memory_space<semaphore_mem>>) src(%dma_wait3A_199 : memref<80x128xf32, #tpu.memory_space<vmem>>) dst(%dma_wait3A_196 : memref<80x128xf32, #tpu.memory_space<hbm>>)
      %mul3A_200 = arith.constant 2 : i32
      %mul3A_201 = arith.muli %mul3A_200, %add3A_137 : i32
      %add3A_202 = arith.constant 1 : i32
      %add3A_203 = arith.addi %mul3A_201, %add3A_202 : i32
      %mul3A_204 = arith.constant 80 : i32
      %mul3A_205 = arith.muli %add3A_203, %mul3A_204 : i32
      %dma_wait3A_206 = arith.constant 0 : i32
      %dma_wait3A_207 = arith.constant 0 : i32
      %dma_wait3A_208 = tpu.memref_slice %arg16[%dma_wait3A_206, %dma_wait3A_207] : memref<80x128xf32, #tpu.memory_space<vmem>> -> memref<80x128xf32, #tpu.memory_space<vmem>>
      %dma_wait3A_209 = arith.constant 0 : i32
      %dma_wait3A_210 = tpu.memref_slice %arg7[%arg0, %arg1, %mul3A_205, %dma_wait3A_209] : memref<2x16x640x128xf32, #tpu.memory_space<hbm>> -> memref<1x1x80x128xf32, #tpu.memory_space<hbm>>
      %dma_wait3A_211 = tpu.memref_squeeze %dma_wait3A_210 : memref<1x1x80x128xf32, #tpu.memory_space<hbm>> -> memref<80x128xf32, #tpu.memory_space<hbm>>
      %dma_wait3A_212 = arith.constant 0 : i32
      %dma_wait3A_213 = tpu.memref_slice %arg7[%arg0, %arg1, %mul3A_205, %dma_wait3A_212] : memref<2x16x640x128xf32, #tpu.memory_space<hbm>> -> memref<1x1x80x128xf32, #tpu.memory_space<hbm>>
      %dma_wait3A_214 = tpu.memref_squeeze %dma_wait3A_213 : memref<1x1x80x128xf32, #tpu.memory_space<hbm>> -> memref<80x128xf32, #tpu.memory_space<hbm>>
      %dma_wait3A_215 = arith.constant 0 : i32
      %dma_wait3A_216 = arith.constant 0 : i32
      %dma_wait3A_217 = tpu.memref_slice %arg16[%dma_wait3A_215, %dma_wait3A_216] : memref<80x128xf32, #tpu.memory_space<vmem>> -> memref<80x128xf32, #tpu.memory_space<vmem>>
      tpu.wait_dma2 semaphore(%arg20 : memref<!tpu.dma_semaphore, #tpu.memory_space<semaphore_mem>>) src(%dma_wait3A_217 : memref<80x128xf32, #tpu.memory_space<vmem>>) dst(%dma_wait3A_214 : memref<80x128xf32, #tpu.memory_space<hbm>>)
    }
    %scan3A_91 = arith.constant 4 : i32
    %barrier3A_92 = arith.constant 0 : index
    tpu.barrier barrier_id(%barrier3A_92)
    "tpu.region"() ({
      %run_scoped3A = tpu.sem_alloc : memref<!tpu.dma_semaphore, #tpu.memory_space<semaphore_mem>>
      tpu.enqueue_dma source(%arg5 : memref<80x128xf32, #tpu.memory_space<hbm>>) target(%arg15 : memref<80x128xf32, #tpu.memory_space<vmem>>) target_semaphore(%run_scoped3A : memref<!tpu.dma_semaphore, #tpu.memory_space<semaphore_mem>>)
      tpu.wait_dma2 semaphore(%run_scoped3A : memref<!tpu.dma_semaphore, #tpu.memory_space<semaphore_mem>>) src(%arg5 : memref<80x128xf32, #tpu.memory_space<hbm>>) dst(%arg15 : memref<80x128xf32, #tpu.memory_space<vmem>>)
      tpu.yield
    }) : () -> ()
    %scan3A_93 = arith.constant 0 : i32
    %scan3A_94 = arith.constant 8 : i32
    %scan3A_95 = arith.addi %scan3A_93, %scan3A_94 : i32
    %scan3A_96 = arith.constant 1 : i32
    scf.for %scan3A_133 = %scan3A_93 to %scan3A_95 step %scan3A_96  : i32 {
      %mul3A_134 = arith.constant 1 : i32
      %mul3A_135 = arith.muli %scan3A_133, %mul3A_134 : i32
      %add3A_136 = arith.constant 0 : i32
      %add3A_137 = arith.addi %add3A_136, %mul3A_135 : i32
      %mul3A_138 = arith.constant 80 : i32
      %mul3A_139 = arith.muli %add3A_137, %mul3A_138 : i32
      %add3A_140 = arith.addi %mul3A_2, %mul3A_139 : i32
      %dma_start3A_141 = arith.constant 0 : i32
      %dma_start3A_142 = arith.constant 0 : i32
      %dma_start3A_143 = tpu.memref_slice %arg15[%dma_start3A_141, %dma_start3A_142] : memref<80x128xf32, #tpu.memory_space<vmem>> -> memref<80x128xf32, #tpu.memory_space<vmem>>
      %dma_start3A_144 = arith.constant 0 : i32
      %dma_start3A_145 = tpu.memref_slice %arg18[%add3A_140, %dma_start3A_144] : memref<10240x128xf32, #tpu.memory_space<vmem_shared>> -> memref<80x128xf32, #tpu.memory_space<vmem_shared>>
      %dma_start3A_146 = arith.constant 0 : i32
      %dma_start3A_147 = tpu.memref_slice %arg18[%add3A_140, %dma_start3A_146] : memref<10240x128xf32, #tpu.memory_space<vmem_shared>> -> memref<80x128xf32, #tpu.memory_space<vmem_shared>>
      %dma_start3A_148 = arith.constant 0 : i32
      %dma_start3A_149 = arith.constant 0 : i32
      %dma_start3A_150 = tpu.memref_slice %arg15[%dma_start3A_148, %dma_start3A_149] : memref<80x128xf32, #tpu.memory_space<vmem>> -> memref<80x128xf32, #tpu.memory_space<vmem>>
      tpu.enqueue_dma source(%dma_start3A_150 : memref<80x128xf32, #tpu.memory_space<vmem>>) target(%dma_start3A_147 : memref<80x128xf32, #tpu.memory_space<vmem_shared>>) target_semaphore(%arg21 : memref<!tpu.dma_semaphore, #tpu.memory_space<semaphore_mem>>)
    }
    %scan3A_97 = arith.constant 8 : i32
    %scan3A_98 = arith.constant 0 : i32
    %scan3A_99 = arith.constant 8 : i32
    %scan3A_100 = arith.addi %scan3A_98, %scan3A_99 : i32
    %scan3A_101 = arith.constant 1 : i32
    scf.for %scan3A_133 = %scan3A_98 to %scan3A_100 step %scan3A_101  : i32 {
      %mul3A_134 = arith.constant 1 : i32
      %mul3A_135 = arith.muli %scan3A_133, %mul3A_134 : i32
      %add3A_136 = arith.constant 0 : i32
      %add3A_137 = arith.addi %add3A_136, %mul3A_135 : i32
      %dma_wait3A_138 = arith.constant 0 : i32
      %dma_wait3A_139 = arith.constant 0 : i32
      %dma_wait3A_140 = tpu.memref_slice %arg15[%dma_wait3A_138, %dma_wait3A_139] : memref<80x128xf32, #tpu.memory_space<vmem>> -> memref<80x128xf32, #tpu.memory_space<vmem>>
      %dma_wait3A_141 = arith.constant 0 : i32
      %dma_wait3A_142 = tpu.memref_slice %arg18[%mul3A_2, %dma_wait3A_141] : memref<10240x128xf32, #tpu.memory_space<vmem_shared>> -> memref<80x128xf32, #tpu.memory_space<vmem_shared>>
      %dma_wait3A_143 = arith.constant 0 : i32
      %dma_wait3A_144 = tpu.memref_slice %arg18[%mul3A_2, %dma_wait3A_143] : memref<10240x128xf32, #tpu.memory_space<vmem_shared>> -> memref<80x128xf32, #tpu.memory_space<vmem_shared>>
      %dma_wait3A_145 = arith.constant 0 : i32
      %dma_wait3A_146 = arith.constant 0 : i32
      %dma_wait3A_147 = tpu.memref_slice %arg15[%dma_wait3A_145, %dma_wait3A_146] : memref<80x128xf32, #tpu.memory_space<vmem>> -> memref<80x128xf32, #tpu.memory_space<vmem>>
      tpu.wait_dma2 semaphore(%arg21 : memref<!tpu.dma_semaphore, #tpu.memory_space<semaphore_mem>>) src(%dma_wait3A_147 : memref<80x128xf32, #tpu.memory_space<vmem>>) dst(%dma_wait3A_144 : memref<80x128xf32, #tpu.memory_space<vmem_shared>>)
    }
    %scan3A_102 = arith.constant 8 : i32
    "tpu.region"() ({
      %run_scoped3A = tpu.sem_alloc : memref<!tpu.dma_semaphore, #tpu.memory_space<semaphore_mem>>
      tpu.enqueue_dma source(%arg6 : memref<80x128xf32, #tpu.memory_space<hbm>>) target(%arg15 : memref<80x128xf32, #tpu.memory_space<vmem>>) target_semaphore(%run_scoped3A : memref<!tpu.dma_semaphore, #tpu.memory_space<semaphore_mem>>)
      tpu.wait_dma2 semaphore(%run_scoped3A : memref<!tpu.dma_semaphore, #tpu.memory_space<semaphore_mem>>) src(%arg6 : memref<80x128xf32, #tpu.memory_space<hbm>>) dst(%arg15 : memref<80x128xf32, #tpu.memory_space<vmem>>)
      tpu.yield
    }) : () -> ()
    %barrier3A_103 = arith.constant 0 : index
    tpu.barrier barrier_id(%barrier3A_103)
    %add3A_104 = arith.constant 0 : i32
    %add3A_105 = arith.addi %mul3A_4, %add3A_104 : i32
    %multiple_of3A_106 = tpu.assume_multiple %add3A_105, 8 : i32
    %dma_start3A_107 = tpu.memref_slice %arg4[%multiple_of3A_106] : memref<320000xi32, #tpu.memory_space<hbm>> -> memref<80xi32, #tpu.memory_space<hbm>>
    %dma_start3A_108 = tpu.memref_slice %arg4[%multiple_of3A_106] : memref<320000xi32, #tpu.memory_space<hbm>> -> memref<80xi32, #tpu.memory_space<hbm>>
    tpu.enqueue_dma source(%dma_start3A_108 : memref<80xi32, #tpu.memory_space<hbm>>) target(%arg12 : memref<80xi32, #tpu.memory_space<vmem>>) target_semaphore(%arg19 : memref<!tpu.dma_semaphore, #tpu.memory_space<semaphore_mem>>)
    %add3A_109 = arith.constant 80 : i32
    %add3A_110 = arith.addi %mul3A_4, %add3A_109 : i32
    %multiple_of3A_111 = tpu.assume_multiple %add3A_110, 8 : i32
    %dma_start3A_112 = tpu.memref_slice %arg4[%multiple_of3A_111] : memref<320000xi32, #tpu.memory_space<hbm>> -> memref<80xi32, #tpu.memory_space<hbm>>
    %dma_start3A_113 = tpu.memref_slice %arg4[%multiple_of3A_111] : memref<320000xi32, #tpu.memory_space<hbm>> -> memref<80xi32, #tpu.memory_space<hbm>>
    tpu.enqueue_dma source(%dma_start3A_113 : memref<80xi32, #tpu.memory_space<hbm>>) target(%arg13 : memref<80xi32, #tpu.memory_space<vmem>>) target_semaphore(%arg20 : memref<!tpu.dma_semaphore, #tpu.memory_space<semaphore_mem>>)
    %scan3A_114 = arith.constant 0 : i32
    %scan3A_115 = arith.constant 41 : i32
    %scan3A_116 = arith.addi %scan3A_114, %scan3A_115 : i32
    %scan3A_117 = arith.constant 1 : i32
    scf.for %scan3A_133 = %scan3A_114 to %scan3A_116 step %scan3A_117  : i32 {
      %mul3A_134 = arith.constant 3 : i32
      %mul3A_135 = arith.muli %scan3A_133, %mul3A_134 : i32
      %add3A_136 = arith.constant 0 : i32
      %add3A_137 = arith.addi %add3A_136, %mul3A_135 : i32
      %add3A_138 = arith.constant 2 : i32
      %add3A_139 = arith.addi %add3A_137, %add3A_138 : i32
      %mul3A_140 = arith.constant 80 : i32
      %mul3A_141 = arith.muli %add3A_139, %mul3A_140 : i32
      %add3A_142 = arith.addi %mul3A_4, %mul3A_141 : i32
      %multiple_of3A_143 = tpu.assume_multiple %add3A_142, 8 : i32
      %dma_start3A_144 = tpu.memref_slice %arg4[%multiple_of3A_143] : memref<320000xi32, #tpu.memory_space<hbm>> -> memref<80xi32, #tpu.memory_space<hbm>>
      %dma_start3A_145 = tpu.memref_slice %arg4[%multiple_of3A_143] : memref<320000xi32, #tpu.memory_space<hbm>> -> memref<80xi32, #tpu.memory_space<hbm>>
      tpu.enqueue_dma source(%dma_start3A_145 : memref<80xi32, #tpu.memory_space<hbm>>) target(%arg14 : memref<80xi32, #tpu.memory_space<vmem>>) target_semaphore(%arg21 : memref<!tpu.dma_semaphore, #tpu.memory_space<semaphore_mem>>)
      %dma_wait3A_146 = arith.constant 0 : i32
      %dma_wait3A_147 = tpu.memref_slice %arg4[%dma_wait3A_146] : memref<320000xi32, #tpu.memory_space<hbm>> -> memref<80xi32, #tpu.memory_space<hbm>>
      %dma_wait3A_148 = arith.constant 0 : i32
      %dma_wait3A_149 = tpu.memref_slice %arg4[%dma_wait3A_148] : memref<320000xi32, #tpu.memory_space<hbm>> -> memref<80xi32, #tpu.memory_space<hbm>>
      tpu.wait_dma2 semaphore(%arg19 : memref<!tpu.dma_semaphore, #tpu.memory_space<semaphore_mem>>) src(%dma_wait3A_149 : memref<80xi32, #tpu.memory_space<hbm>>) dst(%arg12 : memref<80xi32, #tpu.memory_space<vmem>>)
      "tpu.region"() ({
        %run_scoped3A = tpu.sem_alloc : memref<!tpu.dma_semaphore, #tpu.memory_space<semaphore_mem>>
        %dma_start3A_174 = arith.constant 0 : i32
        %dma_start3A_175 = arith.constant 0 : i32
        %dma_start3A_176 = tpu.memref_slice %arg18[%dma_start3A_174, %dma_start3A_175] : memref<10240x128xf32, #tpu.memory_space<vmem_shared>> -> memref<10240x128xf32, #tpu.memory_space<vmem_shared>>
        tpu.enqueue_indirect_dma source(%arg15 : memref<80x128xf32, #tpu.memory_space<vmem>>) target(%dma_start3A_176 : memref<10240x128xf32, #tpu.memory_space<vmem_shared>>) offsets(%arg12 : memref<80xi32, #tpu.memory_space<vmem>>) semaphore(%run_scoped3A : memref<!tpu.dma_semaphore, #tpu.memory_space<semaphore_mem>>) {add = true}
        %dma_wait3A_177 = arith.constant 0 : i32
        %dma_wait3A_178 = arith.constant 0 : i32
        %dma_wait3A_179 = tpu.memref_slice %arg18[%dma_wait3A_177, %dma_wait3A_178] : memref<10240x128xf32, #tpu.memory_space<vmem_shared>> -> memref<10240x128xf32, #tpu.memory_space<vmem_shared>>
        tpu.wait_indirect_dma semaphore(%run_scoped3A : memref<!tpu.dma_semaphore, #tpu.memory_space<semaphore_mem>>) src(%arg15 : memref<80x128xf32, #tpu.memory_space<vmem>>) dst(%dma_wait3A_179 : memref<10240x128xf32, #tpu.memory_space<vmem_shared>>)
        tpu.yield
      }) : () -> ()
      %add3A_150 = arith.constant 3 : i32
      %add3A_151 = arith.addi %add3A_137, %add3A_150 : i32
      %mul3A_152 = arith.constant 80 : i32
      %mul3A_153 = arith.muli %add3A_151, %mul3A_152 : i32
      %add3A_154 = arith.addi %mul3A_4, %mul3A_153 : i32
      %multiple_of3A_155 = tpu.assume_multiple %add3A_154, 8 : i32
      %dma_start3A_156 = tpu.memref_slice %arg4[%multiple_of3A_155] : memref<320000xi32, #tpu.memory_space<hbm>> -> memref<80xi32, #tpu.memory_space<hbm>>
      %dma_start3A_157 = tpu.memref_slice %arg4[%multiple_of3A_155] : memref<320000xi32, #tpu.memory_space<hbm>> -> memref<80xi32, #tpu.memory_space<hbm>>
      tpu.enqueue_dma source(%dma_start3A_157 : memref<80xi32, #tpu.memory_space<hbm>>) target(%arg12 : memref<80xi32, #tpu.memory_space<vmem>>) target_semaphore(%arg19 : memref<!tpu.dma_semaphore, #tpu.memory_space<semaphore_mem>>)
      %dma_wait3A_158 = arith.constant 0 : i32
      %dma_wait3A_159 = tpu.memref_slice %arg4[%dma_wait3A_158] : memref<320000xi32, #tpu.memory_space<hbm>> -> memref<80xi32, #tpu.memory_space<hbm>>
      %dma_wait3A_160 = arith.constant 0 : i32
      %dma_wait3A_161 = tpu.memref_slice %arg4[%dma_wait3A_160] : memref<320000xi32, #tpu.memory_space<hbm>> -> memref<80xi32, #tpu.memory_space<hbm>>
      tpu.wait_dma2 semaphore(%arg20 : memref<!tpu.dma_semaphore, #tpu.memory_space<semaphore_mem>>) src(%dma_wait3A_161 : memref<80xi32, #tpu.memory_space<hbm>>) dst(%arg13 : memref<80xi32, #tpu.memory_space<vmem>>)
      "tpu.region"() ({
        %run_scoped3A = tpu.sem_alloc : memref<!tpu.dma_semaphore, #tpu.memory_space<semaphore_mem>>
        %dma_start3A_174 = arith.constant 0 : i32
        %dma_start3A_175 = arith.constant 0 : i32
        %dma_start3A_176 = tpu.memref_slice %arg18[%dma_start3A_174, %dma_start3A_175] : memref<10240x128xf32, #tpu.memory_space<vmem_shared>> -> memref<10240x128xf32, #tpu.memory_space<vmem_shared>>
        tpu.enqueue_indirect_dma source(%arg15 : memref<80x128xf32, #tpu.memory_space<vmem>>) target(%dma_start3A_176 : memref<10240x128xf32, #tpu.memory_space<vmem_shared>>) offsets(%arg13 : memref<80xi32, #tpu.memory_space<vmem>>) semaphore(%run_scoped3A : memref<!tpu.dma_semaphore, #tpu.memory_space<semaphore_mem>>) {add = true}
        %dma_wait3A_177 = arith.constant 0 : i32
        %dma_wait3A_178 = arith.constant 0 : i32
        %dma_wait3A_179 = tpu.memref_slice %arg18[%dma_wait3A_177, %dma_wait3A_178] : memref<10240x128xf32, #tpu.memory_space<vmem_shared>> -> memref<10240x128xf32, #tpu.memory_space<vmem_shared>>
        tpu.wait_indirect_dma semaphore(%run_scoped3A : memref<!tpu.dma_semaphore, #tpu.memory_space<semaphore_mem>>) src(%arg15 : memref<80x128xf32, #tpu.memory_space<vmem>>) dst(%dma_wait3A_179 : memref<10240x128xf32, #tpu.memory_space<vmem_shared>>)
        tpu.yield
      }) : () -> ()
      %add3A_162 = arith.constant 4 : i32
      %add3A_163 = arith.addi %add3A_137, %add3A_162 : i32
      %mul3A_164 = arith.constant 80 : i32
      %mul3A_165 = arith.muli %add3A_163, %mul3A_164 : i32
      %add3A_166 = arith.addi %mul3A_4, %mul3A_165 : i32
      %multiple_of3A_167 = tpu.assume_multiple %add3A_166, 8 : i32
      %dma_start3A_168 = tpu.memref_slice %arg4[%multiple_of3A_167] : memref<320000xi32, #tpu.memory_space<hbm>> -> memref<80xi32, #tpu.memory_space<hbm>>
      %dma_start3A_169 = tpu.memref_slice %arg4[%multiple_of3A_167] : memref<320000xi32, #tpu.memory_space<hbm>> -> memref<80xi32, #tpu.memory_space<hbm>>
      tpu.enqueue_dma source(%dma_start3A_169 : memref<80xi32, #tpu.memory_space<hbm>>) target(%arg13 : memref<80xi32, #tpu.memory_space<vmem>>) target_semaphore(%arg20 : memref<!tpu.dma_semaphore, #tpu.memory_space<semaphore_mem>>)
      %dma_wait3A_170 = arith.constant 0 : i32
      %dma_wait3A_171 = tpu.memref_slice %arg4[%dma_wait3A_170] : memref<320000xi32, #tpu.memory_space<hbm>> -> memref<80xi32, #tpu.memory_space<hbm>>
      %dma_wait3A_172 = arith.constant 0 : i32
      %dma_wait3A_173 = tpu.memref_slice %arg4[%dma_wait3A_172] : memref<320000xi32, #tpu.memory_space<hbm>> -> memref<80xi32, #tpu.memory_space<hbm>>
      tpu.wait_dma2 semaphore(%arg21 : memref<!tpu.dma_semaphore, #tpu.memory_space<semaphore_mem>>) src(%dma_wait3A_173 : memref<80xi32, #tpu.memory_space<hbm>>) dst(%arg14 : memref<80xi32, #tpu.memory_space<vmem>>)
      "tpu.region"() ({
        %run_scoped3A = tpu.sem_alloc : memref<!tpu.dma_semaphore, #tpu.memory_space<semaphore_mem>>
        %dma_start3A_174 = arith.constant 0 : i32
        %dma_start3A_175 = arith.constant 0 : i32
        %dma_start3A_176 = tpu.memref_slice %arg18[%dma_start3A_174, %dma_start3A_175] : memref<10240x128xf32, #tpu.memory_space<vmem_shared>> -> memref<10240x128xf32, #tpu.memory_space<vmem_shared>>
        tpu.enqueue_indirect_dma source(%arg15 : memref<80x128xf32, #tpu.memory_space<vmem>>) target(%dma_start3A_176 : memref<10240x128xf32, #tpu.memory_space<vmem_shared>>) offsets(%arg14 : memref<80xi32, #tpu.memory_space<vmem>>) semaphore(%run_scoped3A : memref<!tpu.dma_semaphore, #tpu.memory_space<semaphore_mem>>) {add = true}
        %dma_wait3A_177 = arith.constant 0 : i32
        %dma_wait3A_178 = arith.constant 0 : i32
        %dma_wait3A_179 = tpu.memref_slice %arg18[%dma_wait3A_177, %dma_wait3A_178] : memref<10240x128xf32, #tpu.memory_space<vmem_shared>> -> memref<10240x128xf32, #tpu.memory_space<vmem_shared>>
        tpu.wait_indirect_dma semaphore(%run_scoped3A : memref<!tpu.dma_semaphore, #tpu.memory_space<semaphore_mem>>) src(%arg15 : memref<80x128xf32, #tpu.memory_space<vmem>>) dst(%dma_wait3A_179 : memref<10240x128xf32, #tpu.memory_space<vmem_shared>>)
        tpu.yield
      }) : () -> ()
    }
    %scan3A_118 = arith.constant 41 : i32
    %dma_wait3A_119 = arith.constant 0 : i32
    %dma_wait3A_120 = tpu.memref_slice %arg4[%dma_wait3A_119] : memref<320000xi32, #tpu.memory_space<hbm>> -> memref<80xi32, #tpu.memory_space<hbm>>
    %dma_wait3A_121 = arith.constant 0 : i32
    %dma_wait3A_122 = tpu.memref_slice %arg4[%dma_wait3A_121] : memref<320000xi32, #tpu.memory_space<hbm>> -> memref<80xi32, #tpu.memory_space<hbm>>
    tpu.wait_dma2 semaphore(%arg19 : memref<!tpu.dma_semaphore, #tpu.memory_space<semaphore_mem>>) src(%dma_wait3A_122 : memref<80xi32, #tpu.memory_space<hbm>>) dst(%arg12 : memref<80xi32, #tpu.memory_space<vmem>>)
    "tpu.region"() ({
      %run_scoped3A = tpu.sem_alloc : memref<!tpu.dma_semaphore, #tpu.memory_space<semaphore_mem>>
      %dma_start3A_133 = arith.constant 0 : i32
      %dma_start3A_134 = arith.constant 0 : i32
      %dma_start3A_135 = tpu.memref_slice %arg18[%dma_start3A_133, %dma_start3A_134] : memref<10240x128xf32, #tpu.memory_space<vmem_shared>> -> memref<10240x128xf32, #tpu.memory_space<vmem_shared>>
      tpu.enqueue_indirect_dma source(%arg15 : memref<80x128xf32, #tpu.memory_space<vmem>>) target(%dma_start3A_135 : memref<10240x128xf32, #tpu.memory_space<vmem_shared>>) offsets(%arg12 : memref<80xi32, #tpu.memory_space<vmem>>) semaphore(%run_scoped3A : memref<!tpu.dma_semaphore, #tpu.memory_space<semaphore_mem>>) {add = true}
      %dma_wait3A_136 = arith.constant 0 : i32
      %dma_wait3A_137 = arith.constant 0 : i32
      %dma_wait3A_138 = tpu.memref_slice %arg18[%dma_wait3A_136, %dma_wait3A_137] : memref<10240x128xf32, #tpu.memory_space<vmem_shared>> -> memref<10240x128xf32, #tpu.memory_space<vmem_shared>>
      tpu.wait_indirect_dma semaphore(%run_scoped3A : memref<!tpu.dma_semaphore, #tpu.memory_space<semaphore_mem>>) src(%arg15 : memref<80x128xf32, #tpu.memory_space<vmem>>) dst(%dma_wait3A_138 : memref<10240x128xf32, #tpu.memory_space<vmem_shared>>)
      tpu.yield
    }) : () -> ()
    %dma_wait3A_123 = arith.constant 0 : i32
    %dma_wait3A_124 = tpu.memref_slice %arg4[%dma_wait3A_123] : memref<320000xi32, #tpu.memory_space<hbm>> -> memref<80xi32, #tpu.memory_space<hbm>>
    %dma_wait3A_125 = arith.constant 0 : i32
    %dma_wait3A_126 = tpu.memref_slice %arg4[%dma_wait3A_125] : memref<320000xi32, #tpu.memory_space<hbm>> -> memref<80xi32, #tpu.memory_space<hbm>>
    tpu.wait_dma2 semaphore(%arg20 : memref<!tpu.dma_semaphore, #tpu.memory_space<semaphore_mem>>) src(%dma_wait3A_126 : memref<80xi32, #tpu.memory_space<hbm>>) dst(%arg13 : memref<80xi32, #tpu.memory_space<vmem>>)
    "tpu.region"() ({
      %run_scoped3A = tpu.sem_alloc : memref<!tpu.dma_semaphore, #tpu.memory_space<semaphore_mem>>
      %dma_start3A_133 = arith.constant 0 : i32
      %dma_start3A_134 = arith.constant 0 : i32
      %dma_start3A_135 = tpu.memref_slice %arg18[%dma_start3A_133, %dma_start3A_134] : memref<10240x128xf32, #tpu.memory_space<vmem_shared>> -> memref<10240x128xf32, #tpu.memory_space<vmem_shared>>
      tpu.enqueue_indirect_dma source(%arg15 : memref<80x128xf32, #tpu.memory_space<vmem>>) target(%dma_start3A_135 : memref<10240x128xf32, #tpu.memory_space<vmem_shared>>) offsets(%arg13 : memref<80xi32, #tpu.memory_space<vmem>>) semaphore(%run_scoped3A : memref<!tpu.dma_semaphore, #tpu.memory_space<semaphore_mem>>) {add = true}
      %dma_wait3A_136 = arith.constant 0 : i32
      %dma_wait3A_137 = arith.constant 0 : i32
      %dma_wait3A_138 = tpu.memref_slice %arg18[%dma_wait3A_136, %dma_wait3A_137] : memref<10240x128xf32, #tpu.memory_space<vmem_shared>> -> memref<10240x128xf32, #tpu.memory_space<vmem_shared>>
      tpu.wait_indirect_dma semaphore(%run_scoped3A : memref<!tpu.dma_semaphore, #tpu.memory_space<semaphore_mem>>) src(%arg15 : memref<80x128xf32, #tpu.memory_space<vmem>>) dst(%dma_wait3A_138 : memref<10240x128xf32, #tpu.memory_space<vmem_shared>>)
      tpu.yield
    }) : () -> ()
    %barrier3A_127 = arith.constant 0 : index
    tpu.barrier barrier_id(%barrier3A_127)
    %scan3A_128 = arith.constant 0 : i32
    %scan3A_129 = arith.constant 4 : i32
    %scan3A_130 = arith.addi %scan3A_128, %scan3A_129 : i32
    %scan3A_131 = arith.constant 1 : i32
    scf.for %scan3A_133 = %scan3A_128 to %scan3A_130 step %scan3A_131  : i32 {
      %mul3A_134 = arith.constant 1 : i32
      %mul3A_135 = arith.muli %scan3A_133, %mul3A_134 : i32
      %add3A_136 = arith.constant 0 : i32
      %add3A_137 = arith.addi %add3A_136, %mul3A_135 : i32
      %mul3A_138 = arith.constant 2 : i32
      %mul3A_139 = arith.muli %mul3A_138, %add3A_137 : i32
      %mul3A_140 = arith.constant 80 : i32
      %mul3A_141 = arith.muli %mul3A_139, %mul3A_140 : i32
      %add3A_142 = arith.addi %mul3A_2, %mul3A_141 : i32
      "tpu.region"() ({
        %run_scoped3A = tpu.sem_alloc : memref<!tpu.dma_semaphore, #tpu.memory_space<semaphore_mem>>
        %dma_start3A_218 = arith.constant 0 : i32
        %dma_start3A_219 = arith.constant 0 : i32
        %dma_start3A_220 = tpu.memref_slice %arg15[%dma_start3A_218, %dma_start3A_219] : memref<80x128xf32, #tpu.memory_space<vmem>> -> memref<80x128xf32, #tpu.memory_space<vmem>>
        %dma_start3A_221 = arith.constant 0 : i32
        %dma_start3A_222 = tpu.memref_slice %arg18[%add3A_142, %dma_start3A_221] : memref<10240x128xf32, #tpu.memory_space<vmem_shared>> -> memref<80x128xf32, #tpu.memory_space<vmem_shared>>
        %dma_start3A_223 = arith.constant 0 : i32
        %dma_start3A_224 = arith.constant 0 : i32
        %dma_start3A_225 = tpu.memref_slice %arg15[%dma_start3A_223, %dma_start3A_224] : memref<80x128xf32, #tpu.memory_space<vmem>> -> memref<80x128xf32, #tpu.memory_space<vmem>>
        %dma_start3A_226 = arith.constant 0 : i32
        %dma_start3A_227 = tpu.memref_slice %arg18[%add3A_142, %dma_start3A_226] : memref<10240x128xf32, #tpu.memory_space<vmem_shared>> -> memref<80x128xf32, #tpu.memory_space<vmem_shared>>
        tpu.enqueue_dma source(%dma_start3A_227 : memref<80x128xf32, #tpu.memory_space<vmem_shared>>) target(%dma_start3A_225 : memref<80x128xf32, #tpu.memory_space<vmem>>) target_semaphore(%run_scoped3A : memref<!tpu.dma_semaphore, #tpu.memory_space<semaphore_mem>>)
        %dma_wait3A_228 = arith.constant 0 : i32
        %dma_wait3A_229 = arith.constant 0 : i32
        %dma_wait3A_230 = tpu.memref_slice %arg15[%dma_wait3A_228, %dma_wait3A_229] : memref<80x128xf32, #tpu.memory_space<vmem>> -> memref<80x128xf32, #tpu.memory_space<vmem>>
        %dma_wait3A_231 = arith.constant 0 : i32
        %dma_wait3A_232 = tpu.memref_slice %arg18[%add3A_142, %dma_wait3A_231] : memref<10240x128xf32, #tpu.memory_space<vmem_shared>> -> memref<80x128xf32, #tpu.memory_space<vmem_shared>>
        %dma_wait3A_233 = arith.constant 0 : i32
        %dma_wait3A_234 = arith.constant 0 : i32
        %dma_wait3A_235 = tpu.memref_slice %arg15[%dma_wait3A_233, %dma_wait3A_234] : memref<80x128xf32, #tpu.memory_space<vmem>> -> memref<80x128xf32, #tpu.memory_space<vmem>>
        %dma_wait3A_236 = arith.constant 0 : i32
        %dma_wait3A_237 = tpu.memref_slice %arg18[%add3A_142, %dma_wait3A_236] : memref<10240x128xf32, #tpu.memory_space<vmem_shared>> -> memref<80x128xf32, #tpu.memory_space<vmem_shared>>
        tpu.wait_dma2 semaphore(%run_scoped3A : memref<!tpu.dma_semaphore, #tpu.memory_space<semaphore_mem>>) src(%dma_wait3A_237 : memref<80x128xf32, #tpu.memory_space<vmem_shared>>) dst(%dma_wait3A_235 : memref<80x128xf32, #tpu.memory_space<vmem>>)
        tpu.yield
      }) : () -> ()
      %mul3A_143 = arith.constant 2 : i32
      %mul3A_144 = arith.muli %mul3A_143, %add3A_137 : i32
      %mul3A_145 = arith.constant 80 : i32
      %mul3A_146 = arith.muli %mul3A_144, %mul3A_145 : i32
      %dma_start3A_147 = arith.constant 0 : i32
      %dma_start3A_148 = arith.constant 0 : i32
      %dma_start3A_149 = tpu.memref_slice %arg15[%dma_start3A_147, %dma_start3A_148] : memref<80x128xf32, #tpu.memory_space<vmem>> -> memref<80x128xf32, #tpu.memory_space<vmem>>
      %dma_start3A_150 = arith.constant 0 : i32
      %dma_start3A_151 = tpu.memref_slice %arg8[%arg0, %arg1, %mul3A_146, %dma_start3A_150] : memref<2x16x640x128xf32, #tpu.memory_space<hbm>> -> memref<1x1x80x128xf32, #tpu.memory_space<hbm>>
      %dma_start3A_152 = tpu.memref_squeeze %dma_start3A_151 : memref<1x1x80x128xf32, #tpu.memory_space<hbm>> -> memref<80x128xf32, #tpu.memory_space<hbm>>
      %dma_start3A_153 = arith.constant 0 : i32
      %dma_start3A_154 = tpu.memref_slice %arg8[%arg0, %arg1, %mul3A_146, %dma_start3A_153] : memref<2x16x640x128xf32, #tpu.memory_space<hbm>> -> memref<1x1x80x128xf32, #tpu.memory_space<hbm>>
      %dma_start3A_155 = tpu.memref_squeeze %dma_start3A_154 : memref<1x1x80x128xf32, #tpu.memory_space<hbm>> -> memref<80x128xf32, #tpu.memory_space<hbm>>
      %dma_start3A_156 = arith.constant 0 : i32
      %dma_start3A_157 = arith.constant 0 : i32
      %dma_start3A_158 = tpu.memref_slice %arg15[%dma_start3A_156, %dma_start3A_157] : memref<80x128xf32, #tpu.memory_space<vmem>> -> memref<80x128xf32, #tpu.memory_space<vmem>>
      tpu.enqueue_dma source(%dma_start3A_158 : memref<80x128xf32, #tpu.memory_space<vmem>>) target(%dma_start3A_155 : memref<80x128xf32, #tpu.memory_space<hbm>>) target_semaphore(%arg19 : memref<!tpu.dma_semaphore, #tpu.memory_space<semaphore_mem>>)
      %mul3A_159 = arith.constant 2 : i32
      %mul3A_160 = arith.muli %mul3A_159, %add3A_137 : i32
      %add3A_161 = arith.constant 1 : i32
      %add3A_162 = arith.addi %mul3A_160, %add3A_161 : i32
      %mul3A_163 = arith.constant 80 : i32
      %mul3A_164 = arith.muli %add3A_162, %mul3A_163 : i32
      %add3A_165 = arith.addi %mul3A_2, %mul3A_164 : i32
      "tpu.region"() ({
        %run_scoped3A = tpu.sem_alloc : memref<!tpu.dma_semaphore, #tpu.memory_space<semaphore_mem>>
        %dma_start3A_218 = arith.constant 0 : i32
        %dma_start3A_219 = arith.constant 0 : i32
        %dma_start3A_220 = tpu.memref_slice %arg16[%dma_start3A_218, %dma_start3A_219] : memref<80x128xf32, #tpu.memory_space<vmem>> -> memref<80x128xf32, #tpu.memory_space<vmem>>
        %dma_start3A_221 = arith.constant 0 : i32
        %dma_start3A_222 = tpu.memref_slice %arg18[%add3A_165, %dma_start3A_221] : memref<10240x128xf32, #tpu.memory_space<vmem_shared>> -> memref<80x128xf32, #tpu.memory_space<vmem_shared>>
        %dma_start3A_223 = arith.constant 0 : i32
        %dma_start3A_224 = arith.constant 0 : i32
        %dma_start3A_225 = tpu.memref_slice %arg16[%dma_start3A_223, %dma_start3A_224] : memref<80x128xf32, #tpu.memory_space<vmem>> -> memref<80x128xf32, #tpu.memory_space<vmem>>
        %dma_start3A_226 = arith.constant 0 : i32
        %dma_start3A_227 = tpu.memref_slice %arg18[%add3A_165, %dma_start3A_226] : memref<10240x128xf32, #tpu.memory_space<vmem_shared>> -> memref<80x128xf32, #tpu.memory_space<vmem_shared>>
        tpu.enqueue_dma source(%dma_start3A_227 : memref<80x128xf32, #tpu.memory_space<vmem_shared>>) target(%dma_start3A_225 : memref<80x128xf32, #tpu.memory_space<vmem>>) target_semaphore(%run_scoped3A : memref<!tpu.dma_semaphore, #tpu.memory_space<semaphore_mem>>)
        %dma_wait3A_228 = arith.constant 0 : i32
        %dma_wait3A_229 = arith.constant 0 : i32
        %dma_wait3A_230 = tpu.memref_slice %arg16[%dma_wait3A_228, %dma_wait3A_229] : memref<80x128xf32, #tpu.memory_space<vmem>> -> memref<80x128xf32, #tpu.memory_space<vmem>>
        %dma_wait3A_231 = arith.constant 0 : i32
        %dma_wait3A_232 = tpu.memref_slice %arg18[%add3A_165, %dma_wait3A_231] : memref<10240x128xf32, #tpu.memory_space<vmem_shared>> -> memref<80x128xf32, #tpu.memory_space<vmem_shared>>
        %dma_wait3A_233 = arith.constant 0 : i32
        %dma_wait3A_234 = arith.constant 0 : i32
        %dma_wait3A_235 = tpu.memref_slice %arg16[%dma_wait3A_233, %dma_wait3A_234] : memref<80x128xf32, #tpu.memory_space<vmem>> -> memref<80x128xf32, #tpu.memory_space<vmem>>
        %dma_wait3A_236 = arith.constant 0 : i32
        %dma_wait3A_237 = tpu.memref_slice %arg18[%add3A_165, %dma_wait3A_236] : memref<10240x128xf32, #tpu.memory_space<vmem_shared>> -> memref<80x128xf32, #tpu.memory_space<vmem_shared>>
        tpu.wait_dma2 semaphore(%run_scoped3A : memref<!tpu.dma_semaphore, #tpu.memory_space<semaphore_mem>>) src(%dma_wait3A_237 : memref<80x128xf32, #tpu.memory_space<vmem_shared>>) dst(%dma_wait3A_235 : memref<80x128xf32, #tpu.memory_space<vmem>>)
        tpu.yield
      }) : () -> ()
      %mul3A_166 = arith.constant 2 : i32
      %mul3A_167 = arith.muli %mul3A_166, %add3A_137 : i32
      %add3A_168 = arith.constant 1 : i32
      %add3A_169 = arith.addi %mul3A_167, %add3A_168 : i32
      %mul3A_170 = arith.constant 80 : i32
      %mul3A_171 = arith.muli %add3A_169, %mul3A_170 : i32
      %dma_start3A_172 = arith.constant 0 : i32
      %dma_start3A_173 = arith.constant 0 : i32
      %dma_start3A_174 = tpu.memref_slice %arg16[%dma_start3A_172, %dma_start3A_173] : memref<80x128xf32, #tpu.memory_space<vmem>> -> memref<80x128xf32, #tpu.memory_space<vmem>>
      %dma_start3A_175 = arith.constant 0 : i32
      %dma_start3A_176 = tpu.memref_slice %arg8[%arg0, %arg1, %mul3A_171, %dma_start3A_175] : memref<2x16x640x128xf32, #tpu.memory_space<hbm>> -> memref<1x1x80x128xf32, #tpu.memory_space<hbm>>
      %dma_start3A_177 = tpu.memref_squeeze %dma_start3A_176 : memref<1x1x80x128xf32, #tpu.memory_space<hbm>> -> memref<80x128xf32, #tpu.memory_space<hbm>>
      %dma_start3A_178 = arith.constant 0 : i32
      %dma_start3A_179 = tpu.memref_slice %arg8[%arg0, %arg1, %mul3A_171, %dma_start3A_178] : memref<2x16x640x128xf32, #tpu.memory_space<hbm>> -> memref<1x1x80x128xf32, #tpu.memory_space<hbm>>
      %dma_start3A_180 = tpu.memref_squeeze %dma_start3A_179 : memref<1x1x80x128xf32, #tpu.memory_space<hbm>> -> memref<80x128xf32, #tpu.memory_space<hbm>>
      %dma_start3A_181 = arith.constant 0 : i32
      %dma_start3A_182 = arith.constant 0 : i32
      %dma_start3A_183 = tpu.memref_slice %arg16[%dma_start3A_181, %dma_start3A_182] : memref<80x128xf32, #tpu.memory_space<vmem>> -> memref<80x128xf32, #tpu.memory_space<vmem>>
      tpu.enqueue_dma source(%dma_start3A_183 : memref<80x128xf32, #tpu.memory_space<vmem>>) target(%dma_start3A_180 : memref<80x128xf32, #tpu.memory_space<hbm>>) target_semaphore(%arg20 : memref<!tpu.dma_semaphore, #tpu.memory_space<semaphore_mem>>)
      %mul3A_184 = arith.constant 2 : i32
      %mul3A_185 = arith.muli %mul3A_184, %add3A_137 : i32
      %mul3A_186 = arith.constant 80 : i32
      %mul3A_187 = arith.muli %mul3A_185, %mul3A_186 : i32
      %dma_wait3A_188 = arith.constant 0 : i32
      %dma_wait3A_189 = arith.constant 0 : i32
      %dma_wait3A_190 = tpu.memref_slice %arg15[%dma_wait3A_188, %dma_wait3A_189] : memref<80x128xf32, #tpu.memory_space<vmem>> -> memref<80x128xf32, #tpu.memory_space<vmem>>
      %dma_wait3A_191 = arith.constant 0 : i32
      %dma_wait3A_192 = tpu.memref_slice %arg8[%arg0, %arg1, %mul3A_187, %dma_wait3A_191] : memref<2x16x640x128xf32, #tpu.memory_space<hbm>> -> memref<1x1x80x128xf32, #tpu.memory_space<hbm>>
      %dma_wait3A_193 = tpu.memref_squeeze %dma_wait3A_192 : memref<1x1x80x128xf32, #tpu.memory_space<hbm>> -> memref<80x128xf32, #tpu.memory_space<hbm>>
      %dma_wait3A_194 = arith.constant 0 : i32
      %dma_wait3A_195 = tpu.memref_slice %arg8[%arg0, %arg1, %mul3A_187, %dma_wait3A_194] : memref<2x16x640x128xf32, #tpu.memory_space<hbm>> -> memref<1x1x80x128xf32, #tpu.memory_space<hbm>>
      %dma_wait3A_196 = tpu.memref_squeeze %dma_wait3A_195 : memref<1x1x80x128xf32, #tpu.memory_space<hbm>> -> memref<80x128xf32, #tpu.memory_space<hbm>>
      %dma_wait3A_197 = arith.constant 0 : i32
      %dma_wait3A_198 = arith.constant 0 : i32
      %dma_wait3A_199 = tpu.memref_slice %arg15[%dma_wait3A_197, %dma_wait3A_198] : memref<80x128xf32, #tpu.memory_space<vmem>> -> memref<80x128xf32, #tpu.memory_space<vmem>>
      tpu.wait_dma2 semaphore(%arg19 : memref<!tpu.dma_semaphore, #tpu.memory_space<semaphore_mem>>) src(%dma_wait3A_199 : memref<80x128xf32, #tpu.memory_space<vmem>>) dst(%dma_wait3A_196 : memref<80x128xf32, #tpu.memory_space<hbm>>)
      %mul3A_200 = arith.constant 2 : i32
      %mul3A_201 = arith.muli %mul3A_200, %add3A_137 : i32
      %add3A_202 = arith.constant 1 : i32
      %add3A_203 = arith.addi %mul3A_201, %add3A_202 : i32
      %mul3A_204 = arith.constant 80 : i32
      %mul3A_205 = arith.muli %add3A_203, %mul3A_204 : i32
      %dma_wait3A_206 = arith.constant 0 : i32
      %dma_wait3A_207 = arith.constant 0 : i32
      %dma_wait3A_208 = tpu.memref_slice %arg16[%dma_wait3A_206, %dma_wait3A_207] : memref<80x128xf32, #tpu.memory_space<vmem>> -> memref<80x128xf32, #tpu.memory_space<vmem>>
      %dma_wait3A_209 = arith.constant 0 : i32
      %dma_wait3A_210 = tpu.memref_slice %arg8[%arg0, %arg1, %mul3A_205, %dma_wait3A_209] : memref<2x16x640x128xf32, #tpu.memory_space<hbm>> -> memref<1x1x80x128xf32, #tpu.memory_space<hbm>>
      %dma_wait3A_211 = tpu.memref_squeeze %dma_wait3A_210 : memref<1x1x80x128xf32, #tpu.memory_space<hbm>> -> memref<80x128xf32, #tpu.memory_space<hbm>>
      %dma_wait3A_212 = arith.constant 0 : i32
      %dma_wait3A_213 = tpu.memref_slice %arg8[%arg0, %arg1, %mul3A_205, %dma_wait3A_212] : memref<2x16x640x128xf32, #tpu.memory_space<hbm>> -> memref<1x1x80x128xf32, #tpu.memory_space<hbm>>
      %dma_wait3A_214 = tpu.memref_squeeze %dma_wait3A_213 : memref<1x1x80x128xf32, #tpu.memory_space<hbm>> -> memref<80x128xf32, #tpu.memory_space<hbm>>
      %dma_wait3A_215 = arith.constant 0 : i32
      %dma_wait3A_216 = arith.constant 0 : i32
      %dma_wait3A_217 = tpu.memref_slice %arg16[%dma_wait3A_215, %dma_wait3A_216] : memref<80x128xf32, #tpu.memory_space<vmem>> -> memref<80x128xf32, #tpu.memory_space<vmem>>
      tpu.wait_dma2 semaphore(%arg20 : memref<!tpu.dma_semaphore, #tpu.memory_space<semaphore_mem>>) src(%dma_wait3A_217 : memref<80x128xf32, #tpu.memory_space<vmem>>) dst(%dma_wait3A_214 : memref<80x128xf32, #tpu.memory_space<hbm>>)
    }
    %scan3A_132 = arith.constant 4 : i32
    return
  }
}

module attributes {stable_mosaic.version = 14 : i64} {
  func.func @body(%arg0: i32, %arg1: memref<2x1024x128xf32, #tpu.memory_space<vmem>>, %arg2: memref<2x1024x128xf32, #tpu.memory_space<vmem>>, %arg3: memref<1024x128xf32, #tpu.memory_space<vmem>>, %arg4: memref<128x128xf32, #tpu.memory_space<vmem>>, %arg5: memref<1x128xf32, #tpu.memory_space<vmem>>, %arg6: memref<128x128xf32, #tpu.memory_space<vmem>>, %arg7: memref<1024x128xf32, #tpu.memory_space<vmem>>) attributes {dimension_semantics = [#tpu.dimension_semantics<arbitrary>], iteration_bounds = array<i64: 10>, scalar_prefetch = 0 : i64, scratch_operands = 0 : i64, tpu.core_type = #tpu.core_type<tc>, window_params = [{transform_indices = @transform_0, window_bounds = array<i64: 2, 1024, 128>}, {transform_indices = @transform_1, window_bounds = array<i64: 2, 1024, 128>}, {transform_indices = @transform_2, window_bounds = array<i64: 1024, 128>}, {pipeline_mode = #tpu.pipeline_mode<synchronous>, transform_indices = @transform_3, window_bounds = array<i64: 128, 128>}, {pipeline_mode = #tpu.pipeline_mode<synchronous>, transform_indices = @transform_4, window_bounds = array<i64: 1, 128>}, {pipeline_mode = #tpu.pipeline_mode<synchronous>, transform_indices = @transform_5, window_bounds = array<i64: 128, 128>}, {transform_indices = @transform_6, window_bounds = array<i64: 1024, 128>}]} {
    %get3A = arith.constant 0 : index
    %get3A_0 = arith.constant 0 : index
    %get3A_1 = arith.constant 0 : index
    %get3A_2 = vector.load %arg1[%get3A, %get3A_0, %get3A_1] : memref<2x1024x128xf32, #tpu.memory_space<vmem>>, vector<1x1024x128xf32>
    %get3A_3 = vector.shape_cast %get3A_2 : vector<1x1024x128xf32> to vector<1024x128xf32>
    %get3A_4 = arith.constant 1 : index
    %get3A_5 = arith.constant 0 : index
    %get3A_6 = arith.constant 0 : index
    %get3A_7 = vector.load %arg1[%get3A_4, %get3A_5, %get3A_6] : memref<2x1024x128xf32, #tpu.memory_space<vmem>>, vector<1x1024x128xf32>
    %get3A_8 = vector.shape_cast %get3A_7 : vector<1x1024x128xf32> to vector<1024x128xf32>
    %add3A = arith.addf %get3A_3, %get3A_8 : vector<1024x128xf32>
    %get3A_9 = arith.constant 0 : index
    %get3A_10 = arith.constant 0 : index
    %get3A_11 = arith.constant 0 : index
    %get3A_12 = vector.load %arg2[%get3A_9, %get3A_10, %get3A_11] : memref<2x1024x128xf32, #tpu.memory_space<vmem>>, vector<1x1024x1xf32>
    %get3A_13 = vector.shape_cast %get3A_12 : vector<1x1024x1xf32> to vector<1024x1xf32>
    %get3A_14 = arith.constant 1 : index
    %get3A_15 = arith.constant 0 : index
    %get3A_16 = arith.constant 0 : index
    %get3A_17 = vector.load %arg2[%get3A_14, %get3A_15, %get3A_16] : memref<2x1024x128xf32, #tpu.memory_space<vmem>>, vector<1x1024x1xf32>
    %get3A_18 = vector.shape_cast %get3A_17 : vector<1x1024x1xf32> to vector<1024x1xf32>
    %add3A_19 = arith.addf %get3A_13, %get3A_18 : vector<1024x1xf32>
    %max3A = arith.constant 1.000000e+00 : f32
    %max3A_20 = vector.broadcast %max3A : f32 to vector<1024x1xf32>
    %max3A_21 = arith.maximumf %add3A_19, %max3A_20 : vector<1024x1xf32>
    %div3A = arith.constant 1.000000e+00 : f32
    %div3A_22 = vector.broadcast %div3A : f32 to vector<1024x1xf32>
    %div3A_23 = arith.divf %div3A_22, %max3A_21 : vector<1024x1xf32>
    %mul3A = vector.broadcast %div3A_23 : vector<1024x1xf32> to vector<1024x128xf32>
    %mul3A_24 = arith.mulf %add3A, %mul3A : vector<1024x128xf32>
    %get3A_25 = arith.constant 0 : index
    %get3A_26 = arith.constant 0 : index
    %get3A_27 = vector.load %arg4[%get3A_25, %get3A_26] : memref<128x128xf32, #tpu.memory_space<vmem>>, vector<128x128xf32>
    %dot_general3A = arith.constant dense<0.000000e+00> : vector<1024x128xf32>
    %dot_general3A_28 = tpu.matmul %mul3A_24, %get3A_27, %dot_general3A {dimension_numbers = #tpu.dot_dimension_numbers<[1], [0], [0], [1], [0, 0, 1, 1], [], []>, transpose_lhs_hint = false} : vector<1024x128xf32>, vector<128x128xf32>, vector<1024x128xf32> -> vector<1024x128xf32>
    %get3A_29 = arith.constant 0 : index
    %get3A_30 = arith.constant 0 : index
    %get3A_31 = vector.load %arg5[%get3A_29, %get3A_30] : memref<1x128xf32, #tpu.memory_space<vmem>>, vector<1x128xf32>
    %add3A_32 = vector.broadcast %get3A_31 : vector<1x128xf32> to vector<1024x128xf32>
    %add3A_33 = arith.addf %dot_general3A_28, %add3A_32 : vector<1024x128xf32>
    %get3A_34 = arith.constant 0 : index
    %get3A_35 = arith.constant 0 : index
    %get3A_36 = vector.load %arg3[%get3A_34, %get3A_35] : memref<1024x128xf32, #tpu.memory_space<vmem>>, vector<1024x128xf32>
    %get3A_37 = arith.constant 0 : index
    %get3A_38 = arith.constant 0 : index
    %get3A_39 = vector.load %arg6[%get3A_37, %get3A_38] : memref<128x128xf32, #tpu.memory_space<vmem>>, vector<128x128xf32>
    %dot_general3A_40 = arith.constant dense<0.000000e+00> : vector<1024x128xf32>
    %dot_general3A_41 = tpu.matmul %get3A_36, %get3A_39, %dot_general3A_40 {dimension_numbers = #tpu.dot_dimension_numbers<[1], [0], [0], [1], [0, 0, 1, 1], [], []>, transpose_lhs_hint = false} : vector<1024x128xf32>, vector<128x128xf32>, vector<1024x128xf32> -> vector<1024x128xf32>
    %max3A_42 = arith.constant 0.000000e+00 : f32
    %max3A_43 = vector.broadcast %max3A_42 : f32 to vector<1024x128xf32>
    %max3A_44 = arith.maximumf %add3A_33, %max3A_43 : vector<1024x128xf32>
    %add3A_45 = arith.addf %max3A_44, %dot_general3A_41 : vector<1024x128xf32>
    %swap3A = arith.constant 0 : index
    %swap3A_46 = arith.constant 0 : index
    %swap3A_47 = vector.load %arg7[%swap3A, %swap3A_46] : memref<1024x128xf32, #tpu.memory_space<vmem>>, vector<1024x128xf32>
    tpu.vector_store %arg7[%swap3A, %swap3A_46], %add3A_45 {strides = array<i32>} : memref<1024x128xf32, #tpu.memory_space<vmem>>, vector<1024x128xf32>,
    return
  }
  func.func @transform_0(%arg0: i32) -> (i32, i32, i32) {
    %c0_i32 = arith.constant 0 : i32
    %c0_i32_0 = arith.constant 0 : i32
    %c0_i32_1 = arith.constant 0 : i32
    return %c0_i32, %arg0, %c0_i32_0 : i32, i32, i32
  }
  func.func @transform_1(%arg0: i32) -> (i32, i32, i32) {
    %c0_i32 = arith.constant 0 : i32
    %c0_i32_0 = arith.constant 0 : i32
    %c0_i32_1 = arith.constant 0 : i32
    return %c0_i32, %arg0, %c0_i32_0 : i32, i32, i32
  }
  func.func @transform_2(%arg0: i32) -> (i32, i32) {
    %c0_i32 = arith.constant 0 : i32
    %c0_i32_0 = arith.constant 0 : i32
    return %arg0, %c0_i32 : i32, i32
  }
  func.func @transform_3(%arg0: i32) -> (i32, i32) {
    %c0_i32 = arith.constant 0 : i32
    %c0_i32_0 = arith.constant 0 : i32
    %c0_i32_1 = arith.constant 0 : i32
    return %c0_i32, %c0_i32_0 : i32, i32
  }
  func.func @transform_4(%arg0: i32) -> (i32, i32) {
    %c0_i32 = arith.constant 0 : i32
    %c0_i32_0 = arith.constant 0 : i32
    %c0_i32_1 = arith.constant 0 : i32
    return %c0_i32, %c0_i32_0 : i32, i32
  }
  func.func @transform_5(%arg0: i32) -> (i32, i32) {
    %c0_i32 = arith.constant 0 : i32
    %c0_i32_0 = arith.constant 0 : i32
    %c0_i32_1 = arith.constant 0 : i32
    return %c0_i32, %c0_i32_0 : i32, i32
  }
  func.func @transform_6(%arg0: i32) -> (i32, i32) {
    %c0_i32 = arith.constant 0 : i32
    %c0_i32_0 = arith.constant 0 : i32
    return %arg0, %c0_i32 : i32, i32
  }
}

</mosaic_0001>

<sc_bundles>
// kernel: kernel.6.cloned.1.call-start
scs
__scs_entry_jumppad:
0x0: {  	(pc) =	sbr.rel $0x88, $3  }
0x1: {  	(tag) =	ssettag $0x0;
	lr =	simm.s32 $0x1  }
0x2: {  	[smem:$0x3F99] =	sst lr;
	_ =	strace $0xD0000000  }
0x3: {  	_ = 	snop  }
0x4: {  	_ = 	snop  }
0x5: {  	_ = 	snop  }
0x6: {  	_ = 	snop  }
0x7: {  	_ = 	snop  }
__scs_overlays_trampoline_lowered:
0x8: {  	[smem:$0x3FA8] =	sst s0  }
0x9: {  	[smem:$0x3FA9] =	sst s1  }
0xa: {  	[smem:$0x3FAA] =	sst s2  }
0xb: {  	[smem:$0x3FAB] =	sst s3  }
0xc: {  	[smem:$0x3FAC] =	sst s4  }
0xd: {  	[smem:$0x3FAD] =	sst s5  }
0xe: {  	[smem:$0x3FAE] =	sst s6  }
0xf: {  	[smem:$0x3FAF] =	sst s7  }
0x10: {  	[smem:$0x3FB0] =	sst s8  }
0x11: {  	[smem:$0x3FB1] =	sst s9;
	s0 =	simm.s32 @!p0 $0x0  }
0x12: {  	s1 =	sld [smem:$0x3F97];
	s0 =	simm.s32 @p0 $0x1  }
0x13: {  	[smem:$0x3FB2] =	sst s0;
	s0 =	simm.s32 @!p1 $0x0  }
0x14: {  	s2 =	sld [smem:$0x3F96];
	s0 =	simm.s32 @p1 $0x1  }
0x15: {  	[smem:$0x3FB3] =	sst s0;
	s0 =	simm.s32 @!p2 $0x0  }
0x16: {  	s3 =	sld [smem:$0x3FDB];
	s0 =	simm.s32 @p2 $0x1  }
0x17: {  	s4 =	simm.s32 $0x1BF5;
	[smem:$0x3FB5] =	sst s0  }
0x18: {  	s0 =	sld [smem:$0x3F98];
	_ =	swait.ge [sflag:s4], $0x0  }
0x19: {  	s7 =	sld [smem:$0x3F99]  }
0x1a: {  	s8 =	sadd.s32 $0xFFFFE003, lr  }
0x1b: {  	s9 =	sadd.s32 $0xFFFFFEF7, lr;
	s5 =	simm.s32 $0xFFFFFFFF;
	p2 =	slt.u32 s8, $0xFFFFF086  }
0x1c: {  	p1 =	slt.u32 s9, $0xF7A;
	s5 =	simm.s32 @!p2 $0x0  }
0x1d: {  	s5 =	simm.s32 @p1 $0x1;
	p0 =	seq.s32 s7, s2  }
0x1e: {  	s7 =	smul.u32 @!p0 $0xF7A, s2;
	p2 =	seq.s32 @!p0 s5, $0x0  }
0x1f: {  	s9 =	smul.u32 $0xF7A, s1;
	s8 =	simm.s32 @!p0 $0x1BF5;
	p2 =	por !p2, p0  }
0x20: {  	[sflag:s8] =	ssyncset.s32 @!p0 $0xFFFFF086;
	s6 =	sadd.s32 @!p0 s3, s7;
	s7 =	simm.s32 @!p0 $0x108  }
0x21: {  	s3 =	sadd.s32 s3, s9;
	s6 =	sadd.s32 @!p0 $0x88, s6;
	s7 =	simm.s32 @p2 $0x1082  }
0x22: {  	[simem:s7], [sflag:s8] =	dma.local @!p0 [hbm:s6], $0xF7A  }
0x23: {  	s9 =	sor.u32 $0xD0000000, s2;
	s6 =	simm.s32 $0x108;
	_ =	swait.ge @!p0 [sflag:s8], $0x0  }
0x24: {  	s3 =	sadd.s32 $0x88, s3;
	s6 =	simm.s32 @!p1 $0x1082;
	[sflag:s4] =	ssyncset.s32 $0xFFFFF086  }
0x25: {  	[simem:s6], [sflag:s4] =	dma.local [hbm:s3], $0xF7A  }
0x26: {  	[smem:$0x3F99] =	sst s1;
	(tag) =	ssettag s2;
	_ =	strace s9  }
0x27: {  	s1 =	sld [smem:$0x3FA9]  }
0x28: {  	s2 =	sld [smem:$0x3FAA]  }
0x29: {  	s4 =	sld [smem:$0x3FAC]  }
0x2a: {  	p0 =	seq.s32 s5, $0x0;
	s5 =	sld [smem:$0x3FAD]  }
0x2b: {  	s6 =	sld [smem:$0x3FAE]  }
0x2c: {  	s7 =	sld [smem:$0x3FAF]  }
0x2d: {  	s3 =	simm.s32 $0x108;
	s8 =	sld [smem:$0x3FB0]  }
0x2e: {  	s3 =	simm.s32 @!p0 $0x1082;
	s9 =	sld [smem:$0x3FB1]  }
0x2f: {  	lr =	sadd.s32 s0, s3;
	s0 =	sld [smem:$0x3FA8]  }
0x30: {  	s3 =	sld [smem:$0x3FAB]  }
0x31: {  	[smem:$0x3FB4] =	sst s10  }
0x32: {  	s10 =	sld [smem:$0x3FB2];
	_ =	sdelay $0x3  }
0x33: {  	p0 =	seq.s32 s10, $0x1;
	s10 =	sld [smem:$0x3FB4];
	_ =	sdelay $0x3  }
0x34: {  	[smem:$0x3FB4] =	sst s10  }
0x35: {  	s10 =	sld [smem:$0x3FB3];
	_ =	sdelay $0x3  }
0x36: {  	p1 =	seq.s32 s10, $0x1;
	s10 =	sld [smem:$0x3FB4];
	_ =	sdelay $0x3  }
0x37: {  	[smem:$0x3FB4] =	sst s10  }
0x38: {  	s10 =	sld [smem:$0x3FB5]  }
0x39: {  	_ = 	snop;
	(pc) =	sbr.ind lr, $3  }
0x3a: {  	_ = 	snop  }
0x3b: {  	_ = 	snop  }
0x3c: {  	p2 =	seq.s32 s10, $0x1;
	s10 =	sld [smem:$0x3FB4]  }
0x3d: {  	_ =	shalt  }
0x3e: {  	_ =	shalt  }
0x3f: {  	_ =	shalt  }
0x40: {  	_ =	shalt  }
0x41: {  	_ =	shalt  }
0x42: {  	_ =	shalt  }
0x43: {  	_ =	shalt  }
0x44: {  	_ =	shalt  }
0x45: {  	_ =	shalt  }
0x46: {  	_ =	shalt  }
0x47: {  	_ =	shalt  }
0x48: {  	_ =	shalt  }
0x49: {  	_ =	shalt  }
0x4a: {  	_ =	shalt  }
0x4b: {  	_ =	shalt  }
0x4c: {  	_ =	shalt  }
0x4d: {  	_ =	shalt  }
0x4e: {  	_ =	shalt  }
0x4f: {  	_ =	shalt  }
0x50: {  	_ =	shalt  }
0x51: {  	_ =	shalt  }
0x52: {  	_ =	shalt  }
0x53: {  	_ =	shalt  }
0x54: {  	_ =	shalt  }
0x55: {  	_ =	shalt  }
0x56: {  	_ =	shalt  }
0x57: {  	_ =	shalt  }
0x58: {  	_ =	shalt  }
0x59: {  	_ =	shalt  }
0x5a: {  	_ =	shalt  }
0x5b: {  	_ =	shalt  }
0x5c: {  	_ =	shalt  }
0x5d: {  	_ =	shalt  }
0x5e: {  	_ =	shalt  }
0x5f: {  	_ =	shalt  }
0x60: {  	_ =	shalt  }
0x61: {  	_ =	shalt  }
0x62: {  	_ =	shalt  }
0x63: {  	_ =	shalt  }
0x64: {  	_ =	shalt  }
0x65: {  	_ =	shalt  }
0x66: {  	_ =	shalt  }
0x67: {  	_ =	shalt  }
0x68: {  	_ =	shalt  }
0x69: {  	_ =	shalt  }
0x6a: {  	_ =	shalt  }
0x6b: {  	_ =	shalt  }
0x6c: {  	_ =	shalt  }
0x6d: {  	_ =	shalt  }
0x6e: {  	_ =	shalt  }
0x6f: {  	_ =	shalt  }
0x70: {  	_ =	shalt  }
0x71: {  	_ =	shalt  }
0x72: {  	_ =	shalt  }
0x73: {  	_ =	shalt  }
0x74: {  	_ =	shalt  }
0x75: {  	_ =	shalt  }
0x76: {  	_ =	shalt  }
0x77: {  	_ =	shalt  }
0x78: {  	_ =	shalt  }
0x79: {  	_ =	shalt  }
0x7a: {  	_ =	shalt  }
0x7b: {  	_ =	shalt  }
0x7c: {  	_ =	shalt  }
0x7d: {  	_ =	shalt  }
0x7e: {  	_ =	shalt  }
0x7f: {  	_ =	shalt  }
0x80: {  	_ =	shalt  }
0x81: {  	_ =	shalt  }
0x82: {  	_ =	shalt  }
0x83: {  	_ =	shalt  }
0x84: {  	_ =	shalt  }
0x85: {  	_ =	shalt  }
0x86: {  	_ =	shalt  }
0x87: {  	_ =	shalt  }
.Lfunc_end0:
.L_simem_size_0:
called_computation_lowered:
.L_overlay_start_0:
0x88: {  	s2 =	sld [smem:$0x3FD9]  }
0x89: {  	s3 =	sld [smem:$0x3FFE];
	_ =	sdelay $0x1  }
0x8a: {  	s1 =	srdreg.scid  }
0x8b: {  	s0 =	sand.u32 $0x1, s1  }
0x8c: {  	s17 =	sshll.u32 s0, $0xA;
	s2 =	sadd.s32 s3, s2  }
0x8d: {  	s2 =	sadd.s32 s2, s17  }
0x8e: {  	[smem:$0x3FC0] =	sst s2  }
0x8f: {  	_ = 	snop  }
0x90: {  	s2 =	sld [smem:$0x3FD0];
	(tm) =	ssettm $0x1  }
0x91: {  	s18 =	sld [smem:$0x3FFB];
	_ =	sdelay $0x3  }
0x92: {  	_ =	strace s18  }
0x93: {  	s3 =	sld [smem:$0x3FFC];
	_ =	sdelay $0x3  }
0x94: {  	_ =	strace s3  }
0x95: {  	s3 =	sld [smem:$0x3FFD];
	_ =	sdelay $0x3  }
0x96: {  	_ =	strace s3  }
0x97: {  	_ =	strace $0x8FFFFFFF  }
0x98: {  	s19 =	sld [smem:$0x3FDB];
	_ =	sdelay $0x1  }
0x99: {  	s4 =	simm.s32 $_scs_section_size  }
0x9a: {  	s5 =	simm.s32 $_size__tile_overlayer_lowered;
	s6 =	simm.s32 $_tile_overlayer_lowered  }
0x9b: {  	s22 =	simm.s32 $0x1BFF;
	s21 =	sshll.u32 s6, $0x1;
	s3 =	sadd.s32 s4, s19  }
0x9c: {  	s7 =	simm.s32 $0x0;
	s20 =	sshll.u32 s5, $0x1;
	s5 =	sadd.s32 s21, s3  }
0x9d: {  	[timem:s7], [sflag:s22] =	dma.local [hbm:s5], s20  }
0x9e: {  	_ =	swait.ge [sflag:s22], s20  }
0x9f: {  	s4 =	ssub.s32 $0x0, s20;
	[sflag:s22] =	ssyncset.done $0x0  }
0xa0: {  	[sflag:s22] =	ssyncadd.s32 s4;
	_ =	sdelay $0x1  }
0xa1: {  	s23 =	simm.s32 $0x1B8B  }
0xa2: {  	_ =	swait.ge [sflag:s23], $0x1  }
0xa3: {  	[sflag:s23] =	ssyncset.done $0x0  }
0xa4: {  	s25 =	simm.s32 $0x1B8E;
	s24 =	sld [smem:$0x3FFE];
	[sflag:s23] =	ssyncadd.s32 $0xFFFFFFFF  }
0xa5: {  	s26 =	simm.s32 $execute0_lowered;
	[smem:$0x3FD2] =	sst s25  }
0xa6: {  	s5 =	sshll.u32 s26, $0x1;
	_ =	strace $0x80000046;
	[dreg:$0x1] =	wrdreg $0xFFFFFFFF  }
0xa7: {  	s28 =	simm.s32 $_size_execute0_lowered;
	s3 =	sadd.s32 s3, s5;
	[dreg:$0x0] =	wrdreg $0x0  }
0xa8: {  	s5 =	sshll.u32 s28, $0x1;
	[dreg:$0x2] =	wrdreg s3  }
0xa9: {  	[dreg:$0x3] =	wrdreg s5  }
0xaa: {  	[dreg:$0x4] =	wrdreg $0xC0  }
0xab: {  	_ =	task [dreg:s7], $0x5FFFF  }
0xac: {  	[dreg:$0x1] =	wrdreg $0xFFFFFFFF  }
0xad: {  	[dreg:$0x0] =	wrdreg $0x60  }
0xae: {  	[dreg:$0x2] =	wrdreg s24  }
0xaf: {  	[dreg:$0x3] =	wrdreg s2  }
0xb0: {  	[dreg:$0x4] =	wrdreg $0x7B000  }
0xb1: {  	[dreg:$0x5] =	wrdreg $0x9  }
0xb2: {  	_ =	task.clear_ibuf [dreg:s7], $0x6FFFF;
	_ =	strace $0x90000046  }
0xb3: {  	s29 =	simm.s32 $0x9;
	_ =	strace $0x80000048  }
0xb4: {  	_ =	swait.ge [sflag:s29], $0x1  }
0xb5: {  	[sflag:s29] =	ssyncadd.s32 $0xFFFFFFFF  }
0xb6: {  	_ =	strace $0x90000048  }
0xb7: {  	_ =	sfence  }
0xb8: {  	s30 =	sld [smem:$0x0];
	_ =	sdelay $0x2  }
0xb9: {  	s31 =	sshll.u32 s1, $0xD;
	s1 =	sshrl.u32 s1, $0x2  }
0xba: {  	s3 =	sand.u32 $0x4000, s31;
	s1 =	sadd.s32 s1, s30  }
0xbb: {  	s0 =	sor.u32 s3, s0;
	s1 =	sshll.u32 s1, $0x11  }
0xbc: {  	s0 =	sor.u32 s1, s0  }
0xbd: {  	s0 =	sadd.s32 $0x8F2B, s0  }
0xbe: {  	[sflag:s0] =	ssyncadd.remote.s32 $0x1  }
0xbf: {  	_ =	sfence.sel $0xFFFF  }
0xc0: {  	[dreg:$0x0] =	wrdreg $0xFFFFFFFF;
	(pc) =	sbr.abs _section_cstart, $3  }
0xc1: {  	[dreg:$0x1] =	wrdreg $0xFFFFFFFF  }
0xc2: {  	_ =	task.clear_ibuf [dreg:s7], $0x2FFFF;
	_ =	strace $0x9FFFFFFF  }
0xc3: {  	(tm) =	ssettm $0x7FFFFFFF  }
tec
execute0_lowered:
.L_overlay_start_1:
0x0: {  	(tag) =	ssettag $0x1  }
0x1: {  	s1 =	srdreg.scid;
	s17 =	stileid.u32  }
0x2: {  	s1 =	sand.u32 $0x1, s1;
	s6 =	smul.u32 $0x14000, s17  }
0x3: {  	s0 =	rddreg [dreg:$0x0];
	s5 =	smul.u32 $0x140000, s1  }
0x4: {  	s2 =	rddreg [dreg:$0x1]  }
0x5: {  	s3 =	rddreg [dreg:$0x2];
	s5 =	sadd.s32 s6, s5  }
0x6: {  	s4 =	simm.s32 $0x0;
	s7 =	sadd.s32 $0x34600, s0;
	s5 =	sshrl.u32 s5, $0x3  }
0x7: {  	[smem:$0x7FF] =	sst s4;
	s6 =	sadd.s32 $0x84600, s0;
	s10 =	sor.u32 $0x500, s5  }
0x8: {  	s11 =	sadd.s32 s7, s5;
	s22 =	sadd.s32 $0xA00, s5;
	s12 =	sadd.s32 $0xF00, s5  }
0x9: {  	s13 =	sadd.s32 $0x1400, s5;
	s25 =	sadd.s32 $0x1900, s5;
	s15 =	sadd.s32 $0x1E00, s5  }
0xa: {  	s16 =	sadd.s32 $0x2300, s5;
	s5 =	sadd.s32 s6, s5;
	[dreg:$0x4] =	wrdreg s11  }
0xb: {  	s30 =	simm.s32 $0x4;
	s21 =	sadd.s32 s7, s10;
	[dreg:$0xc] =	wrdreg s5  }
0xc: {  	s31 =	simm.s32 $0x50;
	s14 =	sadd.s32 s7, s22;
	[dreg:$0x5] =	wrdreg s21  }
0xd: {  	s29 =	simm.s32 $0x6;
	s23 =	sadd.s32 s7, s12;
	[dreg:$0x6] =	wrdreg s14  }
0xe: {  	s8 =	ssub.s32 $0x2, s1;
	s24 =	sadd.s32 s7, s13;
	[dreg:$0x7] =	wrdreg s23  }
0xf: {  	s20 =	sshll.u32 s1, $0x4;
	s18 =	sadd.s32 s7, s25;
	[dreg:$0x8] =	wrdreg s24  }
0x10: {  	s1 =	smul.u32 $0x27100, s1;
	s26 =	sadd.s32 s7, s15;
	[dreg:$0x9] =	wrdreg s18  }
0x11: {  	s9 =	sshrl.u32 s8, $0x1;
	s7 =	sadd.s32 s7, s16;
	[dreg:$0xa] =	wrdreg s26  }
0x12: {  	s8 =	ssub.s32 s8, s9;
	s19 =	sadd.s32 s6, s22;
	[dreg:$0xb] =	wrdreg s7  }
0x13: {  	s9 =	sor.u32 s17, s20;
	s20 =	sadd.s32 s6, s12;
	[dreg:$0xe] =	wrdreg s19  }
0x14: {  	s22 =	sadd.s32 s6, s25;
	s25 =	smul.u32 $0x2710, s9;
	[dreg:$0xf] =	wrdreg s20  }
0x15: {  	s12 =	smul.u32 $0x50000, s17;
	s18 =	sadd.s32 s6, s10;
	[dreg:$0x11] =	wrdreg s22  }
0x16: {  	s21 =	sadd.s32 s6, s13;
	s23 =	sadd.s32 s6, s15;
	[dreg:$0xd] =	wrdreg s18  }
0x17: {  	s24 =	smul.u32 $0x2710, s17;
	s6 =	sadd.s32 s6, s16;
	[dreg:$0x10] =	wrdreg s21  }
0x18: {  	s22 =	sadd.s32 $0xBA00, s0;
	s26 =	sadd.s32 $0x33A00, s0;
	[dreg:$0x12] =	wrdreg s23  }
0x19: {  	[dreg:$0x13] =	wrdreg s6;
	s23 =	sadd.s32 $0x1C00, s0;
	s7 =	sshrl.u32 s25, $0x3  }
0x1a: {  	s0 =	sadd.s32 $0x34000, s0;
	_ =	strace $0x80000047;
	[dreg:$0x15] =	wrdreg s26  }
0x1b: {  	s16 =	sshrl.u32 s12, $0x2;
	s21 =	smax.u32 s8, $0x1;
	[dreg:$0x14] =	wrdreg s25  }
0x1c: {  	s12 =	simm.s32 $0x2;
	s6 =	simm.s32 $0x0;
	[dreg:$0x16] =	wrdreg s0  }
0x1d: {  	s1 =	sadd.s32 s24, s1;
	s9 =	sadd.s32 s2, s7;
	[dreg:$0x1e] =	wrdreg s21  }
0x1e: {  	s10 =	sadd.s32 s23, s7;
	s11 =	sadd.s32 $0xA, s7;
	[dreg:$0x17] =	wrdreg s9  }
0x1f: {  	s5 =	sadd.s32 $0x14, s7;
	s18 =	sadd.s32 s16, s3;
	[dreg:$0x18] =	wrdreg s10  }
0x20: {  	s13 =	sadd.s32 s2, s11;
	s0 =	sadd.s32 s23, s11;
	[dreg:$0x1d] =	wrdreg s18  }
0x21: {  	s14 =	sadd.s32 s2, s5;
	s15 =	sadd.s32 s23, s5;
	[dreg:$0x19] =	wrdreg s13  }
0x22: {  	s17 =	sadd.s32 $0x140, s1;
	s20 =	sadd.s32 $0xA0, s1;
	[dreg:$0x1a] =	wrdreg s0  }
0x23: {  	s7 =	sadd.s32 $0xF0, s1;
	s26 =	sadd.s32 $0x2800, s18;
	[dreg:$0x1b] =	wrdreg s14  }
0x24: {  	s16 =	sadd.s32 $0x5000, s18;
	s21 =	sadd.s32 $0x7800, s18;
	[dreg:$0x1c] =	wrdreg s15  }
0x25: {  	s28 =	sadd.s32 $0xC800, s18;
	s8 =	sadd.s32 $0x11800, s18;
	[smem:$0x7F5] =	sst s26  }
0x26: {  	s1 =	simm.s32 $0x5;
	s10 =	simm.s32 $0x1;
	[smem:$0x7F7] =	sst s7  }
0x27: {  	s11 =	simm.s32 $0x7;
	s19 =	sshrl.u32 s17, $0x3;
	[smem:$0x7F8] =	sst s16  }
0x28: {  	s5 =	sshrl.u32 s20, $0x3;
	s0 =	sadd.s32 $0xA000, s18;
	[smem:$0x7F9] =	sst s21  }
0x29: {  	s15 =	sadd.s32 $0xF000, s18;
	s17 =	simm.s32 $0x300;
	[smem:$0x7FB] =	sst s28  }
0x2a: {  	s18 =	simm.s32 $0xA;
	s20 =	simm.s32 $0x180;
	[smem:$0x7FD] =	sst s8  }
0x2b: {  	s26 =	simm.s32 $0x5300;
	s13 =	simm.s32 $0x8;
	[smem:$0x7FA] =	sst s0  }
0x2c: {  	s14 =	simm.s32 $0x9;
	s24 =	sadd.s32 s19, s23;
	[smem:$0x7FC] =	sst s15  }
0x2d: {  	s9 =	sadd.s32 s19, s2;
	s25 =	sadd.s32 s5, s2;
	[dreg:$0x1f] =	wrdreg s24  }
0x2e: {  	s19 =	simm.s32 $0x3;
	s5 =	simm.s32 $0x2B00;
	[smem:$0x7F4] =	sst s25  }
0x2f: {  	s25 =	simm.s32 $0x200;
	s24 =	simm.s32 $0x280;
	[smem:$0x7F6] =	sst s9  }
.LBB2_1:
0x30: {  	[smem:$0x7F3] =	sst s6  }
0x31: {  	s6 =	rddreg [dreg:$0x15]  }
0x32: {  	[tilespmem:s17], [sflag:$0xA] =	stream.linear.gather [hbm4b:s6+s4], $0x2800, $0x38;
	[tilespmem:$0x1BB00] =	vst v63  }
0x33: {  	_ =	swait.ge [sflag:s18], $0x2800  }
0x34: {  	[sflag:s18] =	ssyncset.done $0x0  }
0x35: {  	s6 =	rddreg [dreg:$0x1d];
	[sflag:s18] =	ssyncadd.s32 $0xFFFFD800  }
0x36: {  	[spmem:s6] =	stream.linear.scatter [tilespmem:s17], [sflag:$0x3], $0x2800, $0x38;
	[tilespmem:$0x1BB00] =	vst v63  }
0x37: {  	s6 =	sld [smem:$0x7F5];
	_ =	sdelay $0x2  }
0x38: {  	[spmem:s6] =	stream.linear.scatter [tilespmem:s17], [sflag:$0x3], $0x2800, $0x38;
	[tilespmem:$0x1BB00] =	vst v63  }
0x39: {  	_ = 	snop  }
0x3a: {  	[spmem:s16] =	stream.linear.scatter [tilespmem:s17], [sflag:$0x3], $0x2800, $0x38;
	[tilespmem:$0x1BB00] =	vst v63  }
0x3b: {  	_ = 	snop  }
0x3c: {  	[spmem:s21] =	stream.linear.scatter [tilespmem:s17], [sflag:$0x3], $0x2800, $0x38;
	[tilespmem:$0x1BB00] =	vst v63  }
0x3d: {  	_ = 	snop  }
0x3e: {  	[spmem:s0] =	stream.linear.scatter [tilespmem:s17], [sflag:$0x3], $0x2800, $0x38;
	[tilespmem:$0x1BB00] =	vst v63  }
0x3f: {  	_ = 	snop  }
0x40: {  	[spmem:s28] =	stream.linear.scatter [tilespmem:s17], [sflag:$0x3], $0x2800, $0x38;
	[tilespmem:$0x1BB00] =	vst v63  }
0x41: {  	_ = 	snop  }
0x42: {  	[spmem:s15] =	stream.linear.scatter [tilespmem:s17], [sflag:$0x3], $0x2800, $0x38;
	[tilespmem:$0x1BB00] =	vst v63  }
0x43: {  	_ = 	snop  }
0x44: {  	[spmem:s8] =	stream.linear.scatter [tilespmem:s17], [sflag:$0x3], $0x2800, $0x38;
	[tilespmem:$0x1BB00] =	vst v63  }
0x45: {  	_ =	swait.ge [sflag:s19], $0x2800  }
0x46: {  	[sflag:s19] =	ssyncset.done $0x0  }
0x47: {  	[sflag:s19] =	ssyncadd.s32 $0xFFFFD800  }
0x48: {  	_ =	swait.ge [sflag:s19], $0x2800  }
0x49: {  	[sflag:s19] =	ssyncset.done $0x0  }
0x4a: {  	[sflag:s19] =	ssyncadd.s32 $0xFFFFD800  }
0x4b: {  	_ =	swait.ge [sflag:s19], $0x2800  }
0x4c: {  	[sflag:s19] =	ssyncset.done $0x0  }
0x4d: {  	[sflag:s19] =	ssyncadd.s32 $0xFFFFD800  }
0x4e: {  	_ =	swait.ge [sflag:s19], $0x2800  }
0x4f: {  	[sflag:s19] =	ssyncset.done $0x0  }
0x50: {  	[sflag:s19] =	ssyncadd.s32 $0xFFFFD800  }
0x51: {  	_ =	swait.ge [sflag:s19], $0x2800  }
0x52: {  	[sflag:s19] =	ssyncset.done $0x0  }
0x53: {  	[sflag:s19] =	ssyncadd.s32 $0xFFFFD800  }
0x54: {  	_ =	swait.ge [sflag:s19], $0x2800  }
0x55: {  	[sflag:s19] =	ssyncset.done $0x0  }
0x56: {  	[sflag:s19] =	ssyncadd.s32 $0xFFFFD800  }
0x57: {  	_ =	swait.ge [sflag:s19], $0x2800  }
0x58: {  	[sflag:s19] =	ssyncset.done $0x0  }
0x59: {  	[sflag:s19] =	ssyncadd.s32 $0xFFFFD800  }
0x5a: {  	_ =	swait.ge [sflag:s19], $0x2800  }
0x5b: {  	[sflag:s19] =	ssyncset.done $0x0  }
0x5c: {  	[sflag:s19] =	ssyncadd.s32 $0xFFFFD800  }
0x5d: {  	[bflag:$0x0] =	sbarrier.arrive $0xFFFF  }
0x5e: {  	s21 =	rddreg [dreg:$0x17]  }
0x5f: {  	[tilespmem:s20], [sflag:$0x7] =	stream.linear.gather [hbm4b:s21+s4], $0x50, $0x38;
	[tilespmem:$0x1BB00] =	vst v63  }
0x60: {  	s6 =	rddreg [dreg:$0x18]  }
0x61: {  	[tilespmem:s4], [sflag:$0x4] =	stream.linear.gather [hbm4b:s6+s4], $0x50, $0x38;
	[tilespmem:$0x1BB00] =	vst v63  }
0x62: {  	s8 =	rddreg [dreg:$0x19]  }
0x63: {  	[tilespmem:s25], [sflag:$0x8] =	stream.linear.gather [hbm4b:s8+s4], $0x50, $0x38;
	[tilespmem:$0x1BB00] =	vst v63  }
0x64: {  	s15 =	rddreg [dreg:$0x1a];
	s21 =	simm.s32 $0x80  }
0x65: {  	[tilespmem:s21], [sflag:$0x5] =	stream.linear.gather [hbm4b:s15+s4], $0x50, $0x38;
	[tilespmem:$0x1BB00] =	vst v63  }
0x66: {  	_ =	swait.ge [sflag:s30], $0x50  }
0x67: {  	[sflag:s30] =	ssyncset.done $0x0  }
0x68: {  	[sflag:s30] =	ssyncadd.s32 $0xFFFFFFB0  }
0x69: {  	[tilespmem:s17], [sflag:$0x1] =	stream.indirect.gather [hbm4b:s22+s31], $0x80, s4, s31, $0xb8;
	[tilespmem:$0x1BB00] =	vst v63  }
0x6a: {  	_ =	swait.ge [sflag:s1], $0x50  }
0x6b: {  	[sflag:s1] =	ssyncset.done $0x0  }
0x6c: {  	[sflag:s1] =	ssyncadd.s32 $0xFFFFFFB0  }
0x6d: {  	[tilespmem:s5], [sflag:$0x2] =	stream.indirect.gather [hbm4b:s22+s31], $0x80, s21, s31, $0xb8;
	[tilespmem:$0x1BB00] =	vst v63  }
0x6e: {  	s16 =	rddreg [dreg:$0x1b]  }
0x6f: {  	[tilespmem:s24], [sflag:$0x9] =	stream.linear.gather [hbm4b:s16+s4], $0x50, $0x38;
	[tilespmem:$0x1BB00] =	vst v63  }
0x70: {  	s8 =	simm.s32 $0x100;
	s6 =	rddreg [dreg:$0x1c]  }
0x71: {  	[tilespmem:s8], [sflag:$0x6] =	stream.linear.gather [hbm4b:s6+s4], $0x50, $0x38;
	[tilespmem:$0x1BB00] =	vst v63  }
0x72: {  	_ =	swait.ge [sflag:s29], $0x50  }
0x73: {  	[sflag:s29] =	ssyncset.done $0x0  }
0x74: {  	[sflag:s29] =	ssyncadd.s32 $0xFFFFFFB0  }
0x75: {  	[tilespmem:s26], [sflag:$0x3] =	stream.indirect.gather [hbm4b:s22+s31], $0x80, s8, s31, $0xb8;
	[tilespmem:$0x1BB00] =	vst v63  }
0x76: {  	_ =	swait.ge [sflag:s10], $0x2800  }
0x77: {  	[sflag:s10] =	ssyncset.done $0x0  }
0x78: {  	[sflag:s10] =	ssyncadd.s32 $0xFFFFD800  }
0x79: {  	_ =	swait.ge [sflag:s11], $0x50  }
0x7a: {  	[sflag:s11] =	ssyncset.done $0x0  }
0x7b: {  	s15 =	sadd.s32 $0x190, s7;
	[sflag:s11] =	ssyncadd.s32 $0xFFFFFFB0  }
0x7c: {  	[spmem:s3] =	stream.indirect.scatter.add.f32 [tilespmem:s17], [sflag:$0xA], $0x80, s20, s31, $0xb8;
	[tilespmem:$0x1BB00] =	vst v63  }
0x7d: {  	s0 =	sadd.s32 $0xFFFFFE70, s15;
	_ =	swait.ge [sflag:s18], $0x2800  }
0x7e: {  	s0 =	sshrl.u32 s0, $0x3;
	[sflag:s18] =	ssyncset.done $0x0  }
0x7f: {  	s16 =	sadd.s32 s2, s0;
	[sflag:s18] =	ssyncadd.s32 $0xFFFFD800  }
0x80: {  	[tilespmem:s20], [sflag:$0x7] =	stream.linear.gather [hbm4b:s16+s4], $0x50, $0x38;
	[tilespmem:$0x1BB00] =	vst v63  }
0x81: {  	s0 =	sadd.s32 s23, s0  }
0x82: {  	[tilespmem:s4], [sflag:$0x4] =	stream.linear.gather [hbm4b:s0+s4], $0x50, $0x38;
	[tilespmem:$0x1BB00] =	vst v63  }
0x83: {  	_ =	swait.ge [sflag:s12], $0x2800  }
0x84: {  	[sflag:s12] =	ssyncset.done $0x0  }
0x85: {  	[sflag:s12] =	ssyncadd.s32 $0xFFFFD800  }
0x86: {  	_ =	swait.ge [sflag:s13], $0x50  }
0x87: {  	[sflag:s13] =	ssyncset.done $0x0  }
0x88: {  	[sflag:s13] =	ssyncadd.s32 $0xFFFFFFB0  }
0x89: {  	[spmem:s3] =	stream.indirect.scatter.add.f32 [tilespmem:s5], [sflag:$0xA], $0x80, s25, s31, $0xb8;
	[tilespmem:$0x1BB00] =	vst v63  }
0x8a: {  	_ =	swait.ge [sflag:s18], $0x2800  }
0x8b: {  	[sflag:s18] =	ssyncset.done $0x0  }
0x8c: {  	[sflag:s18] =	ssyncadd.s32 $0xFFFFD800  }
0x8d: {  	[tilespmem:s25], [sflag:$0x8] =	stream.linear.gather [hbm4b:s9+s4], $0x50, $0x38;
	[tilespmem:$0x1BB00] =	vst v63  }
0x8e: {  	s8 =	rddreg [dreg:$0x1f]  }
0x8f: {  	[tilespmem:s21], [sflag:$0x5] =	stream.linear.gather [hbm4b:s8+s4], $0x50, $0x38;
	[tilespmem:$0x1BB00] =	vst v63  }
0x90: {  	_ =	swait.ge [sflag:s30], $0x50  }
0x91: {  	[sflag:s30] =	ssyncset.done $0x0  }
0x92: {  	[sflag:s30] =	ssyncadd.s32 $0xFFFFFFB0  }
0x93: {  	[tilespmem:s17], [sflag:$0x1] =	stream.indirect.gather [hbm4b:s22+s31], $0x80, s4, s31, $0xb8;
	[tilespmem:$0x1BB00] =	vst v63  }
0x94: {  	_ =	swait.ge [sflag:s19], $0x2800  }
0x95: {  	[sflag:s19] =	ssyncset.done $0x0  }
0x96: {  	[sflag:s19] =	ssyncadd.s32 $0xFFFFD800  }
0x97: {  	_ =	swait.ge [sflag:s14], $0x50  }
0x98: {  	[sflag:s14] =	ssyncset.done $0x0  }
0x99: {  	[sflag:s14] =	ssyncadd.s32 $0xFFFFFFB0  }
0x9a: {  	[spmem:s3] =	stream.indirect.scatter.add.f32 [tilespmem:s26], [sflag:$0xA], $0x80, s24, s31, $0xb8;
	[tilespmem:$0x1BB00] =	vst v63  }
0x9b: {  	p0 =	por $0x0, $0x0;
	s0 =	simm.s32 $0x190;
	_ =	swait.ge [sflag:s18], $0x2800  }
0x9c: {  	s28 =	smov.u32 s7;
	s0 =	simm.s32 @p0 $0x0;
	s7 =	rddreg [dreg:$0x14]  }
0x9d: {  	s0 =	sadd.s32 s7, s0  }
0x9e: {  	[sflag:s18] =	ssyncset.done $0x0;
	s0 =	sshrl.u32 s0, $0x3  }
0x9f: {  	[sflag:s18] =	ssyncadd.s32 $0xFFFFD800;
	s26 =	sadd.s32 s2, s0  }
0xa0: {  	[tilespmem:s24], [sflag:$0x9] =	stream.linear.gather [hbm4b:s26+s4], $0x50, $0x38;
	[tilespmem:$0x1BB00] =	vst v63  }
0xa1: {  	s6 =	simm.s32 $0x100;
	s0 =	sadd.s32 s23, s0  }
0xa2: {  	[tilespmem:s6], [sflag:$0x6] =	stream.linear.gather [hbm4b:s0+s4], $0x50, $0x38;
	[tilespmem:$0x1BB00] =	vst v63  }
0xa3: {  	s16 =	simm.s32 $0x280;
	s15 =	smov.u32 s8;
	_ =	swait.ge [sflag:s1], $0x50  }
0xa4: {  	s0 =	sadd.s32 $0x1E, s9;
	s9 =	smov.u32 s7;
	[sflag:s1] =	ssyncset.done $0x0  }
.LBB2_2:
0xa5: {  	p0 =	sne.s32 s16, $0x2710;
	[sflag:s1] =	ssyncadd.s32 $0xFFFFFFB0  }
0xa6: {  	s15 =	sadd.s32 $0x1E, s15;
	s7 =	simm.s32 $0x5300;
	s26 =	simm.s32 $0x80  }
0xa7: {  	[tilespmem:s5], [sflag:$0x2] =	stream.indirect.gather [hbm4b:s22+s31], $0x80, s21, s31, $0xb8;
	[tilespmem:$0x1BB00] =	vst v63  }
0xa8: {  	s21 =	smov.u32 s16;
	s16 =	sadd.s32 $0xF0, s16;
	_ =	swait.ge [sflag:s29], $0x50  }
0xa9: {  	[sflag:s29] =	ssyncset.done $0x0  }
0xaa: {  	[sflag:s29] =	ssyncadd.s32 $0xFFFFFFB0  }
0xab: {  	[tilespmem:s7], [sflag:$0x3] =	stream.indirect.gather [hbm4b:s22+s31], $0x80, s6, s31, $0xb8;
	[tilespmem:$0x1BB00] =	vst v63  }
0xac: {  	_ =	swait.ge [sflag:s10], $0x2800  }
0xad: {  	[sflag:s10] =	ssyncset.done $0x0  }
0xae: {  	[sflag:s10] =	ssyncadd.s32 $0xFFFFD800  }
0xaf: {  	_ =	swait.ge [sflag:s11], $0x50  }
0xb0: {  	[sflag:s11] =	ssyncset.done $0x0  }
0xb1: {  	s6 =	simm.s32 $0x100;
	s7 =	sadd.s32 s21, s28;
	[sflag:s11] =	ssyncadd.s32 $0xFFFFFFB0  }
0xb2: {  	[spmem:s3] =	stream.indirect.scatter.add.f32 [tilespmem:s17], [sflag:$0xA], $0x80, s20, s31, $0xb8;
	[tilespmem:$0x1BB00] =	vst v63  }
0xb3: {  	s7 =	sadd.s32 $0xFFFFFE70, s7;
	_ =	swait.ge [sflag:s18], $0x2800  }
0xb4: {  	s7 =	sshrl.u32 s7, $0x3;
	[sflag:s18] =	ssyncset.done $0x0  }
0xb5: {  	s8 =	sadd.s32 s2, s7;
	[sflag:s18] =	ssyncadd.s32 $0xFFFFD800  }
0xb6: {  	[tilespmem:s20], [sflag:$0x7] =	stream.linear.gather [hbm4b:s8+s4], $0x50, $0x38;
	[tilespmem:$0x1BB00] =	vst v63  }
0xb7: {  	s7 =	sadd.s32 s23, s7  }
0xb8: {  	[tilespmem:s4], [sflag:$0x4] =	stream.linear.gather [hbm4b:s7+s4], $0x50, $0x38;
	[tilespmem:$0x1BB00] =	vst v63  }
0xb9: {  	_ =	swait.ge [sflag:s12], $0x2800  }
0xba: {  	[sflag:s12] =	ssyncset.done $0x0  }
0xbb: {  	[sflag:s12] =	ssyncadd.s32 $0xFFFFD800  }
0xbc: {  	_ =	swait.ge [sflag:s13], $0x50  }
0xbd: {  	[sflag:s13] =	ssyncset.done $0x0  }
0xbe: {  	[sflag:s13] =	ssyncadd.s32 $0xFFFFFFB0  }
0xbf: {  	[spmem:s3] =	stream.indirect.scatter.add.f32 [tilespmem:s5], [sflag:$0xA], $0x80, s25, s31, $0xb8;
	[tilespmem:$0x1BB00] =	vst v63  }
0xc0: {  	_ =	swait.ge [sflag:s18], $0x2800  }
0xc1: {  	[sflag:s18] =	ssyncset.done $0x0  }
0xc2: {  	[sflag:s18] =	ssyncadd.s32 $0xFFFFD800  }
0xc3: {  	[tilespmem:s25], [sflag:$0x8] =	stream.linear.gather [hbm4b:s0+s4], $0x50, $0x38;
	[tilespmem:$0x1BB00] =	vst v63  }
0xc4: {  	_ = 	snop  }
0xc5: {  	[tilespmem:s26], [sflag:$0x5] =	stream.linear.gather [hbm4b:s15+s4], $0x50, $0x38;
	[tilespmem:$0x1BB00] =	vst v63  }
0xc6: {  	s26 =	simm.s32 $0x5300  }
0xc7: {  	_ =	swait.ge [sflag:s30], $0x50  }
0xc8: {  	[sflag:s30] =	ssyncset.done $0x0  }
0xc9: {  	[sflag:s30] =	ssyncadd.s32 $0xFFFFFFB0  }
0xca: {  	[tilespmem:s17], [sflag:$0x1] =	stream.indirect.gather [hbm4b:s22+s31], $0x80, s4, s31, $0xb8;
	[tilespmem:$0x1BB00] =	vst v63  }
0xcb: {  	_ =	swait.ge [sflag:s19], $0x2800  }
0xcc: {  	[sflag:s19] =	ssyncset.done $0x0  }
0xcd: {  	[sflag:s19] =	ssyncadd.s32 $0xFFFFD800  }
0xce: {  	_ =	swait.ge [sflag:s14], $0x50  }
0xcf: {  	[sflag:s14] =	ssyncset.done $0x0  }
0xd0: {  	p1 =	seq.s32 s21, $0x2710;
	[sflag:s14] =	ssyncadd.s32 $0xFFFFFFB0  }
0xd1: {  	[spmem:s3] =	stream.indirect.scatter.add.f32 [tilespmem:s26], [sflag:$0xA], $0x80, s24, s31, $0xb8;
	[tilespmem:$0x1BB00] =	vst v63  }
0xd2: {  	s21 =	simm.s32 @p1 $0x0;
	_ =	swait.ge [sflag:s18], $0x2800  }
0xd3: {  	s7 =	sadd.s32 s9, s21;
	s21 =	simm.s32 $0x80;
	[sflag:s18] =	ssyncset.done $0x0  }
0xd4: {  	s7 =	sshrl.u32 s7, $0x3;
	[sflag:s18] =	ssyncadd.s32 $0xFFFFD800  }
0xd5: {  	s8 =	sadd.s32 s2, s7;
	s7 =	sadd.s32 s23, s7  }
0xd6: {  	[tilespmem:s24], [sflag:$0x9] =	stream.linear.gather [hbm4b:s8+s4], $0x50, $0x38;
	[tilespmem:$0x1BB00] =	vst v63  }
.Ltmp0:
0xd7: {  	(pc) =	sbr.rel @p0 .LBB2_2-.Ltmp0, $4  }
0xd8: {  	[tilespmem:s6], [sflag:$0x6] =	stream.linear.gather [hbm4b:s7+s4], $0x50, $0x38;
	[tilespmem:$0x1BB00] =	vst v63  }
0xd9: {  	s6 =	simm.s32 $0x100  }
0xda: {  	_ =	swait.ge [sflag:s1], $0x50  }
0xdb: {  	s0 =	sadd.s32 $0x1E, s0;
	[sflag:s1] =	ssyncset.done $0x0  }
0xdc: {  	[sflag:s1] =	ssyncadd.s32 $0xFFFFFFB0  }
0xdd: {  	[tilespmem:s5], [sflag:$0x2] =	stream.indirect.gather [hbm4b:s22+s31], $0x80, s21, s31, $0xb8;
	[tilespmem:$0x1BB00] =	vst v63  }
0xde: {  	_ =	swait.ge [sflag:s10], $0x2800  }
0xdf: {  	[sflag:s10] =	ssyncset.done $0x0  }
0xe0: {  	[sflag:s10] =	ssyncadd.s32 $0xFFFFD800  }
0xe1: {  	_ =	swait.ge [sflag:s11], $0x50  }
0xe2: {  	[sflag:s11] =	ssyncset.done $0x0  }
0xe3: {  	[sflag:s11] =	ssyncadd.s32 $0xFFFFFFB0  }
0xe4: {  	[spmem:s3] =	stream.indirect.scatter.add.f32 [tilespmem:s17], [sflag:$0xA], $0x80, s20, s31, $0xb8;
	[tilespmem:$0x1BB00] =	vst v63  }
0xe5: {  	_ =	swait.ge [sflag:s18], $0x2800  }
0xe6: {  	[sflag:s18] =	ssyncset.done $0x0  }
0xe7: {  	[sflag:s18] =	ssyncadd.s32 $0xFFFFD800  }
0xe8: {  	_ =	swait.ge [sflag:s12], $0x2800  }
0xe9: {  	[sflag:s12] =	ssyncset.done $0x0  }
0xea: {  	[sflag:s12] =	ssyncadd.s32 $0xFFFFD800  }
0xeb: {  	_ =	swait.ge [sflag:s13], $0x50  }
0xec: {  	[sflag:s13] =	ssyncset.done $0x0  }
0xed: {  	[sflag:s13] =	ssyncadd.s32 $0xFFFFFFB0  }
0xee: {  	[spmem:s3] =	stream.indirect.scatter.add.f32 [tilespmem:s5], [sflag:$0xA], $0x80, s25, s31, $0xb8;
	[tilespmem:$0x1BB00] =	vst v63  }
0xef: {  	_ =	swait.ge [sflag:s18], $0x2800  }
0xf0: {  	[sflag:s18] =	ssyncset.done $0x0  }
0xf1: {  	[sflag:s18] =	ssyncadd.s32 $0xFFFFD800  }
0xf2: {  	_ =	swait.ge [sflag:s29], $0x50  }
0xf3: {  	[sflag:s29] =	ssyncset.done $0x0  }
0xf4: {  	[sflag:s29] =	ssyncadd.s32 $0xFFFFFFB0  }
0xf5: {  	_ =	swait.ge [sflag:s14], $0x50  }
0xf6: {  	[sflag:s14] =	ssyncset.done $0x0  }
0xf7: {  	[sflag:s14] =	ssyncadd.s32 $0xFFFFFFB0  }
0xf8: {  	[bflag:$0x0] =	sbarrier.arrive $0xFFFF  }
0xf9: {  	s0 =	rddreg [dreg:$0x1d]  }
0xfa: {  	[tilespmem:s17], [sflag:$0xA] =	stream.linear.gather [spmem:s0], $0x2800, $0x38;
	[tilespmem:$0x1BB00] =	vst v63  }
0xfb: {  	_ =	swait.ge [sflag:s18], $0x2800  }
0xfc: {  	[sflag:s18] =	ssyncset.done $0x0;
	s7 =	rddreg [dreg:$0x4]  }
0xfd: {  	s9 =	simm.s32 $0x0;
	s8 =	sld [smem:$0x7F5];
	[sflag:s18] =	ssyncadd.s32 $0xFFFFD800  }
0xfe: {  	[hbm4b:s7+s9] =	stream.linear.scatter [tilespmem:s17], [sflag:$0x1], $0x2800, $0x38;
	[tilespmem:$0x1BB00] =	vst v63  }
0xff: {  	_ = 	snop  }
0x100: {  	[tilespmem:s5], [sflag:$0xA] =	stream.linear.gather [spmem:s8], $0x2800, $0x38;
	[tilespmem:$0x1BB00] =	vst v63  }
0x101: {  	_ =	swait.ge [sflag:s18], $0x2800  }
0x102: {  	[sflag:s18] =	ssyncset.done $0x0  }
0x103: {  	s15 =	rddreg [dreg:$0x5];
	[sflag:s18] =	ssyncadd.s32 $0xFFFFD800  }
0x104: {  	[hbm4b:s15+s9] =	stream.linear.scatter [tilespmem:s5], [sflag:$0x2], $0x2800, $0x38;
	[tilespmem:$0x1BB00] =	vst v63  }
0x105: {  	_ =	swait.ge [sflag:s10], $0x2800  }
0x106: {  	[sflag:s10] =	ssyncset.done $0x0  }
0x107: {  	[sflag:s10] =	ssyncadd.s32 $0xFFFFD800  }
0x108: {  	_ =	swait.ge [sflag:s12], $0x2800  }
0x109: {  	s16 =	sld [smem:$0x7F8]  }
0x10a: {  	[sflag:s12] =	ssyncset.done $0x0  }
0x10b: {  	[sflag:s12] =	ssyncadd.s32 $0xFFFFD800  }
0x10c: {  	[tilespmem:s17], [sflag:$0xA] =	stream.linear.gather [spmem:s16], $0x2800, $0x38;
	[tilespmem:$0x1BB00] =	vst v63  }
0x10d: {  	_ =	swait.ge [sflag:s18], $0x2800  }
0x10e: {  	[sflag:s18] =	ssyncset.done $0x0;
	s21 =	rddreg [dreg:$0x6]  }
0x10f: {  	s16 =	sld [smem:$0x7F9];
	[sflag:s18] =	ssyncadd.s32 $0xFFFFD800  }
0x110: {  	[hbm4b:s21+s9] =	stream.linear.scatter [tilespmem:s17], [sflag:$0x1], $0x2800, $0x38;
	[tilespmem:$0x1BB00] =	vst v63  }
0x111: {  	_ = 	snop  }
0x112: {  	[tilespmem:s5], [sflag:$0xA] =	stream.linear.gather [spmem:s16], $0x2800, $0x38;
	[tilespmem:$0x1BB00] =	vst v63  }
0x113: {  	_ =	swait.ge [sflag:s18], $0x2800  }
0x114: {  	[sflag:s18] =	ssyncset.done $0x0  }
0x115: {  	s0 =	rddreg [dreg:$0x7];
	[sflag:s18] =	ssyncadd.s32 $0xFFFFD800  }
0x116: {  	[hbm4b:s0+s9] =	stream.linear.scatter [tilespmem:s5], [sflag:$0x2], $0x2800, $0x38;
	[tilespmem:$0x1BB00] =	vst v63  }
0x117: {  	_ =	swait.ge [sflag:s10], $0x2800  }
0x118: {  	[sflag:s10] =	ssyncset.done $0x0  }
0x119: {  	[sflag:s10] =	ssyncadd.s32 $0xFFFFD800  }
0x11a: {  	_ =	swait.ge [sflag:s12], $0x2800  }
0x11b: {  	s21 =	sld [smem:$0x7FA]  }
0x11c: {  	[sflag:s12] =	ssyncset.done $0x0  }
0x11d: {  	[sflag:s12] =	ssyncadd.s32 $0xFFFFD800  }
0x11e: {  	[tilespmem:s17], [sflag:$0xA] =	stream.linear.gather [spmem:s21], $0x2800, $0x38;
	[tilespmem:$0x1BB00] =	vst v63  }
0x11f: {  	_ =	swait.ge [sflag:s18], $0x2800  }
0x120: {  	[sflag:s18] =	ssyncset.done $0x0;
	s6 =	rddreg [dreg:$0x8]  }
0x121: {  	s15 =	sld [smem:$0x7FB];
	[sflag:s18] =	ssyncadd.s32 $0xFFFFD800  }
0x122: {  	[hbm4b:s6+s9] =	stream.linear.scatter [tilespmem:s17], [sflag:$0x1], $0x2800, $0x38;
	[tilespmem:$0x1BB00] =	vst v63  }
0x123: {  	_ = 	snop  }
0x124: {  	[tilespmem:s5], [sflag:$0xA] =	stream.linear.gather [spmem:s15], $0x2800, $0x38;
	[tilespmem:$0x1BB00] =	vst v63  }
0x125: {  	_ =	swait.ge [sflag:s18], $0x2800  }
0x126: {  	[sflag:s18] =	ssyncset.done $0x0  }
0x127: {  	s8 =	rddreg [dreg:$0x9];
	[sflag:s18] =	ssyncadd.s32 $0xFFFFD800  }
0x128: {  	[hbm4b:s8+s9] =	stream.linear.scatter [tilespmem:s5], [sflag:$0x2], $0x2800, $0x38;
	[tilespmem:$0x1BB00] =	vst v63  }
0x129: {  	_ =	swait.ge [sflag:s10], $0x2800  }
0x12a: {  	[sflag:s10] =	ssyncset.done $0x0  }
0x12b: {  	[sflag:s10] =	ssyncadd.s32 $0xFFFFD800  }
0x12c: {  	_ =	swait.ge [sflag:s12], $0x2800  }
0x12d: {  	s8 =	sld [smem:$0x7FC]  }
0x12e: {  	[sflag:s12] =	ssyncset.done $0x0  }
0x12f: {  	[sflag:s12] =	ssyncadd.s32 $0xFFFFD800  }
0x130: {  	[tilespmem:s17], [sflag:$0xA] =	stream.linear.gather [spmem:s8], $0x2800, $0x38;
	[tilespmem:$0x1BB00] =	vst v63  }
0x131: {  	_ =	swait.ge [sflag:s18], $0x2800  }
0x132: {  	[sflag:s18] =	ssyncset.done $0x0  }
0x133: {  	s0 =	rddreg [dreg:$0xa];
	[sflag:s18] =	ssyncadd.s32 $0xFFFFD800  }
0x134: {  	[hbm4b:s0+s9] =	stream.linear.scatter [tilespmem:s17], [sflag:$0x1], $0x2800, $0x38;
	[tilespmem:$0x1BB00] =	vst v63  }
0x135: {  	s0 =	sld [smem:$0x7FD];
	_ =	sdelay $0x2  }
0x136: {  	[tilespmem:s5], [sflag:$0xA] =	stream.linear.gather [spmem:s0], $0x2800, $0x38;
	[tilespmem:$0x1BB00] =	vst v63  }
0x137: {  	_ =	swait.ge [sflag:s18], $0x2800  }
0x138: {  	[sflag:s18] =	ssyncset.done $0x0  }
0x139: {  	s6 =	rddreg [dreg:$0xb];
	[sflag:s18] =	ssyncadd.s32 $0xFFFFD800  }
0x13a: {  	[hbm4b:s6+s9] =	stream.linear.scatter [tilespmem:s5], [sflag:$0x2], $0x2800, $0x38;
	[tilespmem:$0x1BB00] =	vst v63  }
0x13b: {  	_ =	swait.ge [sflag:s10], $0x2800  }
0x13c: {  	[sflag:s10] =	ssyncset.done $0x0  }
0x13d: {  	[sflag:s10] =	ssyncadd.s32 $0xFFFFD800  }
0x13e: {  	_ =	swait.ge [sflag:s12], $0x2800  }
0x13f: {  	[sflag:s12] =	ssyncset.done $0x0  }
0x140: {  	[sflag:s12] =	ssyncadd.s32 $0xFFFFD800  }
0x141: {  	[bflag:$0x0] =	sbarrier.arrive $0xFFFF  }
0x142: {  	s6 =	rddreg [dreg:$0x15]  }
0x143: {  	[tilespmem:s17], [sflag:$0xA] =	stream.linear.gather [hbm4b:s6+s9], $0x2800, $0x38;
	[tilespmem:$0x1BB00] =	vst v63  }
0x144: {  	_ =	swait.ge [sflag:s18], $0x2800  }
0x145: {  	[sflag:s18] =	ssyncset.done $0x0  }
0x146: {  	s7 =	rddreg [dreg:$0x1d];
	[sflag:s18] =	ssyncadd.s32 $0xFFFFD800  }
0x147: {  	[spmem:s7] =	stream.linear.scatter [tilespmem:s17], [sflag:$0x3], $0x2800, $0x38;
	[tilespmem:$0x1BB00] =	vst v63  }
0x148: {  	s7 =	sld [smem:$0x7F5];
	_ =	sdelay $0x2  }
0x149: {  	[spmem:s7] =	stream.linear.scatter [tilespmem:s17], [sflag:$0x3], $0x2800, $0x38;
	[tilespmem:$0x1BB00] =	vst v63  }
0x14a: {  	s7 =	sld [smem:$0x7F8];
	_ =	sdelay $0x2  }
0x14b: {  	[spmem:s7] =	stream.linear.scatter [tilespmem:s17], [sflag:$0x3], $0x2800, $0x38;
	[tilespmem:$0x1BB00] =	vst v63  }
0x14c: {  	_ = 	snop  }
0x14d: {  	[spmem:s16] =	stream.linear.scatter [tilespmem:s17], [sflag:$0x3], $0x2800, $0x38;
	[tilespmem:$0x1BB00] =	vst v63  }
0x14e: {  	_ = 	snop  }
0x14f: {  	[spmem:s21] =	stream.linear.scatter [tilespmem:s17], [sflag:$0x3], $0x2800, $0x38;
	[tilespmem:$0x1BB00] =	vst v63  }
0x150: {  	_ = 	snop  }
0x151: {  	[spmem:s15] =	stream.linear.scatter [tilespmem:s17], [sflag:$0x3], $0x2800, $0x38;
	[tilespmem:$0x1BB00] =	vst v63  }
0x152: {  	_ = 	snop  }
0x153: {  	[spmem:s8] =	stream.linear.scatter [tilespmem:s17], [sflag:$0x3], $0x2800, $0x38;
	[tilespmem:$0x1BB00] =	vst v63  }
0x154: {  	_ = 	snop  }
0x155: {  	[spmem:s0] =	stream.linear.scatter [tilespmem:s17], [sflag:$0x3], $0x2800, $0x38;
	[tilespmem:$0x1BB00] =	vst v63  }
0x156: {  	_ =	swait.ge [sflag:s19], $0x2800  }
0x157: {  	[sflag:s19] =	ssyncset.done $0x0  }
0x158: {  	[sflag:s19] =	ssyncadd.s32 $0xFFFFD800  }
0x159: {  	_ =	swait.ge [sflag:s19], $0x2800  }
0x15a: {  	[sflag:s19] =	ssyncset.done $0x0  }
0x15b: {  	[sflag:s19] =	ssyncadd.s32 $0xFFFFD800  }
0x15c: {  	_ =	swait.ge [sflag:s19], $0x2800  }
0x15d: {  	[sflag:s19] =	ssyncset.done $0x0  }
0x15e: {  	[sflag:s19] =	ssyncadd.s32 $0xFFFFD800  }
0x15f: {  	_ =	swait.ge [sflag:s19], $0x2800  }
0x160: {  	[sflag:s19] =	ssyncset.done $0x0  }
0x161: {  	[sflag:s19] =	ssyncadd.s32 $0xFFFFD800  }
0x162: {  	_ =	swait.ge [sflag:s19], $0x2800  }
0x163: {  	[sflag:s19] =	ssyncset.done $0x0  }
0x164: {  	[sflag:s19] =	ssyncadd.s32 $0xFFFFD800  }
0x165: {  	_ =	swait.ge [sflag:s19], $0x2800  }
0x166: {  	[sflag:s19] =	ssyncset.done $0x0  }
0x167: {  	[sflag:s19] =	ssyncadd.s32 $0xFFFFD800  }
0x168: {  	_ =	swait.ge [sflag:s19], $0x2800  }
0x169: {  	[sflag:s19] =	ssyncset.done $0x0  }
0x16a: {  	[sflag:s19] =	ssyncadd.s32 $0xFFFFD800  }
0x16b: {  	_ =	swait.ge [sflag:s19], $0x2800  }
0x16c: {  	[sflag:s19] =	ssyncset.done $0x0  }
0x16d: {  	s21 =	rddreg [dreg:$0x16];
	[sflag:s19] =	ssyncadd.s32 $0xFFFFD800  }
0x16e: {  	[tilespmem:s17], [sflag:$0xA] =	stream.linear.gather [hbm4b:s21+s9], $0x2800, $0x38;
	[tilespmem:$0x1BB00] =	vst v63  }
0x16f: {  	_ =	swait.ge [sflag:s18], $0x2800  }
0x170: {  	[sflag:s18] =	ssyncset.done $0x0  }
0x171: {  	[sflag:s18] =	ssyncadd.s32 $0xFFFFD800  }
0x172: {  	[bflag:$0x0] =	sbarrier.arrive $0xFFFF  }
0x173: {  	s0 =	rddreg [dreg:$0x17]  }
0x174: {  	s8 =	sld [smem:$0x7F4]  }
0x175: {  	[tilespmem:s20], [sflag:$0x1] =	stream.linear.gather [hbm4b:s0+s9], $0x50, $0x38;
	[tilespmem:$0x1BB00] =	vst v63  }
0x176: {  	s6 =	rddreg [dreg:$0x19]  }
0x177: {  	[tilespmem:s25], [sflag:$0x2] =	stream.linear.gather [hbm4b:s6+s9], $0x50, $0x38;
	[tilespmem:$0x1BB00] =	vst v63  }
0x178: {  	s15 =	sadd.s32 $0x0, s8  }
0x179: {  	[tilespmem:s24], [sflag:$0x3] =	stream.linear.gather [hbm4b:s15+s4], $0x50, $0x38;
	[tilespmem:$0x1BB00] =	vst v63  }
0x17a: {  	_ =	swait.ge [sflag:s10], $0x50  }
0x17b: {  	[sflag:s10] =	ssyncset.done $0x0  }
0x17c: {  	[sflag:s10] =	ssyncadd.s32 $0xFFFFFFB0  }
0x17d: {  	[spmem:s3] =	stream.indirect.scatter.add.f32 [tilespmem:s17], [sflag:$0xA], $0x80, s20, s31, $0xb8;
	[tilespmem:$0x1BB00] =	vst v63  }
0x17e: {  	_ =	swait.ge [sflag:s18], $0x2800  }
0x17f: {  	s16 =	sshrl.u32 s28, $0x3;
	[sflag:s18] =	ssyncset.done $0x0  }
0x180: {  	s0 =	sadd.s32 s2, s16;
	[sflag:s18] =	ssyncadd.s32 $0xFFFFD800  }
0x181: {  	[tilespmem:s20], [sflag:$0x1] =	stream.linear.gather [hbm4b:s0+s4], $0x50, $0x38;
	[tilespmem:$0x1BB00] =	vst v63  }
0x182: {  	_ =	swait.ge [sflag:s12], $0x50  }
0x183: {  	[sflag:s12] =	ssyncset.done $0x0  }
0x184: {  	[sflag:s12] =	ssyncadd.s32 $0xFFFFFFB0  }
0x185: {  	[spmem:s3] =	stream.indirect.scatter.add.f32 [tilespmem:s17], [sflag:$0xA], $0x80, s25, s31, $0xb8;
	[tilespmem:$0x1BB00] =	vst v63  }
0x186: {  	_ =	swait.ge [sflag:s18], $0x2800  }
0x187: {  	s9 =	sld [smem:$0x7F6];
	_ =	sdelay $0x1  }
0x188: {  	[sflag:s18] =	ssyncset.done $0x0  }
0x189: {  	[sflag:s18] =	ssyncadd.s32 $0xFFFFD800;
	s21 =	sadd.s32 $0x0, s9  }
0x18a: {  	[tilespmem:s25], [sflag:$0x2] =	stream.linear.gather [hbm4b:s21+s4], $0x50, $0x38;
	[tilespmem:$0x1BB00] =	vst v63  }
0x18b: {  	_ =	swait.ge [sflag:s19], $0x50  }
0x18c: {  	[sflag:s19] =	ssyncset.done $0x0  }
0x18d: {  	[sflag:s19] =	ssyncadd.s32 $0xFFFFFFB0  }
0x18e: {  	[spmem:s3] =	stream.indirect.scatter.add.f32 [tilespmem:s17], [sflag:$0xA], $0x80, s24, s31, $0xb8;
	[tilespmem:$0x1BB00] =	vst v63  }
0x18f: {  	s16 =	simm.s32 $0x3C;
	s15 =	sadd.s32 $0xF0, s28;
	_ =	swait.ge [sflag:s18], $0x2800  }
0x190: {  	s28 =	smov.u32 s8;
	s0 =	simm.s32 $0x1E;
	[sflag:s18] =	ssyncset.done $0x0  }
.LBB2_4:
0x191: {  	s7 =	sadd.s32 s0, s28  }
0x192: {  	[sflag:s18] =	ssyncadd.s32 $0xFFFFD800;
	s8 =	smov.u32 s16;
	s21 =	sadd.s32 $0x1E, s16  }
0x193: {  	[tilespmem:s24], [sflag:$0x3] =	stream.linear.gather [hbm4b:s7+s4], $0x50, $0x38;
	[tilespmem:$0x1BB00] =	vst v63  }
0x194: {  	p0 =	sne.s32 s16, $0x4B0;
	_ =	swait.ge [sflag:s10], $0x50  }
0x195: {  	[sflag:s10] =	ssyncset.done $0x0  }
0x196: {  	[sflag:s10] =	ssyncadd.s32 $0xFFFFFFB0  }
0x197: {  	[spmem:s3] =	stream.indirect.scatter.add.f32 [tilespmem:s17], [sflag:$0xA], $0x80, s20, s31, $0xb8;
	[tilespmem:$0x1BB00] =	vst v63  }
0x198: {  	_ =	swait.ge [sflag:s18], $0x2800  }
0x199: {  	s7 =	sshrl.u32 s15, $0x3;
	[sflag:s18] =	ssyncset.done $0x0  }
0x19a: {  	s7 =	sadd.s32 s2, s7;
	[sflag:s18] =	ssyncadd.s32 $0xFFFFD800  }
0x19b: {  	[tilespmem:s20], [sflag:$0x1] =	stream.linear.gather [hbm4b:s7+s4], $0x50, $0x38;
	[tilespmem:$0x1BB00] =	vst v63  }
0x19c: {  	_ =	swait.ge [sflag:s12], $0x50  }
0x19d: {  	[sflag:s12] =	ssyncset.done $0x0  }
0x19e: {  	[sflag:s12] =	ssyncadd.s32 $0xFFFFFFB0  }
0x19f: {  	[spmem:s3] =	stream.indirect.scatter.add.f32 [tilespmem:s17], [sflag:$0xA], $0x80, s25, s31, $0xb8;
	[tilespmem:$0x1BB00] =	vst v63  }
0x1a0: {  	_ =	swait.ge [sflag:s18], $0x2800  }
0x1a1: {  	[sflag:s18] =	ssyncset.done $0x0  }
0x1a2: {  	s7 =	sadd.s32 s0, s9;
	s0 =	smov.u32 s8;
	[sflag:s18] =	ssyncadd.s32 $0xFFFFD800  }
0x1a3: {  	[tilespmem:s25], [sflag:$0x2] =	stream.linear.gather [hbm4b:s7+s4], $0x50, $0x38;
	[tilespmem:$0x1BB00] =	vst v63  }
0x1a4: {  	_ =	swait.ge [sflag:s19], $0x50  }
.Ltmp1:
0x1a5: {  	[sflag:s19] =	ssyncset.done $0x0;
	(pc) =	sbr.rel @p0 .LBB2_4-.Ltmp1, $4  }
0x1a6: {  	[sflag:s19] =	ssyncadd.s32 $0xFFFFFFB0  }
0x1a7: {  	[spmem:s3] =	stream.indirect.scatter.add.f32 [tilespmem:s17], [sflag:$0xA], $0x80, s24, s31, $0xb8;
	[tilespmem:$0x1BB00] =	vst v63  }
0x1a8: {  	_ =	swait.ge [sflag:s18], $0x2800  }
0x1a9: {  	s15 =	sadd.s32 $0xF0, s15;
	s16 =	smov.u32 s21;
	[sflag:s18] =	ssyncset.done $0x0  }
0x1aa: {  	s7 =	sadd.s32 s0, s28;
	[sflag:s18] =	ssyncadd.s32 $0xFFFFD800  }
0x1ab: {  	[tilespmem:s24], [sflag:$0x3] =	stream.linear.gather [hbm4b:s7+s4], $0x50, $0x38;
	[tilespmem:$0x1BB00] =	vst v63  }
0x1ac: {  	_ =	swait.ge [sflag:s10], $0x50  }
0x1ad: {  	[sflag:s10] =	ssyncset.done $0x0  }
0x1ae: {  	[sflag:s10] =	ssyncadd.s32 $0xFFFFFFB0  }
0x1af: {  	[spmem:s3] =	stream.indirect.scatter.add.f32 [tilespmem:s17], [sflag:$0xA], $0x80, s20, s31, $0xb8;
	[tilespmem:$0x1BB00] =	vst v63  }
0x1b0: {  	_ =	swait.ge [sflag:s18], $0x2800  }
0x1b1: {  	s6 =	sshrl.u32 s15, $0x3;
	[sflag:s18] =	ssyncset.done $0x0  }
0x1b2: {  	s7 =	sadd.s32 s2, s6;
	[sflag:s18] =	ssyncadd.s32 $0xFFFFD800  }
0x1b3: {  	[tilespmem:s20], [sflag:$0x1] =	stream.linear.gather [hbm4b:s7+s4], $0x50, $0x38;
	[tilespmem:$0x1BB00] =	vst v63  }
0x1b4: {  	_ =	swait.ge [sflag:s12], $0x50  }
0x1b5: {  	[sflag:s12] =	ssyncset.done $0x0  }
0x1b6: {  	[sflag:s12] =	ssyncadd.s32 $0xFFFFFFB0  }
0x1b7: {  	[spmem:s3] =	stream.indirect.scatter.add.f32 [tilespmem:s17], [sflag:$0xA], $0x80, s25, s31, $0xb8;
	[tilespmem:$0x1BB00] =	vst v63  }
0x1b8: {  	_ =	swait.ge [sflag:s18], $0x2800  }
0x1b9: {  	[sflag:s18] =	ssyncset.done $0x0  }
0x1ba: {  	s8 =	sadd.s32 s0, s9;
	[sflag:s18] =	ssyncadd.s32 $0xFFFFD800  }
0x1bb: {  	[tilespmem:s25], [sflag:$0x2] =	stream.linear.gather [hbm4b:s8+s4], $0x50, $0x38;
	[tilespmem:$0x1BB00] =	vst v63  }
0x1bc: {  	_ =	swait.ge [sflag:s19], $0x50  }
0x1bd: {  	[sflag:s19] =	ssyncset.done $0x0  }
0x1be: {  	[sflag:s19] =	ssyncadd.s32 $0xFFFFFFB0  }
0x1bf: {  	[spmem:s3] =	stream.indirect.scatter.add.f32 [tilespmem:s17], [sflag:$0xA], $0x80, s24, s31, $0xb8;
	[tilespmem:$0x1BB00] =	vst v63  }
0x1c0: {  	_ =	swait.ge [sflag:s18], $0x2800  }
0x1c1: {  	[sflag:s18] =	ssyncset.done $0x0  }
0x1c2: {  	[sflag:s18] =	ssyncadd.s32 $0xFFFFD800  }
0x1c3: {  	_ =	swait.ge [sflag:s10], $0x50  }
0x1c4: {  	[sflag:s10] =	ssyncset.done $0x0  }
0x1c5: {  	[sflag:s10] =	ssyncadd.s32 $0xFFFFFFB0  }
0x1c6: {  	[spmem:s3] =	stream.indirect.scatter.add.f32 [tilespmem:s17], [sflag:$0xA], $0x80, s20, s31, $0xb8;
	[tilespmem:$0x1BB00] =	vst v63  }
0x1c7: {  	_ =	swait.ge [sflag:s18], $0x2800  }
0x1c8: {  	[sflag:s18] =	ssyncset.done $0x0  }
0x1c9: {  	[sflag:s18] =	ssyncadd.s32 $0xFFFFD800  }
0x1ca: {  	_ =	swait.ge [sflag:s12], $0x50  }
0x1cb: {  	[sflag:s12] =	ssyncset.done $0x0  }
0x1cc: {  	[sflag:s12] =	ssyncadd.s32 $0xFFFFFFB0  }
0x1cd: {  	[spmem:s3] =	stream.indirect.scatter.add.f32 [tilespmem:s17], [sflag:$0xA], $0x80, s25, s31, $0xb8;
	[tilespmem:$0x1BB00] =	vst v63  }
0x1ce: {  	_ =	swait.ge [sflag:s18], $0x2800  }
0x1cf: {  	[sflag:s18] =	ssyncset.done $0x0  }
0x1d0: {  	[sflag:s18] =	ssyncadd.s32 $0xFFFFD800  }
0x1d1: {  	[bflag:$0x0] =	sbarrier.arrive $0xFFFF  }
0x1d2: {  	s15 =	rddreg [dreg:$0x1d]  }
0x1d3: {  	[tilespmem:s17], [sflag:$0xA] =	stream.linear.gather [spmem:s15], $0x2800, $0x38;
	[tilespmem:$0x1BB00] =	vst v63  }
0x1d4: {  	_ =	swait.ge [sflag:s18], $0x2800  }
0x1d5: {  	[sflag:s18] =	ssyncset.done $0x0;
	s16 =	rddreg [dreg:$0xc]  }
0x1d6: {  	s21 =	sld [smem:$0x7F5];
	[sflag:s18] =	ssyncadd.s32 $0xFFFFD800  }
0x1d7: {  	[hbm4b:s16+s4] =	stream.linear.scatter [tilespmem:s17], [sflag:$0x1], $0x2800, $0x38;
	[tilespmem:$0x1BB00] =	vst v63  }
0x1d8: {  	_ = 	snop  }
0x1d9: {  	[tilespmem:s5], [sflag:$0xA] =	stream.linear.gather [spmem:s21], $0x2800, $0x38;
	[tilespmem:$0x1BB00] =	vst v63  }
0x1da: {  	_ =	swait.ge [sflag:s18], $0x2800  }
0x1db: {  	[sflag:s18] =	ssyncset.done $0x0  }
0x1dc: {  	s6 =	rddreg [dreg:$0xd];
	[sflag:s18] =	ssyncadd.s32 $0xFFFFD800  }
0x1dd: {  	[hbm4b:s6+s4] =	stream.linear.scatter [tilespmem:s5], [sflag:$0x2], $0x2800, $0x38;
	[tilespmem:$0x1BB00] =	vst v63  }
0x1de: {  	_ =	swait.ge [sflag:s10], $0x2800  }
0x1df: {  	[sflag:s10] =	ssyncset.done $0x0  }
0x1e0: {  	[sflag:s10] =	ssyncadd.s32 $0xFFFFD800  }
0x1e1: {  	_ =	swait.ge [sflag:s12], $0x2800  }
0x1e2: {  	s16 =	sld [smem:$0x7F8]  }
0x1e3: {  	[sflag:s12] =	ssyncset.done $0x0  }
0x1e4: {  	[sflag:s12] =	ssyncadd.s32 $0xFFFFD800  }
0x1e5: {  	[tilespmem:s17], [sflag:$0xA] =	stream.linear.gather [spmem:s16], $0x2800, $0x38;
	[tilespmem:$0x1BB00] =	vst v63  }
0x1e6: {  	_ =	swait.ge [sflag:s18], $0x2800  }
0x1e7: {  	[sflag:s18] =	ssyncset.done $0x0;
	s7 =	rddreg [dreg:$0xe]  }
0x1e8: {  	s21 =	sld [smem:$0x7F9];
	[sflag:s18] =	ssyncadd.s32 $0xFFFFD800  }
0x1e9: {  	[hbm4b:s7+s4] =	stream.linear.scatter [tilespmem:s17], [sflag:$0x1], $0x2800, $0x38;
	[tilespmem:$0x1BB00] =	vst v63  }
0x1ea: {  	_ = 	snop  }
0x1eb: {  	[tilespmem:s5], [sflag:$0xA] =	stream.linear.gather [spmem:s21], $0x2800, $0x38;
	[tilespmem:$0x1BB00] =	vst v63  }
0x1ec: {  	_ =	swait.ge [sflag:s18], $0x2800  }
0x1ed: {  	[sflag:s18] =	ssyncset.done $0x0  }
0x1ee: {  	s8 =	rddreg [dreg:$0xf];
	[sflag:s18] =	ssyncadd.s32 $0xFFFFD800  }
0x1ef: {  	[hbm4b:s8+s4] =	stream.linear.scatter [tilespmem:s5], [sflag:$0x2], $0x2800, $0x38;
	[tilespmem:$0x1BB00] =	vst v63  }
0x1f0: {  	_ =	swait.ge [sflag:s10], $0x2800  }
0x1f1: {  	[sflag:s10] =	ssyncset.done $0x0  }
0x1f2: {  	[sflag:s10] =	ssyncadd.s32 $0xFFFFD800  }
0x1f3: {  	_ =	swait.ge [sflag:s12], $0x2800  }
0x1f4: {  	s7 =	sld [smem:$0x7FA]  }
0x1f5: {  	[sflag:s12] =	ssyncset.done $0x0  }
0x1f6: {  	[sflag:s12] =	ssyncadd.s32 $0xFFFFD800  }
0x1f7: {  	[tilespmem:s17], [sflag:$0xA] =	stream.linear.gather [spmem:s7], $0x2800, $0x38;
	[tilespmem:$0x1BB00] =	vst v63  }
0x1f8: {  	_ =	swait.ge [sflag:s18], $0x2800  }
0x1f9: {  	[sflag:s18] =	ssyncset.done $0x0;
	s15 =	rddreg [dreg:$0x10]  }
0x1fa: {  	s28 =	sld [smem:$0x7FB];
	[sflag:s18] =	ssyncadd.s32 $0xFFFFD800  }
0x1fb: {  	[hbm4b:s15+s4] =	stream.linear.scatter [tilespmem:s17], [sflag:$0x1], $0x2800, $0x38;
	[tilespmem:$0x1BB00] =	vst v63  }
0x1fc: {  	_ = 	snop  }
0x1fd: {  	[tilespmem:s5], [sflag:$0xA] =	stream.linear.gather [spmem:s28], $0x2800, $0x38;
	[tilespmem:$0x1BB00] =	vst v63  }
0x1fe: {  	_ =	swait.ge [sflag:s18], $0x2800  }
0x1ff: {  	[sflag:s18] =	ssyncset.done $0x0  }
0x200: {  	s6 =	rddreg [dreg:$0x11];
	[sflag:s18] =	ssyncadd.s32 $0xFFFFD800  }
0x201: {  	[hbm4b:s6+s4] =	stream.linear.scatter [tilespmem:s5], [sflag:$0x2], $0x2800, $0x38;
	[tilespmem:$0x1BB00] =	vst v63  }
0x202: {  	_ =	swait.ge [sflag:s10], $0x2800  }
0x203: {  	[sflag:s10] =	ssyncset.done $0x0  }
0x204: {  	[sflag:s10] =	ssyncadd.s32 $0xFFFFD800  }
0x205: {  	_ =	swait.ge [sflag:s12], $0x2800  }
0x206: {  	s15 =	sld [smem:$0x7FC]  }
0x207: {  	[sflag:s12] =	ssyncset.done $0x0  }
0x208: {  	[sflag:s12] =	ssyncadd.s32 $0xFFFFD800  }
0x209: {  	[tilespmem:s17], [sflag:$0xA] =	stream.linear.gather [spmem:s15], $0x2800, $0x38;
	[tilespmem:$0x1BB00] =	vst v63  }
0x20a: {  	_ =	swait.ge [sflag:s18], $0x2800  }
0x20b: {  	[sflag:s18] =	ssyncset.done $0x0  }
0x20c: {  	s8 =	rddreg [dreg:$0x12];
	[sflag:s18] =	ssyncadd.s32 $0xFFFFD800  }
0x20d: {  	[hbm4b:s8+s4] =	stream.linear.scatter [tilespmem:s17], [sflag:$0x1], $0x2800, $0x38;
	[tilespmem:$0x1BB00] =	vst v63  }
0x20e: {  	s8 =	sld [smem:$0x7FD];
	_ =	sdelay $0x2  }
0x20f: {  	[tilespmem:s5], [sflag:$0xA] =	stream.linear.gather [spmem:s8], $0x2800, $0x38;
	[tilespmem:$0x1BB00] =	vst v63  }
0x210: {  	_ =	swait.ge [sflag:s18], $0x2800  }
0x211: {  	[sflag:s18] =	ssyncset.done $0x0  }
0x212: {  	s6 =	rddreg [dreg:$0x13];
	[sflag:s18] =	ssyncadd.s32 $0xFFFFD800  }
0x213: {  	[hbm4b:s6+s4] =	stream.linear.scatter [tilespmem:s5], [sflag:$0x2], $0x2800, $0x38;
	[tilespmem:$0x1BB00] =	vst v63  }
0x214: {  	_ =	swait.ge [sflag:s10], $0x2800  }
0x215: {  	[sflag:s10] =	ssyncset.done $0x0  }
0x216: {  	[sflag:s10] =	ssyncadd.s32 $0xFFFFD800  }
0x217: {  	_ =	swait.ge [sflag:s12], $0x2800  }
0x218: {  	s6 =	sld [smem:$0x7F3];
	_ =	sdelay $0x2  }
0x219: {  	s0 =	rddreg [dreg:$0x1e];
	s6 =	sadd.s32 $0x1, s6  }
0x21a: {  	p0 =	sne.s32 s6, s0  }
.Ltmp2:
0x21b: {  	_ = 	snop;
	(pc) =	sbr.rel @p0 .LBB2_1-.Ltmp2, $3  }
0x21c: {  	_ =	sdelay $0x1  }
0x21d: {  	[sflag:s12] =	ssyncset.done $0x0  }
0x21e: {  	[sflag:s12] =	ssyncadd.s32 $0xFFFFD800;
	s0 =	smov.u32 s7;
	s7 =	sld [smem:$0x7F7]  }
0x21f: {  	_ =	sfence.sel $0x180000  }
0x220: {  	[bflag:$0x0] =	sbarrier.arrive $0xFFFF  }
0x221: {  	_ =	strace $0x90000047  }
0x222: {  	s0 =	stileid.u32;
	[bflag:$0x2] =	sbarrier.arrive $0xFFFF  }
0x223: {  	p0 =	sne.s32 s0, $0x0;
	s0 =	rddreg [dreg:$0x3]  }
0x224: {  	s0 =	sadd.s32 @!p0 $0x100000, s0  }
0x225: {  	[sflag:s0] =	ssyncadd.tile.s32 @!p0 $0x1;
	_ =	shalt  }
.Lfunc_end2:
_tile_overlayer_lowered:
.L_overlay_start_2:
0x226: {  	(tag) =	ssettag $0x2  }
0x227: {  	s0 =	rddreg [dreg:$0x0];
	s2 =	stileid.u32  }
0x228: {  	s1 =	rddreg [dreg:$0x1];
	p0 =	sne.s32 s2, $0x0  }
0x229: {  	s3 =	rddreg [dreg:$0x2];
	[bflag:$0x3] =	sbarrier.arrive $0xFFFF;
	s2 =	simm.s32 @!p0 $0x1C0A  }
0x22a: {  	[timem:s3], [sflag:s2] =	dma.local @!p0 [hbm:s0], s1  }
0x22b: {  	s0 =	simm.s32 @!p0 $0xA  }
0x22c: {  	_ =	swait.ge @!p0 [sflag:s0], s1  }
0x22d: {  	s1 =	ssub.s32 @!p0 $0x0, s1;
	[sflag:s0] =	ssyncset.done @!p0 $0x0  }
0x22e: {  	[sflag:s0] =	ssyncadd.s32 @!p0 s1  }
0x22f: {  	[bflag:$0x3] =	sbarrier.arrive $0xFFFF  }
0x230: {  	_ =	shalt  }

// kernel: kernel.9.cloned.1.call-start
scs
__scs_entry_jumppad:
0x0: {  	(pc) =	sbr.rel $0x88, $3  }
0x1: {  	(tag) =	ssettag $0x0;
	lr =	simm.s32 $0x1  }
0x2: {  	[smem:$0x3F99] =	sst lr;
	_ =	strace $0xD0000000  }
0x3: {  	_ = 	snop  }
0x4: {  	_ = 	snop  }
0x5: {  	_ = 	snop  }
0x6: {  	_ = 	snop  }
0x7: {  	_ = 	snop  }
__scs_overlays_trampoline_lowered:
0x8: {  	[smem:$0x3FA8] =	sst s0  }
0x9: {  	[smem:$0x3FA9] =	sst s1  }
0xa: {  	[smem:$0x3FAA] =	sst s2  }
0xb: {  	[smem:$0x3FAB] =	sst s3  }
0xc: {  	[smem:$0x3FAC] =	sst s4  }
0xd: {  	[smem:$0x3FAD] =	sst s5  }
0xe: {  	[smem:$0x3FAE] =	sst s6  }
0xf: {  	[smem:$0x3FAF] =	sst s7  }
0x10: {  	[smem:$0x3FB0] =	sst s8  }
0x11: {  	[smem:$0x3FB1] =	sst s9;
	s0 =	simm.s32 @!p0 $0x0  }
0x12: {  	s1 =	sld [smem:$0x3F97];
	s0 =	simm.s32 @p0 $0x1  }
0x13: {  	[smem:$0x3FB2] =	sst s0;
	s0 =	simm.s32 @!p1 $0x0  }
0x14: {  	s2 =	sld [smem:$0x3F96];
	s0 =	simm.s32 @p1 $0x1  }
0x15: {  	[smem:$0x3FB3] =	sst s0;
	s0 =	simm.s32 @!p2 $0x0  }
0x16: {  	s3 =	sld [smem:$0x3FDB];
	s0 =	simm.s32 @p2 $0x1  }
0x17: {  	s4 =	simm.s32 $0x1BF5;
	[smem:$0x3FB5] =	sst s0  }
0x18: {  	s0 =	sld [smem:$0x3F98];
	_ =	swait.ge [sflag:s4], $0x0  }
0x19: {  	s7 =	sld [smem:$0x3F99]  }
0x1a: {  	s8 =	sadd.s32 $0xFFFFE003, lr  }
0x1b: {  	s9 =	sadd.s32 $0xFFFFFEF7, lr;
	s5 =	simm.s32 $0xFFFFFFFF;
	p2 =	slt.u32 s8, $0xFFFFF086  }
0x1c: {  	p1 =	slt.u32 s9, $0xF7A;
	s5 =	simm.s32 @!p2 $0x0  }
0x1d: {  	s5 =	simm.s32 @p1 $0x1;
	p0 =	seq.s32 s7, s2  }
0x1e: {  	s7 =	smul.u32 @!p0 $0xF7A, s2;
	p2 =	seq.s32 @!p0 s5, $0x0  }
0x1f: {  	s9 =	smul.u32 $0xF7A, s1;
	s8 =	simm.s32 @!p0 $0x1BF5;
	p2 =	por !p2, p0  }
0x20: {  	[sflag:s8] =	ssyncset.s32 @!p0 $0xFFFFF086;
	s6 =	sadd.s32 @!p0 s3, s7;
	s7 =	simm.s32 @!p0 $0x108  }
0x21: {  	s3 =	sadd.s32 s3, s9;
	s6 =	sadd.s32 @!p0 $0x88, s6;
	s7 =	simm.s32 @p2 $0x1082  }
0x22: {  	[simem:s7], [sflag:s8] =	dma.local @!p0 [hbm:s6], $0xF7A  }
0x23: {  	s9 =	sor.u32 $0xD0000000, s2;
	s6 =	simm.s32 $0x108;
	_ =	swait.ge @!p0 [sflag:s8], $0x0  }
0x24: {  	s3 =	sadd.s32 $0x88, s3;
	s6 =	simm.s32 @!p1 $0x1082;
	[sflag:s4] =	ssyncset.s32 $0xFFFFF086  }
0x25: {  	[simem:s6], [sflag:s4] =	dma.local [hbm:s3], $0xF7A  }
0x26: {  	[smem:$0x3F99] =	sst s1;
	(tag) =	ssettag s2;
	_ =	strace s9  }
0x27: {  	s1 =	sld [smem:$0x3FA9]  }
0x28: {  	s2 =	sld [smem:$0x3FAA]  }
0x29: {  	s4 =	sld [smem:$0x3FAC]  }
0x2a: {  	p0 =	seq.s32 s5, $0x0;
	s5 =	sld [smem:$0x3FAD]  }
0x2b: {  	s6 =	sld [smem:$0x3FAE]  }
0x2c: {  	s7 =	sld [smem:$0x3FAF]  }
0x2d: {  	s3 =	simm.s32 $0x108;
	s8 =	sld [smem:$0x3FB0]  }
0x2e: {  	s3 =	simm.s32 @!p0 $0x1082;
	s9 =	sld [smem:$0x3FB1]  }
0x2f: {  	lr =	sadd.s32 s0, s3;
	s0 =	sld [smem:$0x3FA8]  }
0x30: {  	s3 =	sld [smem:$0x3FAB]  }
0x31: {  	[smem:$0x3FB4] =	sst s10  }
0x32: {  	s10 =	sld [smem:$0x3FB2];
	_ =	sdelay $0x3  }
0x33: {  	p0 =	seq.s32 s10, $0x1;
	s10 =	sld [smem:$0x3FB4];
	_ =	sdelay $0x3  }
0x34: {  	[smem:$0x3FB4] =	sst s10  }
0x35: {  	s10 =	sld [smem:$0x3FB3];
	_ =	sdelay $0x3  }
0x36: {  	p1 =	seq.s32 s10, $0x1;
	s10 =	sld [smem:$0x3FB4];
	_ =	sdelay $0x3  }
0x37: {  	[smem:$0x3FB4] =	sst s10  }
0x38: {  	s10 =	sld [smem:$0x3FB5]  }
0x39: {  	_ = 	snop;
	(pc) =	sbr.ind lr, $3  }
0x3a: {  	_ = 	snop  }
0x3b: {  	_ = 	snop  }
0x3c: {  	p2 =	seq.s32 s10, $0x1;
	s10 =	sld [smem:$0x3FB4]  }
0x3d: {  	_ =	shalt  }
0x3e: {  	_ =	shalt  }
0x3f: {  	_ =	shalt  }
0x40: {  	_ =	shalt  }
0x41: {  	_ =	shalt  }
0x42: {  	_ =	shalt  }
0x43: {  	_ =	shalt  }
0x44: {  	_ =	shalt  }
0x45: {  	_ =	shalt  }
0x46: {  	_ =	shalt  }
0x47: {  	_ =	shalt  }
0x48: {  	_ =	shalt  }
0x49: {  	_ =	shalt  }
0x4a: {  	_ =	shalt  }
0x4b: {  	_ =	shalt  }
0x4c: {  	_ =	shalt  }
0x4d: {  	_ =	shalt  }
0x4e: {  	_ =	shalt  }
0x4f: {  	_ =	shalt  }
0x50: {  	_ =	shalt  }
0x51: {  	_ =	shalt  }
0x52: {  	_ =	shalt  }
0x53: {  	_ =	shalt  }
0x54: {  	_ =	shalt  }
0x55: {  	_ =	shalt  }
0x56: {  	_ =	shalt  }
0x57: {  	_ =	shalt  }
0x58: {  	_ =	shalt  }
0x59: {  	_ =	shalt  }
0x5a: {  	_ =	shalt  }
0x5b: {  	_ =	shalt  }
0x5c: {  	_ =	shalt  }
0x5d: {  	_ =	shalt  }
0x5e: {  	_ =	shalt  }
0x5f: {  	_ =	shalt  }
0x60: {  	_ =	shalt  }
0x61: {  	_ =	shalt  }
0x62: {  	_ =	shalt  }
0x63: {  	_ =	shalt  }
0x64: {  	_ =	shalt  }
0x65: {  	_ =	shalt  }
0x66: {  	_ =	shalt  }
0x67: {  	_ =	shalt  }
0x68: {  	_ =	shalt  }
0x69: {  	_ =	shalt  }
0x6a: {  	_ =	shalt  }
0x6b: {  	_ =	shalt  }
0x6c: {  	_ =	shalt  }
0x6d: {  	_ =	shalt  }
0x6e: {  	_ =	shalt  }
0x6f: {  	_ =	shalt  }
0x70: {  	_ =	shalt  }
0x71: {  	_ =	shalt  }
0x72: {  	_ =	shalt  }
0x73: {  	_ =	shalt  }
0x74: {  	_ =	shalt  }
0x75: {  	_ =	shalt  }
0x76: {  	_ =	shalt  }
0x77: {  	_ =	shalt  }
0x78: {  	_ =	shalt  }
0x79: {  	_ =	shalt  }
0x7a: {  	_ =	shalt  }
0x7b: {  	_ =	shalt  }
0x7c: {  	_ =	shalt  }
0x7d: {  	_ =	shalt  }
0x7e: {  	_ =	shalt  }
0x7f: {  	_ =	shalt  }
0x80: {  	_ =	shalt  }
0x81: {  	_ =	shalt  }
0x82: {  	_ =	shalt  }
0x83: {  	_ =	shalt  }
0x84: {  	_ =	shalt  }
0x85: {  	_ =	shalt  }
0x86: {  	_ =	shalt  }
0x87: {  	_ =	shalt  }
.Lfunc_end0:
.L_simem_size_0:
called_computation.1_lowered:
.L_overlay_start_0:
0x88: {  	s2 =	sld [smem:$0x3FD9]  }
0x89: {  	s3 =	sld [smem:$0x3FFE];
	_ =	sdelay $0x1  }
0x8a: {  	s1 =	srdreg.scid  }
0x8b: {  	s0 =	sand.u32 $0x1, s1  }
0x8c: {  	s17 =	sshll.u32 s0, $0xA;
	s2 =	sadd.s32 s3, s2  }
0x8d: {  	s2 =	sadd.s32 s2, s17  }
0x8e: {  	[smem:$0x3FC0] =	sst s2  }
0x8f: {  	_ = 	snop  }
0x90: {  	s2 =	sld [smem:$0x3FD0];
	(tm) =	ssettm $0x1  }
0x91: {  	s18 =	sld [smem:$0x3FFB];
	_ =	sdelay $0x3  }
0x92: {  	_ =	strace s18  }
0x93: {  	s3 =	sld [smem:$0x3FFC];
	_ =	sdelay $0x3  }
0x94: {  	_ =	strace s3  }
0x95: {  	s3 =	sld [smem:$0x3FFD];
	_ =	sdelay $0x3  }
0x96: {  	_ =	strace s3  }
0x97: {  	_ =	strace $0x8FFFFFFF  }
0x98: {  	s19 =	sld [smem:$0x3FDB];
	_ =	sdelay $0x1  }
0x99: {  	s4 =	simm.s32 $_scs_section_size  }
0x9a: {  	s5 =	simm.s32 $_size__tile_overlayer_lowered;
	s6 =	simm.s32 $_tile_overlayer_lowered  }
0x9b: {  	s22 =	simm.s32 $0x1BFF;
	s21 =	sshll.u32 s6, $0x1;
	s3 =	sadd.s32 s4, s19  }
0x9c: {  	s7 =	simm.s32 $0x0;
	s20 =	sshll.u32 s5, $0x1;
	s5 =	sadd.s32 s21, s3  }
0x9d: {  	[timem:s7], [sflag:s22] =	dma.local [hbm:s5], s20  }
0x9e: {  	_ =	swait.ge [sflag:s22], s20  }
0x9f: {  	s4 =	ssub.s32 $0x0, s20;
	[sflag:s22] =	ssyncset.done $0x0  }
0xa0: {  	[sflag:s22] =	ssyncadd.s32 s4;
	_ =	sdelay $0x1  }
0xa1: {  	s23 =	simm.s32 $0x1B8B  }
0xa2: {  	_ =	swait.ge [sflag:s23], $0x1  }
0xa3: {  	[sflag:s23] =	ssyncset.done $0x0  }
0xa4: {  	s25 =	simm.s32 $0x1B8E;
	s24 =	sld [smem:$0x3FFE];
	[sflag:s23] =	ssyncadd.s32 $0xFFFFFFFF  }
0xa5: {  	s26 =	simm.s32 $execute0_lowered;
	[smem:$0x3FD2] =	sst s25  }
0xa6: {  	s5 =	sshll.u32 s26, $0x1;
	_ =	strace $0x80000049;
	[dreg:$0x1] =	wrdreg $0xFFFFFFFF  }
0xa7: {  	s28 =	simm.s32 $_size_execute0_lowered;
	s3 =	sadd.s32 s3, s5;
	[dreg:$0x0] =	wrdreg $0x0  }
0xa8: {  	s5 =	sshll.u32 s28, $0x1;
	[dreg:$0x2] =	wrdreg s3  }
0xa9: {  	[dreg:$0x3] =	wrdreg s5  }
0xaa: {  	[dreg:$0x4] =	wrdreg $0xC0  }
0xab: {  	_ =	task [dreg:s7], $0x5FFFF  }
0xac: {  	[dreg:$0x1] =	wrdreg $0xFFFFFFFF  }
0xad: {  	[dreg:$0x0] =	wrdreg $0x60  }
0xae: {  	[dreg:$0x2] =	wrdreg s24  }
0xaf: {  	[dreg:$0x3] =	wrdreg s2  }
0xb0: {  	[dreg:$0x4] =	wrdreg $0x7B000  }
0xb1: {  	[dreg:$0x5] =	wrdreg $0x9  }
0xb2: {  	_ =	task.clear_ibuf [dreg:s7], $0x6FFFF;
	_ =	strace $0x90000049  }
0xb3: {  	s29 =	simm.s32 $0x9;
	_ =	strace $0x8000004B  }
0xb4: {  	_ =	swait.ge [sflag:s29], $0x1  }
0xb5: {  	[sflag:s29] =	ssyncadd.s32 $0xFFFFFFFF  }
0xb6: {  	_ =	strace $0x9000004B  }
0xb7: {  	_ =	sfence  }
0xb8: {  	s30 =	sld [smem:$0x0];
	_ =	sdelay $0x2  }
0xb9: {  	s31 =	sshll.u32 s1, $0xD;
	s1 =	sshrl.u32 s1, $0x2  }
0xba: {  	s3 =	sand.u32 $0x4000, s31;
	s1 =	sadd.s32 s1, s30  }
0xbb: {  	s0 =	sor.u32 s3, s0;
	s1 =	sshll.u32 s1, $0x11  }
0xbc: {  	s0 =	sor.u32 s1, s0  }
0xbd: {  	s0 =	sadd.s32 $0x8F2B, s0  }
0xbe: {  	[sflag:s0] =	ssyncadd.remote.s32 $0x1  }
0xbf: {  	_ =	sfence.sel $0xFFFF  }
0xc0: {  	[dreg:$0x0] =	wrdreg $0xFFFFFFFF;
	(pc) =	sbr.abs _section_cstart, $3  }
0xc1: {  	[dreg:$0x1] =	wrdreg $0xFFFFFFFF  }
0xc2: {  	_ =	task.clear_ibuf [dreg:s7], $0x2FFFF;
	_ =	strace $0x9FFFFFFF  }
0xc3: {  	(tm) =	ssettm $0x7FFFFFFF  }
tec
execute0_lowered:
.L_overlay_start_1:
0x0: {  	(tag) =	ssettag $0x1  }
0x1: {  	s0 =	rddreg [dreg:$0x0]  }
0x2: {  	s1 =	rddreg [dreg:$0x1]  }
0x3: {  	s2 =	rddreg [dreg:$0x2];
	s12 =	stileid.u32  }
0x4: {  	s3 =	srdreg.scid;
	s4 =	simm.s32 $0x0;
	s8 =	smul.u32 $0x14000, s12  }
0x5: {  	s3 =	sand.u32 $0x1, s3;
	[smem:$0x7FF] =	sst s4;
	s11 =	smul.u32 $0x50000, s12  }
0x6: {  	s5 =	sadd.s32 $0xBA00, s0;
	s20 =	sadd.s32 $0x33A00, s0;
	s7 =	smul.u32 $0x140000, s3  }
0x7: {  	s6 =	sshll.u32 s3, $0x4;
	_ =	strace $0x8000004A;
	[dreg:$0x5] =	wrdreg s20  }
0x8: {  	s21 =	ssub.s32 $0x2, s3;
	s3 =	smul.u32 $0x27100, s3;
	s9 =	sor.u32 s12, s6  }
0x9: {  	s6 =	sadd.s32 $0x1C00, s0;
	s22 =	sshrl.u32 s21, $0x1;
	s12 =	smul.u32 $0x2710, s12  }
0xa: {  	s11 =	sshrl.u32 s11, $0x2;
	s8 =	sadd.s32 s8, s7;
	s7 =	smul.u32 $0x2710, s9  }
0xb: {  	s30 =	sadd.s32 s11, s2;
	s8 =	sshrl.u32 s8, $0x3;
	s3 =	sadd.s32 s12, s3  }
0xc: {  	s31 =	sadd.s32 $0xA000, s30;
	[dreg:$0xc] =	wrdreg s30;
	s10 =	sshrl.u32 s7, $0x3  }
0xd: {  	s19 =	sadd.s32 $0x140, s3;
	s3 =	sadd.s32 $0xF0, s3;
	[dreg:$0x1b] =	wrdreg s31  }
0xe: {  	s0 =	sadd.s32 s8, s0;
	s23 =	sadd.s32 s1, s10;
	[dreg:$0x4] =	wrdreg s3  }
0xf: {  	s8 =	ssub.s32 s21, s22;
	s24 =	sadd.s32 s6, s10;
	[dreg:$0x6] =	wrdreg s23  }
0x10: {  	s8 =	smax.u32 s8, $0x1;
	[dreg:$0x7] =	wrdreg s24  }
0x11: {  	s14 =	sadd.s32 $0x34B00, s0;
	[dreg:$0xd] =	wrdreg s8  }
0x12: {  	s28 =	simm.s32 $0x2;
	s15 =	sadd.s32 $0x35000, s0;
	[dreg:$0xf] =	wrdreg s14  }
0x13: {  	s29 =	simm.s32 $0x8;
	s16 =	sadd.s32 $0x35500, s0;
	[dreg:$0x10] =	wrdreg s15  }
0x14: {  	s11 =	simm.s32 $0x3;
	s17 =	sadd.s32 $0x35A00, s0;
	[dreg:$0x11] =	wrdreg s16  }
0x15: {  	s12 =	simm.s32 $0x180;
	s18 =	sadd.s32 $0x35F00, s0;
	[dreg:$0x12] =	wrdreg s17  }
0x16: {  	s25 =	sadd.s32 $0xA, s10;
	s20 =	sadd.s32 $0x36400, s0;
	[dreg:$0x13] =	wrdreg s18  }
0x17: {  	s10 =	sadd.s32 $0x14, s10;
	s3 =	sadd.s32 $0xF000, s30;
	[dreg:$0x14] =	wrdreg s20  }
0x18: {  	s21 =	sshrl.u32 s19, $0x3;
	s13 =	sadd.s32 s1, s25;
	[dreg:$0x1d] =	wrdreg s3  }
0x19: {  	s19 =	simm.s32 $0x2B00;
	s9 =	sadd.s32 s6, s25;
	[dreg:$0x8] =	wrdreg s13  }
0x1a: {  	s26 =	sadd.s32 s1, s10;
	s10 =	sadd.s32 s6, s10;
	[dreg:$0x9] =	wrdreg s9  }
0x1b: {  	s22 =	sadd.s32 s21, s6;
	s23 =	sadd.s32 s21, s1;
	[dreg:$0xa] =	wrdreg s26  }
0x1c: {  	s24 =	sadd.s32 $0x2800, s30;
	s25 =	sadd.s32 $0x5000, s30;
	[dreg:$0xb] =	wrdreg s10  }
0x1d: {  	s15 =	sadd.s32 $0xC800, s30;
	s8 =	sadd.s32 $0x11800, s30;
	[dreg:$0x16] =	wrdreg s22  }
0x1e: {  	s14 =	simm.s32 $0x80;
	s16 =	simm.s32 $0x4;
	[dreg:$0x17] =	wrdreg s23  }
0x1f: {  	s17 =	simm.s32 $0x50;
	s18 =	simm.s32 $0x5;
	[dreg:$0x18] =	wrdreg s24  }
0x20: {  	s20 =	simm.s32 $0x280;
	s21 =	simm.s32 $0x100;
	[dreg:$0x19] =	wrdreg s25  }
0x21: {  	s13 =	sadd.s32 $0x34600, s0;
	s0 =	sadd.s32 $0x36900, s0;
	[dreg:$0x1c] =	wrdreg s15  }
0x22: {  	s26 =	sadd.s32 $0x7800, s30;
	s9 =	simm.s32 $0x300;
	[dreg:$0x1e] =	wrdreg s8  }
0x23: {  	s10 =	simm.s32 $0xA;
	s22 =	simm.s32 $0x6;
	[dreg:$0xe] =	wrdreg s13  }
0x24: {  	s23 =	simm.s32 $0x5300;
	s24 =	simm.s32 $0x1;
	[dreg:$0x15] =	wrdreg s0  }
0x25: {  	s25 =	simm.s32 $0x9;
	[dreg:$0x1a] =	wrdreg s26;
	s0 =	simm.s32 $0x0  }
0x26: {  	s13 =	simm.s32 $0x200;
	s26 =	simm.s32 $0x7;
	[dreg:$0x1f] =	wrdreg s0  }
.LBB2_1:
0x27: {  	s0 =	rddreg [dreg:$0x5]  }
0x28: {  	[tilespmem:s9], [sflag:$0xA] =	stream.linear.gather [hbm4b:s0+s4], $0x2800, $0x38;
	[tilespmem:$0x1BB00] =	vst v63  }
0x29: {  	_ =	swait.ge [sflag:s10], $0x2800  }
0x2a: {  	[sflag:s10] =	ssyncset.done $0x0  }
0x2b: {  	[sflag:s10] =	ssyncadd.s32 $0xFFFFD800  }
0x2c: {  	[spmem:s30] =	stream.linear.scatter [tilespmem:s9], [sflag:$0x3], $0x2800, $0x38;
	[tilespmem:$0x1BB00] =	vst v63  }
0x2d: {  	s30 =	rddreg [dreg:$0x18]  }
0x2e: {  	[spmem:s30] =	stream.linear.scatter [tilespmem:s9], [sflag:$0x3], $0x2800, $0x38;
	[tilespmem:$0x1BB00] =	vst v63  }
0x2f: {  	s30 =	rddreg [dreg:$0x19]  }
0x30: {  	[spmem:s30] =	stream.linear.scatter [tilespmem:s9], [sflag:$0x3], $0x2800, $0x38;
	[tilespmem:$0x1BB00] =	vst v63  }
0x31: {  	s30 =	rddreg [dreg:$0x1a]  }
0x32: {  	[spmem:s30] =	stream.linear.scatter [tilespmem:s9], [sflag:$0x3], $0x2800, $0x38;
	[tilespmem:$0x1BB00] =	vst v63  }
0x33: {  	_ = 	snop  }
0x34: {  	[spmem:s31] =	stream.linear.scatter [tilespmem:s9], [sflag:$0x3], $0x2800, $0x38;
	[tilespmem:$0x1BB00] =	vst v63  }
0x35: {  	_ = 	snop  }
0x36: {  	[spmem:s15] =	stream.linear.scatter [tilespmem:s9], [sflag:$0x3], $0x2800, $0x38;
	[tilespmem:$0x1BB00] =	vst v63  }
0x37: {  	_ = 	snop  }
0x38: {  	[spmem:s3] =	stream.linear.scatter [tilespmem:s9], [sflag:$0x3], $0x2800, $0x38;
	[tilespmem:$0x1BB00] =	vst v63  }
0x39: {  	_ = 	snop  }
0x3a: {  	[spmem:s8] =	stream.linear.scatter [tilespmem:s9], [sflag:$0x3], $0x2800, $0x38;
	[tilespmem:$0x1BB00] =	vst v63  }
0x3b: {  	_ =	swait.ge [sflag:s11], $0x2800  }
0x3c: {  	[sflag:s11] =	ssyncset.done $0x0  }
0x3d: {  	[sflag:s11] =	ssyncadd.s32 $0xFFFFD800  }
0x3e: {  	_ =	swait.ge [sflag:s11], $0x2800  }
0x3f: {  	[sflag:s11] =	ssyncset.done $0x0  }
0x40: {  	[sflag:s11] =	ssyncadd.s32 $0xFFFFD800  }
0x41: {  	_ =	swait.ge [sflag:s11], $0x2800  }
0x42: {  	[sflag:s11] =	ssyncset.done $0x0  }
0x43: {  	[sflag:s11] =	ssyncadd.s32 $0xFFFFD800  }
0x44: {  	_ =	swait.ge [sflag:s11], $0x2800  }
0x45: {  	[sflag:s11] =	ssyncset.done $0x0  }
0x46: {  	[sflag:s11] =	ssyncadd.s32 $0xFFFFD800  }
0x47: {  	_ =	swait.ge [sflag:s11], $0x2800  }
0x48: {  	[sflag:s11] =	ssyncset.done $0x0  }
0x49: {  	[sflag:s11] =	ssyncadd.s32 $0xFFFFD800  }
0x4a: {  	_ =	swait.ge [sflag:s11], $0x2800  }
0x4b: {  	[sflag:s11] =	ssyncset.done $0x0  }
0x4c: {  	[sflag:s11] =	ssyncadd.s32 $0xFFFFD800  }
0x4d: {  	_ =	swait.ge [sflag:s11], $0x2800  }
0x4e: {  	[sflag:s11] =	ssyncset.done $0x0  }
0x4f: {  	[sflag:s11] =	ssyncadd.s32 $0xFFFFD800  }
0x50: {  	_ =	swait.ge [sflag:s11], $0x2800  }
0x51: {  	[sflag:s11] =	ssyncset.done $0x0  }
0x52: {  	[sflag:s11] =	ssyncadd.s32 $0xFFFFD800  }
0x53: {  	[bflag:$0x0] =	sbarrier.arrive $0xFFFF  }
0x54: {  	s30 =	rddreg [dreg:$0x6]  }
0x55: {  	[tilespmem:s12], [sflag:$0x7] =	stream.linear.gather [hbm4b:s30+s4], $0x50, $0x38;
	[tilespmem:$0x1BB00] =	vst v63  }
0x56: {  	s3 =	rddreg [dreg:$0x7]  }
0x57: {  	[tilespmem:s4], [sflag:$0x4] =	stream.linear.gather [hbm4b:s3+s4], $0x50, $0x38;
	[tilespmem:$0x1BB00] =	vst v63  }
0x58: {  	s8 =	rddreg [dreg:$0x8]  }
0x59: {  	[tilespmem:s13], [sflag:$0x8] =	stream.linear.gather [hbm4b:s8+s4], $0x50, $0x38;
	[tilespmem:$0x1BB00] =	vst v63  }
0x5a: {  	s15 =	rddreg [dreg:$0x9]  }
0x5b: {  	[tilespmem:s14], [sflag:$0x5] =	stream.linear.gather [hbm4b:s15+s4], $0x50, $0x38;
	[tilespmem:$0x1BB00] =	vst v63  }
0x5c: {  	_ =	swait.ge [sflag:s16], $0x50  }
0x5d: {  	[sflag:s16] =	ssyncset.done $0x0  }
0x5e: {  	[sflag:s16] =	ssyncadd.s32 $0xFFFFFFB0  }
0x5f: {  	[tilespmem:s9], [sflag:$0x1] =	stream.indirect.gather [hbm4b:s5+s17], $0x80, s4, s17, $0xb8;
	[tilespmem:$0x1BB00] =	vst v63  }
0x60: {  	_ =	swait.ge [sflag:s18], $0x50  }
0x61: {  	[sflag:s18] =	ssyncset.done $0x0  }
0x62: {  	[sflag:s18] =	ssyncadd.s32 $0xFFFFFFB0  }
0x63: {  	[tilespmem:s19], [sflag:$0x2] =	stream.indirect.gather [hbm4b:s5+s17], $0x80, s14, s17, $0xb8;
	[tilespmem:$0x1BB00] =	vst v63  }
0x64: {  	s30 =	rddreg [dreg:$0xa]  }
0x65: {  	[tilespmem:s20], [sflag:$0x9] =	stream.linear.gather [hbm4b:s30+s4], $0x50, $0x38;
	[tilespmem:$0x1BB00] =	vst v63  }
0x66: {  	s3 =	rddreg [dreg:$0xb]  }
0x67: {  	[tilespmem:s21], [sflag:$0x6] =	stream.linear.gather [hbm4b:s3+s4], $0x50, $0x38;
	[tilespmem:$0x1BB00] =	vst v63  }
0x68: {  	_ =	swait.ge [sflag:s22], $0x50  }
0x69: {  	[sflag:s22] =	ssyncset.done $0x0  }
0x6a: {  	[sflag:s22] =	ssyncadd.s32 $0xFFFFFFB0  }
0x6b: {  	[tilespmem:s23], [sflag:$0x3] =	stream.indirect.gather [hbm4b:s5+s17], $0x80, s21, s17, $0xb8;
	[tilespmem:$0x1BB00] =	vst v63  }
0x6c: {  	_ =	swait.ge [sflag:s24], $0x2800  }
0x6d: {  	[sflag:s24] =	ssyncset.done $0x0  }
0x6e: {  	[sflag:s24] =	ssyncadd.s32 $0xFFFFD800  }
0x6f: {  	_ =	swait.ge [sflag:s26], $0x50  }
0x70: {  	[sflag:s26] =	ssyncset.done $0x0  }
0x71: {  	[sflag:s26] =	ssyncadd.s32 $0xFFFFFFB0  }
0x72: {  	[spmem:s2] =	stream.indirect.scatter.add.f32 [tilespmem:s9], [sflag:$0xA], $0x80, s12, s17, $0xb8;
	[tilespmem:$0x1BB00] =	vst v63  }
0x73: {  	_ =	swait.ge [sflag:s10], $0x2800  }
0x74: {  	s8 =	rddreg [dreg:$0x4]  }
0x75: {  	s0 =	sadd.s32 $0x190, s8  }
0x76: {  	s0 =	sadd.s32 $0xFFFFFE70, s0  }
0x77: {  	[sflag:s10] =	ssyncset.done $0x0;
	s0 =	sshrl.u32 s0, $0x3  }
0x78: {  	[sflag:s10] =	ssyncadd.s32 $0xFFFFD800;
	s15 =	sadd.s32 s1, s0  }
0x79: {  	[tilespmem:s12], [sflag:$0x7] =	stream.linear.gather [hbm4b:s15+s4], $0x50, $0x38;
	[tilespmem:$0x1BB00] =	vst v63  }
0x7a: {  	s0 =	sadd.s32 s6, s0  }
0x7b: {  	[tilespmem:s4], [sflag:$0x4] =	stream.linear.gather [hbm4b:s0+s4], $0x50, $0x38;
	[tilespmem:$0x1BB00] =	vst v63  }
0x7c: {  	_ =	swait.ge [sflag:s28], $0x2800  }
0x7d: {  	[sflag:s28] =	ssyncset.done $0x0  }
0x7e: {  	[sflag:s28] =	ssyncadd.s32 $0xFFFFD800  }
0x7f: {  	_ =	swait.ge [sflag:s29], $0x50  }
0x80: {  	[sflag:s29] =	ssyncset.done $0x0  }
0x81: {  	[sflag:s29] =	ssyncadd.s32 $0xFFFFFFB0  }
0x82: {  	[spmem:s2] =	stream.indirect.scatter.add.f32 [tilespmem:s19], [sflag:$0xA], $0x80, s13, s17, $0xb8;
	[tilespmem:$0x1BB00] =	vst v63  }
0x83: {  	_ =	swait.ge [sflag:s10], $0x2800  }
0x84: {  	[sflag:s10] =	ssyncset.done $0x0  }
0x85: {  	s15 =	rddreg [dreg:$0x17];
	[sflag:s10] =	ssyncadd.s32 $0xFFFFD800  }
0x86: {  	[tilespmem:s13], [sflag:$0x8] =	stream.linear.gather [hbm4b:s15+s4], $0x50, $0x38;
	[tilespmem:$0x1BB00] =	vst v63  }
0x87: {  	s8 =	rddreg [dreg:$0x16]  }
0x88: {  	[tilespmem:s14], [sflag:$0x5] =	stream.linear.gather [hbm4b:s8+s4], $0x50, $0x38;
	[tilespmem:$0x1BB00] =	vst v63  }
0x89: {  	_ =	swait.ge [sflag:s16], $0x50  }
0x8a: {  	[sflag:s16] =	ssyncset.done $0x0  }
0x8b: {  	[sflag:s16] =	ssyncadd.s32 $0xFFFFFFB0  }
0x8c: {  	[tilespmem:s9], [sflag:$0x1] =	stream.indirect.gather [hbm4b:s5+s17], $0x80, s4, s17, $0xb8;
	[tilespmem:$0x1BB00] =	vst v63  }
0x8d: {  	_ =	swait.ge [sflag:s11], $0x2800  }
0x8e: {  	[sflag:s11] =	ssyncset.done $0x0  }
0x8f: {  	[sflag:s11] =	ssyncadd.s32 $0xFFFFD800  }
0x90: {  	_ =	swait.ge [sflag:s25], $0x50  }
0x91: {  	p0 =	por $0x0, $0x0;
	s0 =	simm.s32 $0x190;
	[sflag:s25] =	ssyncset.done $0x0  }
0x92: {  	s0 =	simm.s32 @p0 $0x0;
	[sflag:s25] =	ssyncadd.s32 $0xFFFFFFB0  }
0x93: {  	[spmem:s2] =	stream.indirect.scatter.add.f32 [tilespmem:s23], [sflag:$0xA], $0x80, s20, s17, $0xb8;
	[tilespmem:$0x1BB00] =	vst v63  }
0x94: {  	s0 =	sadd.s32 s7, s0;
	_ =	swait.ge [sflag:s10], $0x2800  }
0x95: {  	s0 =	sshrl.u32 s0, $0x3;
	[sflag:s10] =	ssyncset.done $0x0  }
0x96: {  	s30 =	sadd.s32 s1, s0;
	[sflag:s10] =	ssyncadd.s32 $0xFFFFD800  }
0x97: {  	[tilespmem:s20], [sflag:$0x9] =	stream.linear.gather [hbm4b:s30+s4], $0x50, $0x38;
	[tilespmem:$0x1BB00] =	vst v63  }
0x98: {  	s0 =	sadd.s32 s6, s0  }
0x99: {  	[tilespmem:s21], [sflag:$0x6] =	stream.linear.gather [hbm4b:s0+s4], $0x50, $0x38;
	[tilespmem:$0x1BB00] =	vst v63  }
0x9a: {  	s31 =	simm.s32 $0x280;
	_ =	swait.ge [sflag:s18], $0x50  }
0x9b: {  	s3 =	smov.u32 s8;
	s0 =	sadd.s32 $0x1E, s15;
	[sflag:s18] =	ssyncset.done $0x0  }
.LBB2_2:
0x9c: {  	[sflag:s18] =	ssyncadd.s32 $0xFFFFFFB0  }
0x9d: {  	[tilespmem:s19], [sflag:$0x2] =	stream.indirect.gather [hbm4b:s5+s17], $0x80, s14, s17, $0xb8;
	[tilespmem:$0x1BB00] =	vst v63  }
0x9e: {  	_ =	swait.ge [sflag:s22], $0x50  }
0x9f: {  	[sflag:s22] =	ssyncset.done $0x0  }
0xa0: {  	[sflag:s22] =	ssyncadd.s32 $0xFFFFFFB0  }
0xa1: {  	[tilespmem:s23], [sflag:$0x3] =	stream.indirect.gather [hbm4b:s5+s17], $0x80, s21, s17, $0xb8;
	[tilespmem:$0x1BB00] =	vst v63  }
0xa2: {  	_ =	swait.ge [sflag:s24], $0x2800  }
0xa3: {  	[sflag:s24] =	ssyncset.done $0x0  }
0xa4: {  	[sflag:s24] =	ssyncadd.s32 $0xFFFFD800  }
0xa5: {  	_ =	swait.ge [sflag:s26], $0x50  }
0xa6: {  	[sflag:s26] =	ssyncset.done $0x0  }
0xa7: {  	[sflag:s26] =	ssyncadd.s32 $0xFFFFFFB0  }
0xa8: {  	[spmem:s2] =	stream.indirect.scatter.add.f32 [tilespmem:s9], [sflag:$0xA], $0x80, s12, s17, $0xb8;
	[tilespmem:$0x1BB00] =	vst v63  }
0xa9: {  	_ =	swait.ge [sflag:s10], $0x2800  }
0xaa: {  	s8 =	smov.u32 s31;
	s15 =	rddreg [dreg:$0x4]  }
0xab: {  	s15 =	sadd.s32 s8, s15  }
0xac: {  	s15 =	sadd.s32 $0xFFFFFE70, s15  }
0xad: {  	[sflag:s10] =	ssyncset.done $0x0;
	s15 =	sshrl.u32 s15, $0x3  }
0xae: {  	[sflag:s10] =	ssyncadd.s32 $0xFFFFD800;
	s30 =	sadd.s32 s1, s15  }
0xaf: {  	[tilespmem:s12], [sflag:$0x7] =	stream.linear.gather [hbm4b:s30+s4], $0x50, $0x38;
	[tilespmem:$0x1BB00] =	vst v63  }
0xb0: {  	s15 =	sadd.s32 s6, s15  }
0xb1: {  	[tilespmem:s4], [sflag:$0x4] =	stream.linear.gather [hbm4b:s15+s4], $0x50, $0x38;
	[tilespmem:$0x1BB00] =	vst v63  }
0xb2: {  	_ =	swait.ge [sflag:s28], $0x2800  }
0xb3: {  	[sflag:s28] =	ssyncset.done $0x0  }
0xb4: {  	[sflag:s28] =	ssyncadd.s32 $0xFFFFD800  }
0xb5: {  	_ =	swait.ge [sflag:s29], $0x50  }
0xb6: {  	[sflag:s29] =	ssyncset.done $0x0  }
0xb7: {  	[sflag:s29] =	ssyncadd.s32 $0xFFFFFFB0  }
0xb8: {  	[spmem:s2] =	stream.indirect.scatter.add.f32 [tilespmem:s19], [sflag:$0xA], $0x80, s13, s17, $0xb8;
	[tilespmem:$0x1BB00] =	vst v63  }
0xb9: {  	_ =	swait.ge [sflag:s10], $0x2800  }
0xba: {  	[sflag:s10] =	ssyncset.done $0x0  }
0xbb: {  	[sflag:s10] =	ssyncadd.s32 $0xFFFFD800  }
0xbc: {  	[tilespmem:s13], [sflag:$0x8] =	stream.linear.gather [hbm4b:s0+s4], $0x50, $0x38;
	[tilespmem:$0x1BB00] =	vst v63  }
0xbd: {  	s3 =	sadd.s32 $0x1E, s3  }
0xbe: {  	[tilespmem:s14], [sflag:$0x5] =	stream.linear.gather [hbm4b:s3+s4], $0x50, $0x38;
	[tilespmem:$0x1BB00] =	vst v63  }
0xbf: {  	_ =	swait.ge [sflag:s16], $0x50  }
0xc0: {  	[sflag:s16] =	ssyncset.done $0x0  }
0xc1: {  	[sflag:s16] =	ssyncadd.s32 $0xFFFFFFB0  }
0xc2: {  	[tilespmem:s9], [sflag:$0x1] =	stream.indirect.gather [hbm4b:s5+s17], $0x80, s4, s17, $0xb8;
	[tilespmem:$0x1BB00] =	vst v63  }
0xc3: {  	_ =	swait.ge [sflag:s11], $0x2800  }
0xc4: {  	[sflag:s11] =	ssyncset.done $0x0  }
0xc5: {  	[sflag:s11] =	ssyncadd.s32 $0xFFFFD800  }
0xc6: {  	_ =	swait.ge [sflag:s25], $0x50  }
0xc7: {  	p1 =	seq.s32 s8, $0x2710;
	[sflag:s25] =	ssyncset.done $0x0  }
0xc8: {  	s8 =	simm.s32 @p1 $0x0;
	[sflag:s25] =	ssyncadd.s32 $0xFFFFFFB0  }
0xc9: {  	[spmem:s2] =	stream.indirect.scatter.add.f32 [tilespmem:s23], [sflag:$0xA], $0x80, s20, s17, $0xb8;
	[tilespmem:$0x1BB00] =	vst v63  }
0xca: {  	s8 =	sadd.s32 s7, s8;
	_ =	swait.ge [sflag:s10], $0x2800  }
0xcb: {  	s8 =	sshrl.u32 s8, $0x3;
	[sflag:s10] =	ssyncset.done $0x0  }
0xcc: {  	p0 =	sne.s32 s31, $0x2710;
	s30 =	sadd.s32 s1, s8;
	[sflag:s10] =	ssyncadd.s32 $0xFFFFD800  }
0xcd: {  	[tilespmem:s20], [sflag:$0x9] =	stream.linear.gather [hbm4b:s30+s4], $0x50, $0x38;
	[tilespmem:$0x1BB00] =	vst v63  }
.Ltmp0:
0xce: {  	_ = 	snop;
	(pc) =	sbr.rel @p0 .LBB2_2-.Ltmp0, $4  }
0xcf: {  	s8 =	sadd.s32 s6, s8  }
0xd0: {  	[tilespmem:s21], [sflag:$0x6] =	stream.linear.gather [hbm4b:s8+s4], $0x50, $0x38;
	[tilespmem:$0x1BB00] =	vst v63  }
0xd1: {  	_ =	swait.ge [sflag:s18], $0x50  }
0xd2: {  	s31 =	sadd.s32 $0xF0, s31;
	s0 =	sadd.s32 $0x1E, s0;
	[sflag:s18] =	ssyncset.done $0x0  }
0xd3: {  	[sflag:s18] =	ssyncadd.s32 $0xFFFFFFB0  }
0xd4: {  	[tilespmem:s19], [sflag:$0x2] =	stream.indirect.gather [hbm4b:s5+s17], $0x80, s14, s17, $0xb8;
	[tilespmem:$0x1BB00] =	vst v63  }
0xd5: {  	_ =	swait.ge [sflag:s24], $0x2800  }
0xd6: {  	[sflag:s24] =	ssyncset.done $0x0  }
0xd7: {  	[sflag:s24] =	ssyncadd.s32 $0xFFFFD800  }
0xd8: {  	_ =	swait.ge [sflag:s26], $0x50  }
0xd9: {  	[sflag:s26] =	ssyncset.done $0x0  }
0xda: {  	[sflag:s26] =	ssyncadd.s32 $0xFFFFFFB0  }
0xdb: {  	[spmem:s2] =	stream.indirect.scatter.add.f32 [tilespmem:s9], [sflag:$0xA], $0x80, s12, s17, $0xb8;
	[tilespmem:$0x1BB00] =	vst v63  }
0xdc: {  	_ =	swait.ge [sflag:s10], $0x2800  }
0xdd: {  	[sflag:s10] =	ssyncset.done $0x0  }
0xde: {  	[sflag:s10] =	ssyncadd.s32 $0xFFFFD800  }
0xdf: {  	_ =	swait.ge [sflag:s28], $0x2800  }
0xe0: {  	[sflag:s28] =	ssyncset.done $0x0  }
0xe1: {  	[sflag:s28] =	ssyncadd.s32 $0xFFFFD800  }
0xe2: {  	_ =	swait.ge [sflag:s29], $0x50  }
0xe3: {  	[sflag:s29] =	ssyncset.done $0x0  }
0xe4: {  	[sflag:s29] =	ssyncadd.s32 $0xFFFFFFB0  }
0xe5: {  	[spmem:s2] =	stream.indirect.scatter.add.f32 [tilespmem:s19], [sflag:$0xA], $0x80, s13, s17, $0xb8;
	[tilespmem:$0x1BB00] =	vst v63  }
0xe6: {  	_ =	swait.ge [sflag:s10], $0x2800  }
0xe7: {  	[sflag:s10] =	ssyncset.done $0x0  }
0xe8: {  	[sflag:s10] =	ssyncadd.s32 $0xFFFFD800  }
0xe9: {  	_ =	swait.ge [sflag:s22], $0x50  }
0xea: {  	[sflag:s22] =	ssyncset.done $0x0  }
0xeb: {  	[sflag:s22] =	ssyncadd.s32 $0xFFFFFFB0  }
0xec: {  	_ =	swait.ge [sflag:s25], $0x50  }
0xed: {  	[sflag:s25] =	ssyncset.done $0x0  }
0xee: {  	[sflag:s25] =	ssyncadd.s32 $0xFFFFFFB0  }
0xef: {  	[bflag:$0x0] =	sbarrier.arrive $0xFFFF  }
0xf0: {  	s0 =	rddreg [dreg:$0xc]  }
0xf1: {  	[tilespmem:s9], [sflag:$0xA] =	stream.linear.gather [spmem:s0], $0x2800, $0x38;
	[tilespmem:$0x1BB00] =	vst v63  }
0xf2: {  	_ =	swait.ge [sflag:s10], $0x2800  }
0xf3: {  	[sflag:s10] =	ssyncset.done $0x0  }
0xf4: {  	s8 =	rddreg [dreg:$0xe];
	[sflag:s10] =	ssyncadd.s32 $0xFFFFD800  }
0xf5: {  	[hbm4b:s8+s4] =	stream.linear.scatter [tilespmem:s9], [sflag:$0x1], $0x2800, $0x38;
	[tilespmem:$0x1BB00] =	vst v63  }
0xf6: {  	s15 =	rddreg [dreg:$0x18]  }
0xf7: {  	[tilespmem:s19], [sflag:$0xA] =	stream.linear.gather [spmem:s15], $0x2800, $0x38;
	[tilespmem:$0x1BB00] =	vst v63  }
0xf8: {  	_ =	swait.ge [sflag:s10], $0x2800  }
0xf9: {  	[sflag:s10] =	ssyncset.done $0x0  }
0xfa: {  	s3 =	rddreg [dreg:$0xf];
	[sflag:s10] =	ssyncadd.s32 $0xFFFFD800  }
0xfb: {  	[hbm4b:s3+s4] =	stream.linear.scatter [tilespmem:s19], [sflag:$0x2], $0x2800, $0x38;
	[tilespmem:$0x1BB00] =	vst v63  }
0xfc: {  	_ =	swait.ge [sflag:s24], $0x2800  }
0xfd: {  	[sflag:s24] =	ssyncset.done $0x0  }
0xfe: {  	[sflag:s24] =	ssyncadd.s32 $0xFFFFD800  }
0xff: {  	_ =	swait.ge [sflag:s28], $0x2800  }
0x100: {  	[sflag:s28] =	ssyncset.done $0x0  }
0x101: {  	s8 =	rddreg [dreg:$0x19];
	[sflag:s28] =	ssyncadd.s32 $0xFFFFD800  }
0x102: {  	[tilespmem:s9], [sflag:$0xA] =	stream.linear.gather [spmem:s8], $0x2800, $0x38;
	[tilespmem:$0x1BB00] =	vst v63  }
0x103: {  	_ =	swait.ge [sflag:s10], $0x2800  }
0x104: {  	[sflag:s10] =	ssyncset.done $0x0  }
0x105: {  	s15 =	rddreg [dreg:$0x10];
	[sflag:s10] =	ssyncadd.s32 $0xFFFFD800  }
0x106: {  	[hbm4b:s15+s4] =	stream.linear.scatter [tilespmem:s9], [sflag:$0x1], $0x2800, $0x38;
	[tilespmem:$0x1BB00] =	vst v63  }
0x107: {  	s3 =	rddreg [dreg:$0x1a]  }
0x108: {  	[tilespmem:s19], [sflag:$0xA] =	stream.linear.gather [spmem:s3], $0x2800, $0x38;
	[tilespmem:$0x1BB00] =	vst v63  }
0x109: {  	_ =	swait.ge [sflag:s10], $0x2800  }
0x10a: {  	[sflag:s10] =	ssyncset.done $0x0  }
0x10b: {  	s8 =	rddreg [dreg:$0x11];
	[sflag:s10] =	ssyncadd.s32 $0xFFFFD800  }
0x10c: {  	[hbm4b:s8+s4] =	stream.linear.scatter [tilespmem:s19], [sflag:$0x2], $0x2800, $0x38;
	[tilespmem:$0x1BB00] =	vst v63  }
0x10d: {  	_ =	swait.ge [sflag:s24], $0x2800  }
0x10e: {  	[sflag:s24] =	ssyncset.done $0x0  }
0x10f: {  	[sflag:s24] =	ssyncadd.s32 $0xFFFFD800  }
0x110: {  	_ =	swait.ge [sflag:s28], $0x2800  }
0x111: {  	[sflag:s28] =	ssyncset.done $0x0  }
0x112: {  	s31 =	rddreg [dreg:$0x1b];
	[sflag:s28] =	ssyncadd.s32 $0xFFFFD800  }
0x113: {  	[tilespmem:s9], [sflag:$0xA] =	stream.linear.gather [spmem:s31], $0x2800, $0x38;
	[tilespmem:$0x1BB00] =	vst v63  }
0x114: {  	_ =	swait.ge [sflag:s10], $0x2800  }
0x115: {  	[sflag:s10] =	ssyncset.done $0x0  }
0x116: {  	s15 =	rddreg [dreg:$0x12];
	[sflag:s10] =	ssyncadd.s32 $0xFFFFD800  }
0x117: {  	[hbm4b:s15+s4] =	stream.linear.scatter [tilespmem:s9], [sflag:$0x1], $0x2800, $0x38;
	[tilespmem:$0x1BB00] =	vst v63  }
0x118: {  	s15 =	rddreg [dreg:$0x1c]  }
0x119: {  	[tilespmem:s19], [sflag:$0xA] =	stream.linear.gather [spmem:s15], $0x2800, $0x38;
	[tilespmem:$0x1BB00] =	vst v63  }
0x11a: {  	_ =	swait.ge [sflag:s10], $0x2800  }
0x11b: {  	[sflag:s10] =	ssyncset.done $0x0  }
0x11c: {  	s3 =	rddreg [dreg:$0x13];
	[sflag:s10] =	ssyncadd.s32 $0xFFFFD800  }
0x11d: {  	[hbm4b:s3+s4] =	stream.linear.scatter [tilespmem:s19], [sflag:$0x2], $0x2800, $0x38;
	[tilespmem:$0x1BB00] =	vst v63  }
0x11e: {  	_ =	swait.ge [sflag:s24], $0x2800  }
0x11f: {  	[sflag:s24] =	ssyncset.done $0x0  }
0x120: {  	[sflag:s24] =	ssyncadd.s32 $0xFFFFD800  }
0x121: {  	_ =	swait.ge [sflag:s28], $0x2800  }
0x122: {  	[sflag:s28] =	ssyncset.done $0x0  }
0x123: {  	s3 =	rddreg [dreg:$0x1d];
	[sflag:s28] =	ssyncadd.s32 $0xFFFFD800  }
0x124: {  	[tilespmem:s9], [sflag:$0xA] =	stream.linear.gather [spmem:s3], $0x2800, $0x38;
	[tilespmem:$0x1BB00] =	vst v63  }
0x125: {  	_ =	swait.ge [sflag:s10], $0x2800  }
0x126: {  	[sflag:s10] =	ssyncset.done $0x0  }
0x127: {  	s8 =	rddreg [dreg:$0x14];
	[sflag:s10] =	ssyncadd.s32 $0xFFFFD800  }
0x128: {  	[hbm4b:s8+s4] =	stream.linear.scatter [tilespmem:s9], [sflag:$0x1], $0x2800, $0x38;
	[tilespmem:$0x1BB00] =	vst v63  }
0x129: {  	s8 =	rddreg [dreg:$0x1e]  }
0x12a: {  	[tilespmem:s19], [sflag:$0xA] =	stream.linear.gather [spmem:s8], $0x2800, $0x38;
	[tilespmem:$0x1BB00] =	vst v63  }
0x12b: {  	_ =	swait.ge [sflag:s10], $0x2800  }
0x12c: {  	[sflag:s10] =	ssyncset.done $0x0  }
0x12d: {  	s0 =	rddreg [dreg:$0x15];
	[sflag:s10] =	ssyncadd.s32 $0xFFFFD800  }
0x12e: {  	[hbm4b:s0+s4] =	stream.linear.scatter [tilespmem:s19], [sflag:$0x2], $0x2800, $0x38;
	[tilespmem:$0x1BB00] =	vst v63  }
0x12f: {  	_ =	swait.ge [sflag:s24], $0x2800  }
0x130: {  	[sflag:s24] =	ssyncset.done $0x0  }
0x131: {  	[sflag:s24] =	ssyncadd.s32 $0xFFFFD800  }
0x132: {  	_ =	swait.ge [sflag:s28], $0x2800  }
0x133: {  	s30 =	rddreg [dreg:$0x1f]  }
0x134: {  	s0 =	rddreg [dreg:$0xd];
	s30 =	sadd.s32 $0x1, s30  }
0x135: {  	p0 =	sne.s32 s30, s0  }
.Ltmp1:
0x136: {  	_ = 	snop;
	(pc) =	sbr.rel @p0 .LBB2_1-.Ltmp1, $3  }
0x137: {  	_ =	sdelay $0x1  }
0x138: {  	[sflag:s28] =	ssyncset.done $0x0;
	[dreg:$0x1f] =	wrdreg s30  }
0x139: {  	[sflag:s28] =	ssyncadd.s32 $0xFFFFD800;
	s30 =	rddreg [dreg:$0xc]  }
0x13a: {  	_ =	sfence.sel $0x180000  }
0x13b: {  	[bflag:$0x0] =	sbarrier.arrive $0xFFFF  }
0x13c: {  	_ =	strace $0x9000004A  }
0x13d: {  	s0 =	stileid.u32;
	[bflag:$0x2] =	sbarrier.arrive $0xFFFF  }
0x13e: {  	p0 =	sne.s32 s0, $0x0;
	s0 =	rddreg [dreg:$0x3]  }
0x13f: {  	s0 =	sadd.s32 @!p0 $0x100000, s0  }
0x140: {  	[sflag:s0] =	ssyncadd.tile.s32 @!p0 $0x1;
	_ =	shalt  }
.Lfunc_end2:
_tile_overlayer_lowered:
.L_overlay_start_2:
0x141: {  	(tag) =	ssettag $0x2  }
0x142: {  	s0 =	rddreg [dreg:$0x0];
	s2 =	stileid.u32  }
0x143: {  	s1 =	rddreg [dreg:$0x1];
	p0 =	sne.s32 s2, $0x0  }
0x144: {  	s3 =	rddreg [dreg:$0x2];
	[bflag:$0x3] =	sbarrier.arrive $0xFFFF;
	s2 =	simm.s32 @!p0 $0x1C0A  }
0x145: {  	[timem:s3], [sflag:s2] =	dma.local @!p0 [hbm:s0], s1  }
0x146: {  	s0 =	simm.s32 @!p0 $0xA  }
0x147: {  	_ =	swait.ge @!p0 [sflag:s0], s1  }
0x148: {  	s1 =	ssub.s32 @!p0 $0x0, s1;
	[sflag:s0] =	ssyncset.done @!p0 $0x0  }
0x149: {  	[sflag:s0] =	ssyncadd.s32 @!p0 s1  }
0x14a: {  	[bflag:$0x3] =	sbarrier.arrive $0xFFFF  }
0x14b: {  	_ =	shalt  }

</sc_bundles>
